<compile_context>
chip_gen: v7x
topology: tpu7x:2x2x1
jax: 0.10.2.dev20260603
libtpu: 0.0.44.dev20260713+nightly
codegen_flags: <defaults>
</compile_context>

<pallas_src>
import functools

import jax
import jax.numpy as jnp
from jax import lax
from jax.experimental import pallas as pl
from jax.experimental.pallas import tpu as pltpu
from jax.experimental.pallas import tpu_sc as plsc

_EPS = 1e-5
_NC = 2
_NS = 16
_NW = _NC * _NS
_CH = 128


def _bn_relu(y, g, bt):
    m = jnp.mean(y, axis=0, keepdims=True)
    v = jnp.mean((y - m) ** 2, axis=0, keepdims=True)
    return jnp.maximum((y - m) * lax.rsqrt(v + _EPS) * g + bt, 0.0)


def _matT(a, w):
    return lax.dot_general(a, w, (((1,), (1,)), ((), ())),
                           preferred_element_type=jnp.float32)


def _enc_body(x_ref, w_ref, b_ref, g_ref, bt_ref, c_ref, h_ref, hp_ref):
    h = _bn_relu(_matT(x_ref[...], w_ref[...]) + b_ref[...], g_ref[...],
                 bt_ref[...])
    h_ref[...] = h
    hp_ref[...] = jnp.maximum(h + c_ref[...], 0.0)


def _layer_body(h_ref, agg_ref, w_ref, g_ref, bt_ref, c_ref, h_ref_o, hp_ref):
    n = h_ref.shape[0]
    ag = agg_ref[...]
    h = h_ref[...]
    u = h + ag[:n] + ag[n:]
    hn = _bn_relu(_matT(u, w_ref[...]), g_ref[...], bt_ref[...]) + h
    h_ref_o[...] = hn
    hp_ref[...] = jnp.maximum(hn + c_ref[...], 0.0)


def _final_body(h_ref, agg_ref, w_ref, g_ref, bt_ref, batch_ref, w1_ref,
                b1_ref, g1_ref, bt1_ref, w2_ref, b2_ref, out_ref):
    n = h_ref.shape[0]
    g = out_ref.shape[0]
    ag = agg_ref[...]
    h = h_ref[...]
    u = h + ag[:n] + ag[n:]
    hn = _bn_relu(_matT(u, w_ref[...]), g_ref[...], bt_ref[...]) + h
    onehot = (batch_ref[...] == lax.broadcasted_iota(jnp.int32, (n, g), 1)
              ).astype(jnp.float32)
    pooled = lax.dot_general(onehot, hn, (((0,), (0,)), ((), ())),
                             preferred_element_type=jnp.float32,
                             precision=lax.Precision.HIGHEST)
    o = _bn_relu(_matT(pooled, w1_ref[...]) + b1_ref[...], g1_ref[...],
                 bt1_ref[...])
    out_ref[...] = _matT(o, w2_ref[...]) + b2_ref[...]


@functools.lru_cache(maxsize=None)
def _make_edge_agg(n, d, e):
    assert e % _NW == 0 and n % _NS == 0
    epw = e // _NW
    nfull = epw // _CH
    assert nfull % 3 == 0
    tail = epw - nfull * _CH
    assert tail % 8 == 0 and tail <= _CH
    rpt = (n // _NS) // 8 * 8
    rlast = n - (_NS - 1) * rpt
    assert rlast % 8 == 0
    mesh = plsc.VectorSubcoreMesh(core_axis_name="c", subcore_axis_name="s")

    @functools.partial(
        pl.kernel,
        out_type=jax.ShapeDtypeStruct((2 * n, d), jnp.float32),
        mesh=mesh,
        scratch_types=[
            pltpu.VMEM_SHARED((n, d), jnp.float32),
            [pltpu.VMEM((_CH,), jnp.int32)] * 3,
            [pltpu.VMEM((_CH,), jnp.int32)] * 3,
            [pltpu.VMEM((_CH, d), jnp.float32)] * 3,
            pltpu.VMEM((max(tail, 8),), jnp.int32),
            pltpu.VMEM((max(tail, 8),), jnp.int32),
            [pltpu.SemaphoreType.DMA] * 3,
            [pltpu.SemaphoreType.DMA] * 3,
            pltpu.SemaphoreType.DMA,
            pltpu.SemaphoreType.DMA,
        ],
    )
    def edge_agg(hp_hbm, src_hbm, dst_hbm, zero_hbm, out_hbm,
                 acc, srcb, dstb, rows, src_t, dst_t,
                 gsem, ssem, sem_is, sem_id):
        c = lax.axis_index("c")
        s = lax.axis_index("s")
        wid = s * _NC + c
        row0 = pl.multiple_of(s * rpt, 8)
        @pl.when(s < _NS - 1)
        def _():
            pltpu.sync_copy(zero_hbm.at[pl.ds(0, rpt)],
                            acc.at[pl.ds(row0, rpt)])
        @pl.when(s == _NS - 1)
        def _():
            pltpu.sync_copy(zero_hbm, acc.at[pl.ds((_NS - 1) * rpt, rlast)])
        plsc.subcore_barrier()

        base = wid * epw

        def load_src(j, p):
            pltpu.async_copy(src_hbm.at[pl.ds(base + j * _CH, _CH)],
                             srcb[p], sem_is)

        def load_dst(j, p):
            pltpu.async_copy(dst_hbm.at[pl.ds(base + j * _CH, _CH)],
                             dstb[p], sem_id)

        def wait_src(p):
            pltpu.make_async_copy(src_hbm.at[pl.ds(base, _CH)], srcb[p],
                                  sem_is).wait()

        def wait_dst(p):
            pltpu.make_async_copy(dst_hbm.at[pl.ds(base, _CH)], dstb[p],
                                  sem_id).wait()

        def wait_scatter(p):
            pltpu.make_async_copy(rows[p], acc.at[dstb[p]], ssem[p]).wait()

        load_src(0, 0)
        wait_src(0)
        pltpu.async_copy(hp_hbm.at[srcb[0]], rows[0], gsem[0])
        load_src(1, 1)
        load_dst(0, 0)

        def group(i, carry):
            for u in range(3):
                p, p1, p2 = u, (u + 1) % 3, (u + 2) % 3
                j = 3 * i + u
                pltpu.make_async_copy(hp_hbm.at[srcb[p]], rows[p],
                                      gsem[p]).wait()
                wait_dst(p)
                pltpu.make_async_copy(rows[p], acc.at[dstb[p]],
                                      ssem[p]).start(add=True)
                @pl.when(j >= 2)
                def _():
                    wait_scatter(p1)
                @pl.when(j + 1 < nfull)
                def _():
                    load_dst(j + 1, p1)
                    wait_src(p1)
                    pltpu.async_copy(hp_hbm.at[srcb[p1]], rows[p1], gsem[p1])
                @pl.when(j + 2 < nfull)
                def _():
                    load_src(j + 2, p2)
            return carry

        lax.fori_loop(0, nfull // 3, group, 0)
        wait_scatter((nfull - 2) % 3)
        wait_scatter((nfull - 1) % 3)
        if tail:
            ot = base + nfull * _CH
            pltpu.sync_copy(src_hbm.at[pl.ds(ot, tail)], src_t)
            gt = pltpu.async_copy(hp_hbm.at[src_t],
                                  rows[0].at[pl.ds(0, tail)], gsem[0])
            pltpu.sync_copy(dst_hbm.at[pl.ds(ot, tail)], dst_t)
            gt.wait()
            pltpu.sync_copy(rows[0].at[pl.ds(0, tail)], acc.at[dst_t],
                            add=True)
        plsc.subcore_barrier()
        ob = pl.multiple_of(c * n + row0, 8)
        @pl.when(s < _NS - 1)
        def _():
            pltpu.sync_copy(acc.at[pl.ds(row0, rpt)],
                            out_hbm.at[pl.ds(ob, rpt)])
        @pl.when(s == _NS - 1)
        def _():
            pltpu.sync_copy(acc.at[pl.ds((_NS - 1) * rpt, rlast)],
                            out_hbm.at[pl.ds(c * n + (_NS - 1) * rpt, rlast)])

    return edge_agg


def kernel(x, edge_index, batch, W_in, b_in, g_in, bt_in, We, be, ge, bte,
           Wc, gn, btn, W1, b1, g1, bt1, W2, b2):
    n, d = x.shape
    e = edge_index.shape[1]
    nlayers = Wc.shape[0]
    g = 64
    row = lambda v: v.reshape(1, d)

    src = edge_index[0]
    dst = edge_index[1]
    cs = jnp.maximum(bte, 0.0)
    rpt = (n // _NS) // 8 * 8
    zrows = jnp.zeros((n - (_NS - 1) * rpt, d), jnp.float32)

    sds = jax.ShapeDtypeStruct
    two_nd = [sds((n, d), jnp.float32), sds((n, d), jnp.float32)]
    h, hp = pl.pallas_call(_enc_body, out_shape=two_nd)(
        x, W_in, row(b_in), row(g_in), row(bt_in), row(cs[0]))

    edge_agg = _make_edge_agg(n, d, e)
    for i in range(nlayers):
        aggp = edge_agg(hp, src, dst, zrows)
        if i + 1 < nlayers:
            h, hp = pl.pallas_call(_layer_body, out_shape=two_nd)(
                h, aggp, Wc[i], row(gn[i]), row(btn[i]), row(cs[i + 1]))
        else:
            out = pl.pallas_call(
                _final_body, out_shape=sds((g, d), jnp.float32))(
                    h, aggp, Wc[i], row(gn[i]), row(btn[i]),
                    batch.reshape(n, 1), W1, row(b1), row(g1), row(bt1),
                    W2, row(b2))
    return out

# --- scband reference (transcript-rebuilt; emitter-appended) ---
"""Pipeline reference for scband-gnn-edge-16793322128023 (READ-ONLY COPY).

The authoritative reference and input builder live on the scoring server;
editing this copy changes nothing except your own understanding.
"""

import jax, jax.numpy as jnp
import numpy as np

N = 10000
E = 320000
D = 128
L = 3
G = 64

def _bn(x, g, b, eps=1e-5):
    m = jnp.mean(x, axis=0)
    v = jnp.var(x, axis=0)
    return (x - m) / jnp.sqrt(v + eps) * g + b

def setup_inputs(seed: int = 0):
    key = jax.random.key(seed)
    ks = jax.random.split(key, 16)
    s = 1.0 / np.sqrt(D)
    inp = {}
    inp["x"] = jax.random.normal(ks[0], (N, D), dtype=jnp.float32)
    inp["edge_index"] = jax.random.randint(ks[1], (2, E), 0, N, dtype=jnp.int32)
    inp["batch"] = jnp.sort(jax.random.randint(ks[2], (N,), 0, G, dtype=jnp.int32))
    inp["W_in"] = jax.random.normal(ks[3], (D, D), dtype=jnp.float32) * s
    inp["b_in"] = jax.random.normal(ks[4], (D,), dtype=jnp.float32) * 0.05
    inp["g_in"] = jnp.ones((D,), dtype=jnp.float32)
    inp["bt_in"] = jnp.zeros((D,), dtype=jnp.float32)
    inp["We"] = jax.random.normal(ks[5], (L, D, 1), dtype=jnp.float32)
    inp["be"] = jax.random.normal(ks[6], (L, D), dtype=jnp.float32) * 0.05
    inp["ge"] = jnp.ones((L, D), dtype=jnp.float32)
    inp["bte"] = jax.random.normal(ks[7], (L, D), dtype=jnp.float32) * 0.05
    inp["Wc"] = jax.random.normal(ks[8], (L, D, D), dtype=jnp.float32) * s
    inp["gn"] = jnp.ones((L, D), dtype=jnp.float32)
    inp["btn"] = jnp.zeros((L, D), dtype=jnp.float32)
    inp["W1"] = jax.random.normal(ks[9], (D, D), dtype=jnp.float32) * s
    inp["b1"] = jax.random.normal(ks[10], (D,), dtype=jnp.float32) * 0.05
    inp["g1"] = jnp.ones((D,), dtype=jnp.float32)
    inp["bt1"] = jnp.zeros((D,), dtype=jnp.float32)
    inp["W2"] = jax.random.normal(ks[11], (D, D), dtype=jnp.float32) * s
    inp["b2"] = jax.random.normal(ks[12], (D,), dtype=jnp.float32) * 0.05
    return inp

def reference(x, edge_index, batch, W_in, b_in, g_in, bt_in, We, be, ge, bte, Wc, gn, btn, W1, b1, g1, bt1, W2, b2):
    src = edge_index[0]
    dst = edge_index[1]
    # input encoder: MLP(nfeat_node, nhid, nlayer=1) = Linear -> BN -> ReLU
    h = jax.nn.relu(_bn(x @ W_in.T + b_in, g_in, bt_in))
    prev = h
    # ori_edge_attr = zeros([E]) -> .float().view(-1, 1)
    ez = jnp.zeros((E, 1), dtype=jnp.float32)
    for i in range(L):
        # edge encoder: MLP(1, nhid, nlayer=1)
        ea = jax.nn.relu(_bn(ez @ We[i].T + be[i], ge[i], bte[i]))
        # GINEConv-style: sum_j relu(x_j + e_ij), then (x + agg) @ W (bias=False since bn)
        msg = jax.nn.relu(h[src] + ea)
        agg = jax.ops.segment_sum(msg, dst, num_segments=N)
        h = (h + agg) @ Wc[i].T
        h = jax.nn.relu(_bn(h, gn[i], btn[i]))
        # dropout p=0 is a no-op; residual
        h = h + prev
        prev = h
    # pooling='add'
    pooled = jax.ops.segment_sum(h, batch, num_segments=G)
    # output encoder: MLP(nhid, nout, nlayer=2, final act off, with norm)
    o = jax.nn.relu(_bn(pooled @ W1.T + b1, g1, bt1))
    return o @ W2.T + b2

if __name__ == "__main__":
    import jax
    _d = setup_inputs()
    print(jax.jit(kernel)(*tuple(_d.values())))

</pallas_src>

<mosaic_0001>
#map = affine_map<(d0, d1) -> (0, 0)>
#map1 = affine_map<(d0, d1) -> (0)>
module attributes {stable_mosaic.version = 14 : i64} {
  func.func @edge_agg(%arg0: i32, %arg1: i32, %arg2: memref<10000x128xf32, #tpu.memory_space<hbm>>, %arg3: memref<320000xi32, #tpu.memory_space<hbm>>, %arg4: memref<320000xi32, #tpu.memory_space<hbm>>, %arg5: memref<640x128xf32, #tpu.memory_space<hbm>>, %arg6: memref<20000x128xf32, #tpu.memory_space<hbm>>, %arg7: memref<10000x128xf32, #tpu.memory_space<vmem_shared>>, %arg8: memref<128xi32, #tpu.memory_space<vmem>>, %arg9: memref<128xi32, #tpu.memory_space<vmem>>, %arg10: memref<128xi32, #tpu.memory_space<vmem>>, %arg11: memref<128xi32, #tpu.memory_space<vmem>>, %arg12: memref<128xi32, #tpu.memory_space<vmem>>, %arg13: memref<128xi32, #tpu.memory_space<vmem>>, %arg14: memref<128x128xf32, #tpu.memory_space<vmem>>, %arg15: memref<128x128xf32, #tpu.memory_space<vmem>>, %arg16: memref<128x128xf32, #tpu.memory_space<vmem>>, %arg17: memref<16xi32, #tpu.memory_space<vmem>>, %arg18: memref<16xi32, #tpu.memory_space<vmem>>, %arg19: memref<!tpu.dma_semaphore, #tpu.memory_space<semaphore_mem>>, %arg20: memref<!tpu.dma_semaphore, #tpu.memory_space<semaphore_mem>>, %arg21: memref<!tpu.dma_semaphore, #tpu.memory_space<semaphore_mem>>, %arg22: memref<!tpu.dma_semaphore, #tpu.memory_space<semaphore_mem>>, %arg23: memref<!tpu.dma_semaphore, #tpu.memory_space<semaphore_mem>>, %arg24: memref<!tpu.dma_semaphore, #tpu.memory_space<semaphore_mem>>, %arg25: memref<!tpu.dma_semaphore, #tpu.memory_space<semaphore_mem>>, %arg26: memref<!tpu.dma_semaphore, #tpu.memory_space<semaphore_mem>>) attributes {dimension_semantics = [#tpu.dimension_semantics<core_parallel>, #tpu.dimension_semantics<subcore_parallel>], iteration_bounds = array<i64: 2, 16>, scalar_prefetch = 0 : i64, scratch_operands = 20 : i64, tpu.core_type = #tpu.core_type<sc_vector_subcore>, window_params = [{transform_indices = #map}, {transform_indices = #map1}, {transform_indices = #map1}, {transform_indices = #map}, {transform_indices = #map}]} {
    %mul3A = arith.constant 2 : i32
    %mul3A_0 = arith.muli %arg1, %mul3A : i32
    %add3A = arith.addi %mul3A_0, %arg0 : i32
    %mul3A_1 = arith.constant 624 : i32
    %mul3A_2 = arith.muli %arg1, %mul3A_1 : i32
    %multiple_of3A = tpu.assume_multiple %mul3A_2, 8 : i32
    %lt3A = arith.constant 15 : i32
    %lt3A_3 = arith.cmpi slt, %arg1, %lt3A : i32
    %convert_element_type3A = arith.extui %lt3A_3 : i1 to i32
    %cond3A = arith.constant 0 : i32
    %cond3A_4 = arith.cmpi ne, %convert_element_type3A, %cond3A : i32
    scf.if %cond3A_4 {
      "tpu.region"() ({
        %run_scoped3A = tpu.sem_alloc : memref<!tpu.dma_semaphore, #tpu.memory_space<semaphore_mem>>
        %dma_start3A_66 = arith.constant 0 : i32
        %dma_start3A_67 = tpu.memref_slice %arg7[%multiple_of3A, %dma_start3A_66] : memref<10000x128xf32, #tpu.memory_space<vmem_shared>> -> memref<624x128xf32, #tpu.memory_space<vmem_shared>>
        %dma_start3A_68 = arith.constant 0 : i32
        %dma_start3A_69 = arith.constant 0 : i32
        %dma_start3A_70 = tpu.memref_slice %arg5[%dma_start3A_68, %dma_start3A_69] : memref<640x128xf32, #tpu.memory_space<hbm>> -> memref<624x128xf32, #tpu.memory_space<hbm>>
        tpu.enqueue_dma source(%dma_start3A_70 : memref<624x128xf32, #tpu.memory_space<hbm>>) target(%dma_start3A_67 : memref<624x128xf32, #tpu.memory_space<vmem_shared>>) target_semaphore(%run_scoped3A : memref<!tpu.dma_semaphore, #tpu.memory_space<semaphore_mem>>)
        %dma_wait3A_71 = arith.constant 0 : i32
        %dma_wait3A_72 = tpu.memref_slice %arg7[%multiple_of3A, %dma_wait3A_71] : memref<10000x128xf32, #tpu.memory_space<vmem_shared>> -> memref<624x128xf32, #tpu.memory_space<vmem_shared>>
        %dma_wait3A_73 = arith.constant 0 : i32
        %dma_wait3A_74 = arith.constant 0 : i32
        %dma_wait3A_75 = tpu.memref_slice %arg5[%dma_wait3A_73, %dma_wait3A_74] : memref<640x128xf32, #tpu.memory_space<hbm>> -> memref<624x128xf32, #tpu.memory_space<hbm>>
        tpu.wait_dma2 semaphore(%run_scoped3A : memref<!tpu.dma_semaphore, #tpu.memory_space<semaphore_mem>>) src(%dma_wait3A_75 : memref<624x128xf32, #tpu.memory_space<hbm>>) dst(%dma_wait3A_72 : memref<624x128xf32, #tpu.memory_space<vmem_shared>>)
        tpu.yield
      }) : () -> ()
    } else {
    }
    %eq3A = arith.constant 15 : i32
    %eq3A_5 = arith.cmpi eq, %arg1, %eq3A : i32
    %convert_element_type3A_6 = arith.extui %eq3A_5 : i1 to i32
    %cond3A_7 = arith.constant 0 : i32
    %cond3A_8 = arith.cmpi ne, %convert_element_type3A_6, %cond3A_7 : i32
    scf.if %cond3A_8 {
      "tpu.region"() ({
        %run_scoped3A = tpu.sem_alloc : memref<!tpu.dma_semaphore, #tpu.memory_space<semaphore_mem>>
        %dma_start3A_66 = arith.constant 9360 : i32
        %dma_start3A_67 = arith.constant 0 : i32
        %dma_start3A_68 = tpu.memref_slice %arg7[%dma_start3A_66, %dma_start3A_67] : memref<10000x128xf32, #tpu.memory_space<vmem_shared>> -> memref<640x128xf32, #tpu.memory_space<vmem_shared>>
        tpu.enqueue_dma source(%arg5 : memref<640x128xf32, #tpu.memory_space<hbm>>) target(%dma_start3A_68 : memref<640x128xf32, #tpu.memory_space<vmem_shared>>) target_semaphore(%run_scoped3A : memref<!tpu.dma_semaphore, #tpu.memory_space<semaphore_mem>>)
        %dma_wait3A_69 = arith.constant 9360 : i32
        %dma_wait3A_70 = arith.constant 0 : i32
        %dma_wait3A_71 = tpu.memref_slice %arg7[%dma_wait3A_69, %dma_wait3A_70] : memref<10000x128xf32, #tpu.memory_space<vmem_shared>> -> memref<640x128xf32, #tpu.memory_space<vmem_shared>>
        tpu.wait_dma2 semaphore(%run_scoped3A : memref<!tpu.dma_semaphore, #tpu.memory_space<semaphore_mem>>) src(%arg5 : memref<640x128xf32, #tpu.memory_space<hbm>>) dst(%dma_wait3A_71 : memref<640x128xf32, #tpu.memory_space<vmem_shared>>)
        tpu.yield
      }) : () -> ()
    } else {
    }
    %barrier3A = arith.constant 0 : index
    tpu.barrier barrier_id(%barrier3A)
    %mul3A_9 = arith.constant 10000 : i32
    %mul3A_10 = arith.muli %add3A, %mul3A_9 : i32
    %add3A_11 = arith.constant 0 : i32
    %add3A_12 = arith.addi %mul3A_10, %add3A_11 : i32
    %dma_start3A = tpu.memref_slice %arg3[%add3A_12] : memref<320000xi32, #tpu.memory_space<hbm>> -> memref<128xi32, #tpu.memory_space<hbm>>
    %dma_start3A_13 = tpu.memref_slice %arg3[%add3A_12] : memref<320000xi32, #tpu.memory_space<hbm>> -> memref<128xi32, #tpu.memory_space<hbm>>
    tpu.enqueue_dma source(%dma_start3A_13 : memref<128xi32, #tpu.memory_space<hbm>>) target(%arg8 : memref<128xi32, #tpu.memory_space<vmem>>) target_semaphore(%arg25 : memref<!tpu.dma_semaphore, #tpu.memory_space<semaphore_mem>>)
    %dma_wait3A = tpu.memref_slice %arg3[%mul3A_10] : memref<320000xi32, #tpu.memory_space<hbm>> -> memref<128xi32, #tpu.memory_space<hbm>>
    %dma_wait3A_14 = tpu.memref_slice %arg3[%mul3A_10] : memref<320000xi32, #tpu.memory_space<hbm>> -> memref<128xi32, #tpu.memory_space<hbm>>
    tpu.wait_dma2 semaphore(%arg25 : memref<!tpu.dma_semaphore, #tpu.memory_space<semaphore_mem>>) src(%dma_wait3A_14 : memref<128xi32, #tpu.memory_space<hbm>>) dst(%arg8 : memref<128xi32, #tpu.memory_space<vmem>>)
    %dma_start3A_15 = arith.constant 0 : i32
    %dma_start3A_16 = arith.constant 0 : i32
    %dma_start3A_17 = tpu.memref_slice %arg2[%dma_start3A_15, %dma_start3A_16] : memref<10000x128xf32, #tpu.memory_space<hbm>> -> memref<10000x128xf32, #tpu.memory_space<hbm>>
    tpu.enqueue_indirect_dma source(%dma_start3A_17 : memref<10000x128xf32, #tpu.memory_space<hbm>>) target(%arg14 : memref<128x128xf32, #tpu.memory_space<vmem>>) offsets(%arg8 : memref<128xi32, #tpu.memory_space<vmem>>) semaphore(%arg19 : memref<!tpu.dma_semaphore, #tpu.memory_space<semaphore_mem>>)
    %add3A_18 = arith.constant 128 : i32
    %add3A_19 = arith.addi %mul3A_10, %add3A_18 : i32
    %dma_start3A_20 = tpu.memref_slice %arg3[%add3A_19] : memref<320000xi32, #tpu.memory_space<hbm>> -> memref<128xi32, #tpu.memory_space<hbm>>
    %dma_start3A_21 = tpu.memref_slice %arg3[%add3A_19] : memref<320000xi32, #tpu.memory_space<hbm>> -> memref<128xi32, #tpu.memory_space<hbm>>
    tpu.enqueue_dma source(%dma_start3A_21 : memref<128xi32, #tpu.memory_space<hbm>>) target(%arg9 : memref<128xi32, #tpu.memory_space<vmem>>) target_semaphore(%arg25 : memref<!tpu.dma_semaphore, #tpu.memory_space<semaphore_mem>>)
    %add3A_22 = arith.constant 0 : i32
    %add3A_23 = arith.addi %mul3A_10, %add3A_22 : i32
    %dma_start3A_24 = tpu.memref_slice %arg4[%add3A_23] : memref<320000xi32, #tpu.memory_space<hbm>> -> memref<128xi32, #tpu.memory_space<hbm>>
    %dma_start3A_25 = tpu.memref_slice %arg4[%add3A_23] : memref<320000xi32, #tpu.memory_space<hbm>> -> memref<128xi32, #tpu.memory_space<hbm>>
    tpu.enqueue_dma source(%dma_start3A_25 : memref<128xi32, #tpu.memory_space<hbm>>) target(%arg11 : memref<128xi32, #tpu.memory_space<vmem>>) target_semaphore(%arg26 : memref<!tpu.dma_semaphore, #tpu.memory_space<semaphore_mem>>)
    %scan3A = arith.constant 0 : i32
    %scan3A_26 = arith.constant 0 : i32
    %scan3A_27 = arith.constant 26 : i32
    %scan3A_28 = arith.addi %scan3A_26, %scan3A_27 : i32
    %scan3A_29 = arith.constant 1 : i32
    scf.for %scan3A_66 = %scan3A_26 to %scan3A_28 step %scan3A_29  : i32 {
      %mul3A_67 = arith.constant 3 : i32
      %mul3A_68 = arith.muli %mul3A_67, %scan3A_66 : i32
      %add3A_69 = arith.constant 0 : i32
      %add3A_70 = arith.addi %mul3A_68, %add3A_69 : i32
      %dma_wait3A_71 = arith.constant 0 : i32
      %dma_wait3A_72 = arith.constant 0 : i32
      %dma_wait3A_73 = tpu.memref_slice %arg2[%dma_wait3A_71, %dma_wait3A_72] : memref<10000x128xf32, #tpu.memory_space<hbm>> -> memref<10000x128xf32, #tpu.memory_space<hbm>>
      tpu.wait_indirect_dma semaphore(%arg19 : memref<!tpu.dma_semaphore, #tpu.memory_space<semaphore_mem>>) src(%dma_wait3A_73 : memref<10000x128xf32, #tpu.memory_space<hbm>>) dst(%arg14 : memref<128x128xf32, #tpu.memory_space<vmem>>)
      %dma_wait3A_74 = tpu.memref_slice %arg4[%mul3A_10] : memref<320000xi32, #tpu.memory_space<hbm>> -> memref<128xi32, #tpu.memory_space<hbm>>
      %dma_wait3A_75 = tpu.memref_slice %arg4[%mul3A_10] : memref<320000xi32, #tpu.memory_space<hbm>> -> memref<128xi32, #tpu.memory_space<hbm>>
      tpu.wait_dma2 semaphore(%arg26 : memref<!tpu.dma_semaphore, #tpu.memory_space<semaphore_mem>>) src(%dma_wait3A_75 : memref<128xi32, #tpu.memory_space<hbm>>) dst(%arg11 : memref<128xi32, #tpu.memory_space<vmem>>)
      %dma_start3A_76 = arith.constant 0 : i32
      %dma_start3A_77 = arith.constant 0 : i32
      %dma_start3A_78 = tpu.memref_slice %arg7[%dma_start3A_76, %dma_start3A_77] : memref<10000x128xf32, #tpu.memory_space<vmem_shared>> -> memref<10000x128xf32, #tpu.memory_space<vmem_shared>>
      tpu.enqueue_indirect_dma source(%arg14 : memref<128x128xf32, #tpu.memory_space<vmem>>) target(%dma_start3A_78 : memref<10000x128xf32, #tpu.memory_space<vmem_shared>>) offsets(%arg11 : memref<128xi32, #tpu.memory_space<vmem>>) semaphore(%arg22 : memref<!tpu.dma_semaphore, #tpu.memory_space<semaphore_mem>>) {add = true}
      %ge3A = arith.constant 2 : i32
      %ge3A_79 = arith.cmpi sge, %add3A_70, %ge3A : i32
      %convert_element_type3A_80 = arith.extui %ge3A_79 : i1 to i32
      %cond3A_81 = arith.constant 0 : i32
      %cond3A_82 = arith.cmpi ne, %convert_element_type3A_80, %cond3A_81 : i32
      scf.if %cond3A_82 {
        %dma_wait3A_159 = arith.constant 0 : i32
        %dma_wait3A_160 = arith.constant 0 : i32
        %dma_wait3A_161 = tpu.memref_slice %arg7[%dma_wait3A_159, %dma_wait3A_160] : memref<10000x128xf32, #tpu.memory_space<vmem_shared>> -> memref<10000x128xf32, #tpu.memory_space<vmem_shared>>
        tpu.wait_indirect_dma semaphore(%arg23 : memref<!tpu.dma_semaphore, #tpu.memory_space<semaphore_mem>>) src(%arg15 : memref<128x128xf32, #tpu.memory_space<vmem>>) dst(%dma_wait3A_161 : memref<10000x128xf32, #tpu.memory_space<vmem_shared>>)
      } else {
      }
      %add3A_83 = arith.constant 1 : i32
      %add3A_84 = arith.addi %add3A_70, %add3A_83 : i32
      %lt3A_85 = arith.constant 78 : i32
      %lt3A_86 = arith.cmpi slt, %add3A_84, %lt3A_85 : i32
      %convert_element_type3A_87 = arith.extui %lt3A_86 : i1 to i32
      %cond3A_88 = arith.constant 0 : i32
      %cond3A_89 = arith.cmpi ne, %convert_element_type3A_87, %cond3A_88 : i32
      scf.if %cond3A_89 {
        %add3A_159 = arith.constant 1 : i32
        %add3A_160 = arith.addi %add3A_70, %add3A_159 : i32
        %mul3A_161 = arith.constant 128 : i32
        %mul3A_162 = arith.muli %add3A_160, %mul3A_161 : i32
        %add3A_163 = arith.addi %mul3A_10, %mul3A_162 : i32
        %dma_start3A_164 = tpu.memref_slice %arg4[%add3A_163] : memref<320000xi32, #tpu.memory_space<hbm>> -> memref<128xi32, #tpu.memory_space<hbm>>
        %dma_start3A_165 = tpu.memref_slice %arg4[%add3A_163] : memref<320000xi32, #tpu.memory_space<hbm>> -> memref<128xi32, #tpu.memory_space<hbm>>
        tpu.enqueue_dma source(%dma_start3A_165 : memref<128xi32, #tpu.memory_space<hbm>>) target(%arg12 : memref<128xi32, #tpu.memory_space<vmem>>) target_semaphore(%arg26 : memref<!tpu.dma_semaphore, #tpu.memory_space<semaphore_mem>>)
        %dma_wait3A_166 = tpu.memref_slice %arg3[%mul3A_10] : memref<320000xi32, #tpu.memory_space<hbm>> -> memref<128xi32, #tpu.memory_space<hbm>>
        %dma_wait3A_167 = tpu.memref_slice %arg3[%mul3A_10] : memref<320000xi32, #tpu.memory_space<hbm>> -> memref<128xi32, #tpu.memory_space<hbm>>
        tpu.wait_dma2 semaphore(%arg25 : memref<!tpu.dma_semaphore, #tpu.memory_space<semaphore_mem>>) src(%dma_wait3A_167 : memref<128xi32, #tpu.memory_space<hbm>>) dst(%arg9 : memref<128xi32, #tpu.memory_space<vmem>>)
        %dma_start3A_168 = arith.constant 0 : i32
        %dma_start3A_169 = arith.constant 0 : i32
        %dma_start3A_170 = tpu.memref_slice %arg2[%dma_start3A_168, %dma_start3A_169] : memref<10000x128xf32, #tpu.memory_space<hbm>> -> memref<10000x128xf32, #tpu.memory_space<hbm>>
        tpu.enqueue_indirect_dma source(%dma_start3A_170 : memref<10000x128xf32, #tpu.memory_space<hbm>>) target(%arg15 : memref<128x128xf32, #tpu.memory_space<vmem>>) offsets(%arg9 : memref<128xi32, #tpu.memory_space<vmem>>) semaphore(%arg20 : memref<!tpu.dma_semaphore, #tpu.memory_space<semaphore_mem>>)
      } else {
      }
      %add3A_90 = arith.constant 2 : i32
      %add3A_91 = arith.addi %add3A_70, %add3A_90 : i32
      %lt3A_92 = arith.constant 78 : i32
      %lt3A_93 = arith.cmpi slt, %add3A_91, %lt3A_92 : i32
      %convert_element_type3A_94 = arith.extui %lt3A_93 : i1 to i32
      %cond3A_95 = arith.constant 0 : i32
      %cond3A_96 = arith.cmpi ne, %convert_element_type3A_94, %cond3A_95 : i32
      scf.if %cond3A_96 {
        %add3A_159 = arith.constant 2 : i32
        %add3A_160 = arith.addi %add3A_70, %add3A_159 : i32
        %mul3A_161 = arith.constant 128 : i32
        %mul3A_162 = arith.muli %add3A_160, %mul3A_161 : i32
        %add3A_163 = arith.addi %mul3A_10, %mul3A_162 : i32
        %dma_start3A_164 = tpu.memref_slice %arg3[%add3A_163] : memref<320000xi32, #tpu.memory_space<hbm>> -> memref<128xi32, #tpu.memory_space<hbm>>
        %dma_start3A_165 = tpu.memref_slice %arg3[%add3A_163] : memref<320000xi32, #tpu.memory_space<hbm>> -> memref<128xi32, #tpu.memory_space<hbm>>
        tpu.enqueue_dma source(%dma_start3A_165 : memref<128xi32, #tpu.memory_space<hbm>>) target(%arg10 : memref<128xi32, #tpu.memory_space<vmem>>) target_semaphore(%arg25 : memref<!tpu.dma_semaphore, #tpu.memory_space<semaphore_mem>>)
      } else {
      }
      %mul3A_97 = arith.constant 3 : i32
      %mul3A_98 = arith.muli %mul3A_97, %scan3A_66 : i32
      %add3A_99 = arith.constant 1 : i32
      %add3A_100 = arith.addi %mul3A_98, %add3A_99 : i32
      %dma_wait3A_101 = arith.constant 0 : i32
      %dma_wait3A_102 = arith.constant 0 : i32
      %dma_wait3A_103 = tpu.memref_slice %arg2[%dma_wait3A_101, %dma_wait3A_102] : memref<10000x128xf32, #tpu.memory_space<hbm>> -> memref<10000x128xf32, #tpu.memory_space<hbm>>
      tpu.wait_indirect_dma semaphore(%arg20 : memref<!tpu.dma_semaphore, #tpu.memory_space<semaphore_mem>>) src(%dma_wait3A_103 : memref<10000x128xf32, #tpu.memory_space<hbm>>) dst(%arg15 : memref<128x128xf32, #tpu.memory_space<vmem>>)
      %dma_wait3A_104 = tpu.memref_slice %arg4[%mul3A_10] : memref<320000xi32, #tpu.memory_space<hbm>> -> memref<128xi32, #tpu.memory_space<hbm>>
      %dma_wait3A_105 = tpu.memref_slice %arg4[%mul3A_10] : memref<320000xi32, #tpu.memory_space<hbm>> -> memref<128xi32, #tpu.memory_space<hbm>>
      tpu.wait_dma2 semaphore(%arg26 : memref<!tpu.dma_semaphore, #tpu.memory_space<semaphore_mem>>) src(%dma_wait3A_105 : memref<128xi32, #tpu.memory_space<hbm>>) dst(%arg12 : memref<128xi32, #tpu.memory_space<vmem>>)
      %dma_start3A_106 = arith.constant 0 : i32
      %dma_start3A_107 = arith.constant 0 : i32
      %dma_start3A_108 = tpu.memref_slice %arg7[%dma_start3A_106, %dma_start3A_107] : memref<10000x128xf32, #tpu.memory_space<vmem_shared>> -> memref<10000x128xf32, #tpu.memory_space<vmem_shared>>
      tpu.enqueue_indirect_dma source(%arg15 : memref<128x128xf32, #tpu.memory_space<vmem>>) target(%dma_start3A_108 : memref<10000x128xf32, #tpu.memory_space<vmem_shared>>) offsets(%arg12 : memref<128xi32, #tpu.memory_space<vmem>>) semaphore(%arg23 : memref<!tpu.dma_semaphore, #tpu.memory_space<semaphore_mem>>) {add = true}
      %ge3A_109 = arith.constant 2 : i32
      %ge3A_110 = arith.cmpi sge, %add3A_100, %ge3A_109 : i32
      %convert_element_type3A_111 = arith.extui %ge3A_110 : i1 to i32
      %cond3A_112 = arith.constant 0 : i32
      %cond3A_113 = arith.cmpi ne, %convert_element_type3A_111, %cond3A_112 : i32
      scf.if %cond3A_113 {
        %dma_wait3A_159 = arith.constant 0 : i32
        %dma_wait3A_160 = arith.constant 0 : i32
        %dma_wait3A_161 = tpu.memref_slice %arg7[%dma_wait3A_159, %dma_wait3A_160] : memref<10000x128xf32, #tpu.memory_space<vmem_shared>> -> memref<10000x128xf32, #tpu.memory_space<vmem_shared>>
        tpu.wait_indirect_dma semaphore(%arg24 : memref<!tpu.dma_semaphore, #tpu.memory_space<semaphore_mem>>) src(%arg16 : memref<128x128xf32, #tpu.memory_space<vmem>>) dst(%dma_wait3A_161 : memref<10000x128xf32, #tpu.memory_space<vmem_shared>>)
      } else {
      }
      %add3A_114 = arith.constant 1 : i32
      %add3A_115 = arith.addi %add3A_100, %add3A_114 : i32
      %lt3A_116 = arith.constant 78 : i32
      %lt3A_117 = arith.cmpi slt, %add3A_115, %lt3A_116 : i32
      %convert_element_type3A_118 = arith.extui %lt3A_117 : i1 to i32
      %cond3A_119 = arith.constant 0 : i32
      %cond3A_120 = arith.cmpi ne, %convert_element_type3A_118, %cond3A_119 : i32
      scf.if %cond3A_120 {
        %add3A_159 = arith.constant 1 : i32
        %add3A_160 = arith.addi %add3A_100, %add3A_159 : i32
        %mul3A_161 = arith.constant 128 : i32
        %mul3A_162 = arith.muli %add3A_160, %mul3A_161 : i32
        %add3A_163 = arith.addi %mul3A_10, %mul3A_162 : i32
        %dma_start3A_164 = tpu.memref_slice %arg4[%add3A_163] : memref<320000xi32, #tpu.memory_space<hbm>> -> memref<128xi32, #tpu.memory_space<hbm>>
        %dma_start3A_165 = tpu.memref_slice %arg4[%add3A_163] : memref<320000xi32, #tpu.memory_space<hbm>> -> memref<128xi32, #tpu.memory_space<hbm>>
        tpu.enqueue_dma source(%dma_start3A_165 : memref<128xi32, #tpu.memory_space<hbm>>) target(%arg13 : memref<128xi32, #tpu.memory_space<vmem>>) target_semaphore(%arg26 : memref<!tpu.dma_semaphore, #tpu.memory_space<semaphore_mem>>)
        %dma_wait3A_166 = tpu.memref_slice %arg3[%mul3A_10] : memref<320000xi32, #tpu.memory_space<hbm>> -> memref<128xi32, #tpu.memory_space<hbm>>
        %dma_wait3A_167 = tpu.memref_slice %arg3[%mul3A_10] : memref<320000xi32, #tpu.memory_space<hbm>> -> memref<128xi32, #tpu.memory_space<hbm>>
        tpu.wait_dma2 semaphore(%arg25 : memref<!tpu.dma_semaphore, #tpu.memory_space<semaphore_mem>>) src(%dma_wait3A_167 : memref<128xi32, #tpu.memory_space<hbm>>) dst(%arg10 : memref<128xi32, #tpu.memory_space<vmem>>)
        %dma_start3A_168 = arith.constant 0 : i32
        %dma_start3A_169 = arith.constant 0 : i32
        %dma_start3A_170 = tpu.memref_slice %arg2[%dma_start3A_168, %dma_start3A_169] : memref<10000x128xf32, #tpu.memory_space<hbm>> -> memref<10000x128xf32, #tpu.memory_space<hbm>>
        tpu.enqueue_indirect_dma source(%dma_start3A_170 : memref<10000x128xf32, #tpu.memory_space<hbm>>) target(%arg16 : memref<128x128xf32, #tpu.memory_space<vmem>>) offsets(%arg10 : memref<128xi32, #tpu.memory_space<vmem>>) semaphore(%arg21 : memref<!tpu.dma_semaphore, #tpu.memory_space<semaphore_mem>>)
      } else {
      }
      %add3A_121 = arith.constant 2 : i32
      %add3A_122 = arith.addi %add3A_100, %add3A_121 : i32
      %lt3A_123 = arith.constant 78 : i32
      %lt3A_124 = arith.cmpi slt, %add3A_122, %lt3A_123 : i32
      %convert_element_type3A_125 = arith.extui %lt3A_124 : i1 to i32
      %cond3A_126 = arith.constant 0 : i32
      %cond3A_127 = arith.cmpi ne, %convert_element_type3A_125, %cond3A_126 : i32
      scf.if %cond3A_127 {
        %add3A_159 = arith.constant 2 : i32
        %add3A_160 = arith.addi %add3A_100, %add3A_159 : i32
        %mul3A_161 = arith.constant 128 : i32
        %mul3A_162 = arith.muli %add3A_160, %mul3A_161 : i32
        %add3A_163 = arith.addi %mul3A_10, %mul3A_162 : i32
        %dma_start3A_164 = tpu.memref_slice %arg3[%add3A_163] : memref<320000xi32, #tpu.memory_space<hbm>> -> memref<128xi32, #tpu.memory_space<hbm>>
        %dma_start3A_165 = tpu.memref_slice %arg3[%add3A_163] : memref<320000xi32, #tpu.memory_space<hbm>> -> memref<128xi32, #tpu.memory_space<hbm>>
        tpu.enqueue_dma source(%dma_start3A_165 : memref<128xi32, #tpu.memory_space<hbm>>) target(%arg8 : memref<128xi32, #tpu.memory_space<vmem>>) target_semaphore(%arg25 : memref<!tpu.dma_semaphore, #tpu.memory_space<semaphore_mem>>)
      } else {
      }
      %mul3A_128 = arith.constant 3 : i32
      %mul3A_129 = arith.muli %mul3A_128, %scan3A_66 : i32
      %add3A_130 = arith.constant 2 : i32
      %add3A_131 = arith.addi %mul3A_129, %add3A_130 : i32
      %dma_wait3A_132 = arith.constant 0 : i32
      %dma_wait3A_133 = arith.constant 0 : i32
      %dma_wait3A_134 = tpu.memref_slice %arg2[%dma_wait3A_132, %dma_wait3A_133] : memref<10000x128xf32, #tpu.memory_space<hbm>> -> memref<10000x128xf32, #tpu.memory_space<hbm>>
      tpu.wait_indirect_dma semaphore(%arg21 : memref<!tpu.dma_semaphore, #tpu.memory_space<semaphore_mem>>) src(%dma_wait3A_134 : memref<10000x128xf32, #tpu.memory_space<hbm>>) dst(%arg16 : memref<128x128xf32, #tpu.memory_space<vmem>>)
      %dma_wait3A_135 = tpu.memref_slice %arg4[%mul3A_10] : memref<320000xi32, #tpu.memory_space<hbm>> -> memref<128xi32, #tpu.memory_space<hbm>>
      %dma_wait3A_136 = tpu.memref_slice %arg4[%mul3A_10] : memref<320000xi32, #tpu.memory_space<hbm>> -> memref<128xi32, #tpu.memory_space<hbm>>
      tpu.wait_dma2 semaphore(%arg26 : memref<!tpu.dma_semaphore, #tpu.memory_space<semaphore_mem>>) src(%dma_wait3A_136 : memref<128xi32, #tpu.memory_space<hbm>>) dst(%arg13 : memref<128xi32, #tpu.memory_space<vmem>>)
      %dma_start3A_137 = arith.constant 0 : i32
      %dma_start3A_138 = arith.constant 0 : i32
      %dma_start3A_139 = tpu.memref_slice %arg7[%dma_start3A_137, %dma_start3A_138] : memref<10000x128xf32, #tpu.memory_space<vmem_shared>> -> memref<10000x128xf32, #tpu.memory_space<vmem_shared>>
      tpu.enqueue_indirect_dma source(%arg16 : memref<128x128xf32, #tpu.memory_space<vmem>>) target(%dma_start3A_139 : memref<10000x128xf32, #tpu.memory_space<vmem_shared>>) offsets(%arg13 : memref<128xi32, #tpu.memory_space<vmem>>) semaphore(%arg24 : memref<!tpu.dma_semaphore, #tpu.memory_space<semaphore_mem>>) {add = true}
      %ge3A_140 = arith.constant 2 : i32
      %ge3A_141 = arith.cmpi sge, %add3A_131, %ge3A_140 : i32
      %convert_element_type3A_142 = arith.extui %ge3A_141 : i1 to i32
      %cond3A_143 = arith.constant 0 : i32
      %cond3A_144 = arith.cmpi ne, %convert_element_type3A_142, %cond3A_143 : i32
      scf.if %cond3A_144 {
        %dma_wait3A_159 = arith.constant 0 : i32
        %dma_wait3A_160 = arith.constant 0 : i32
        %dma_wait3A_161 = tpu.memref_slice %arg7[%dma_wait3A_159, %dma_wait3A_160] : memref<10000x128xf32, #tpu.memory_space<vmem_shared>> -> memref<10000x128xf32, #tpu.memory_space<vmem_shared>>
        tpu.wait_indirect_dma semaphore(%arg22 : memref<!tpu.dma_semaphore, #tpu.memory_space<semaphore_mem>>) src(%arg14 : memref<128x128xf32, #tpu.memory_space<vmem>>) dst(%dma_wait3A_161 : memref<10000x128xf32, #tpu.memory_space<vmem_shared>>)
      } else {
      }
      %add3A_145 = arith.constant 1 : i32
      %add3A_146 = arith.addi %add3A_131, %add3A_145 : i32
      %lt3A_147 = arith.constant 78 : i32
      %lt3A_148 = arith.cmpi slt, %add3A_146, %lt3A_147 : i32
      %convert_element_type3A_149 = arith.extui %lt3A_148 : i1 to i32
      %cond3A_150 = arith.constant 0 : i32
      %cond3A_151 = arith.cmpi ne, %convert_element_type3A_149, %cond3A_150 : i32
      scf.if %cond3A_151 {
        %add3A_159 = arith.constant 1 : i32
        %add3A_160 = arith.addi %add3A_131, %add3A_159 : i32
        %mul3A_161 = arith.constant 128 : i32
        %mul3A_162 = arith.muli %add3A_160, %mul3A_161 : i32
        %add3A_163 = arith.addi %mul3A_10, %mul3A_162 : i32
        %dma_start3A_164 = tpu.memref_slice %arg4[%add3A_163] : memref<320000xi32, #tpu.memory_space<hbm>> -> memref<128xi32, #tpu.memory_space<hbm>>
        %dma_start3A_165 = tpu.memref_slice %arg4[%add3A_163] : memref<320000xi32, #tpu.memory_space<hbm>> -> memref<128xi32, #tpu.memory_space<hbm>>
        tpu.enqueue_dma source(%dma_start3A_165 : memref<128xi32, #tpu.memory_space<hbm>>) target(%arg11 : memref<128xi32, #tpu.memory_space<vmem>>) target_semaphore(%arg26 : memref<!tpu.dma_semaphore, #tpu.memory_space<semaphore_mem>>)
        %dma_wait3A_166 = tpu.memref_slice %arg3[%mul3A_10] : memref<320000xi32, #tpu.memory_space<hbm>> -> memref<128xi32, #tpu.memory_space<hbm>>
        %dma_wait3A_167 = tpu.memref_slice %arg3[%mul3A_10] : memref<320000xi32, #tpu.memory_space<hbm>> -> memref<128xi32, #tpu.memory_space<hbm>>
        tpu.wait_dma2 semaphore(%arg25 : memref<!tpu.dma_semaphore, #tpu.memory_space<semaphore_mem>>) src(%dma_wait3A_167 : memref<128xi32, #tpu.memory_space<hbm>>) dst(%arg8 : memref<128xi32, #tpu.memory_space<vmem>>)
        %dma_start3A_168 = arith.constant 0 : i32
        %dma_start3A_169 = arith.constant 0 : i32
        %dma_start3A_170 = tpu.memref_slice %arg2[%dma_start3A_168, %dma_start3A_169] : memref<10000x128xf32, #tpu.memory_space<hbm>> -> memref<10000x128xf32, #tpu.memory_space<hbm>>
        tpu.enqueue_indirect_dma source(%dma_start3A_170 : memref<10000x128xf32, #tpu.memory_space<hbm>>) target(%arg14 : memref<128x128xf32, #tpu.memory_space<vmem>>) offsets(%arg8 : memref<128xi32, #tpu.memory_space<vmem>>) semaphore(%arg19 : memref<!tpu.dma_semaphore, #tpu.memory_space<semaphore_mem>>)
      } else {
      }
      %add3A_152 = arith.constant 2 : i32
      %add3A_153 = arith.addi %add3A_131, %add3A_152 : i32
      %lt3A_154 = arith.constant 78 : i32
      %lt3A_155 = arith.cmpi slt, %add3A_153, %lt3A_154 : i32
      %convert_element_type3A_156 = arith.extui %lt3A_155 : i1 to i32
      %cond3A_157 = arith.constant 0 : i32
      %cond3A_158 = arith.cmpi ne, %convert_element_type3A_156, %cond3A_157 : i32
      scf.if %cond3A_158 {
        %add3A_159 = arith.constant 2 : i32
        %add3A_160 = arith.addi %add3A_131, %add3A_159 : i32
        %mul3A_161 = arith.constant 128 : i32
        %mul3A_162 = arith.muli %add3A_160, %mul3A_161 : i32
        %add3A_163 = arith.addi %mul3A_10, %mul3A_162 : i32
        %dma_start3A_164 = tpu.memref_slice %arg3[%add3A_163] : memref<320000xi32, #tpu.memory_space<hbm>> -> memref<128xi32, #tpu.memory_space<hbm>>
        %dma_start3A_165 = tpu.memref_slice %arg3[%add3A_163] : memref<320000xi32, #tpu.memory_space<hbm>> -> memref<128xi32, #tpu.memory_space<hbm>>
        tpu.enqueue_dma source(%dma_start3A_165 : memref<128xi32, #tpu.memory_space<hbm>>) target(%arg9 : memref<128xi32, #tpu.memory_space<vmem>>) target_semaphore(%arg25 : memref<!tpu.dma_semaphore, #tpu.memory_space<semaphore_mem>>)
      } else {
      }
    }
    %scan3A_30 = arith.constant 26 : i32
    %dma_wait3A_31 = arith.constant 0 : i32
    %dma_wait3A_32 = arith.constant 0 : i32
    %dma_wait3A_33 = tpu.memref_slice %arg7[%dma_wait3A_31, %dma_wait3A_32] : memref<10000x128xf32, #tpu.memory_space<vmem_shared>> -> memref<10000x128xf32, #tpu.memory_space<vmem_shared>>
    tpu.wait_indirect_dma semaphore(%arg23 : memref<!tpu.dma_semaphore, #tpu.memory_space<semaphore_mem>>) src(%arg15 : memref<128x128xf32, #tpu.memory_space<vmem>>) dst(%dma_wait3A_33 : memref<10000x128xf32, #tpu.memory_space<vmem_shared>>)
    %dma_wait3A_34 = arith.constant 0 : i32
    %dma_wait3A_35 = arith.constant 0 : i32
    %dma_wait3A_36 = tpu.memref_slice %arg7[%dma_wait3A_34, %dma_wait3A_35] : memref<10000x128xf32, #tpu.memory_space<vmem_shared>> -> memref<10000x128xf32, #tpu.memory_space<vmem_shared>>
    tpu.wait_indirect_dma semaphore(%arg24 : memref<!tpu.dma_semaphore, #tpu.memory_space<semaphore_mem>>) src(%arg16 : memref<128x128xf32, #tpu.memory_space<vmem>>) dst(%dma_wait3A_36 : memref<10000x128xf32, #tpu.memory_space<vmem_shared>>)
    %add3A_37 = arith.constant 9984 : i32
    %add3A_38 = arith.addi %mul3A_10, %add3A_37 : i32
    "tpu.region"() ({
      %run_scoped3A = tpu.sem_alloc : memref<!tpu.dma_semaphore, #tpu.memory_space<semaphore_mem>>
      %dma_start3A_66 = tpu.memref_slice %arg3[%add3A_38] : memref<320000xi32, #tpu.memory_space<hbm>> -> memref<16xi32, #tpu.memory_space<hbm>>
      %dma_start3A_67 = tpu.memref_slice %arg3[%add3A_38] : memref<320000xi32, #tpu.memory_space<hbm>> -> memref<16xi32, #tpu.memory_space<hbm>>
      tpu.enqueue_dma source(%dma_start3A_67 : memref<16xi32, #tpu.memory_space<hbm>>) target(%arg17 : memref<16xi32, #tpu.memory_space<vmem>>) target_semaphore(%run_scoped3A : memref<!tpu.dma_semaphore, #tpu.memory_space<semaphore_mem>>)
      %dma_wait3A_68 = tpu.memref_slice %arg3[%add3A_38] : memref<320000xi32, #tpu.memory_space<hbm>> -> memref<16xi32, #tpu.memory_space<hbm>>
      %dma_wait3A_69 = tpu.memref_slice %arg3[%add3A_38] : memref<320000xi32, #tpu.memory_space<hbm>> -> memref<16xi32, #tpu.memory_space<hbm>>
      tpu.wait_dma2 semaphore(%run_scoped3A : memref<!tpu.dma_semaphore, #tpu.memory_space<semaphore_mem>>) src(%dma_wait3A_69 : memref<16xi32, #tpu.memory_space<hbm>>) dst(%arg17 : memref<16xi32, #tpu.memory_space<vmem>>)
      tpu.yield
    }) : () -> ()
    %dma_start3A_39 = arith.constant 0 : i32
    %dma_start3A_40 = arith.constant 0 : i32
    %dma_start3A_41 = tpu.memref_slice %arg14[%dma_start3A_39, %dma_start3A_40] : memref<128x128xf32, #tpu.memory_space<vmem>> -> memref<16x128xf32, #tpu.memory_space<vmem>>
    %dma_start3A_42 = arith.constant 0 : i32
    %dma_start3A_43 = arith.constant 0 : i32
    %dma_start3A_44 = tpu.memref_slice %arg2[%dma_start3A_42, %dma_start3A_43] : memref<10000x128xf32, #tpu.memory_space<hbm>> -> memref<10000x128xf32, #tpu.memory_space<hbm>>
    tpu.enqueue_indirect_dma source(%dma_start3A_44 : memref<10000x128xf32, #tpu.memory_space<hbm>>) target(%dma_start3A_41 : memref<16x128xf32, #tpu.memory_space<vmem>>) offsets(%arg17 : memref<16xi32, #tpu.memory_space<vmem>>) semaphore(%arg19 : memref<!tpu.dma_semaphore, #tpu.memory_space<semaphore_mem>>)
    "tpu.region"() ({
      %run_scoped3A = tpu.sem_alloc : memref<!tpu.dma_semaphore, #tpu.memory_space<semaphore_mem>>
      %dma_start3A_66 = tpu.memref_slice %arg4[%add3A_38] : memref<320000xi32, #tpu.memory_space<hbm>> -> memref<16xi32, #tpu.memory_space<hbm>>
      %dma_start3A_67 = tpu.memref_slice %arg4[%add3A_38] : memref<320000xi32, #tpu.memory_space<hbm>> -> memref<16xi32, #tpu.memory_space<hbm>>
      tpu.enqueue_dma source(%dma_start3A_67 : memref<16xi32, #tpu.memory_space<hbm>>) target(%arg18 : memref<16xi32, #tpu.memory_space<vmem>>) target_semaphore(%run_scoped3A : memref<!tpu.dma_semaphore, #tpu.memory_space<semaphore_mem>>)
      %dma_wait3A_68 = tpu.memref_slice %arg4[%add3A_38] : memref<320000xi32, #tpu.memory_space<hbm>> -> memref<16xi32, #tpu.memory_space<hbm>>
      %dma_wait3A_69 = tpu.memref_slice %arg4[%add3A_38] : memref<320000xi32, #tpu.memory_space<hbm>> -> memref<16xi32, #tpu.memory_space<hbm>>
      tpu.wait_dma2 semaphore(%run_scoped3A : memref<!tpu.dma_semaphore, #tpu.memory_space<semaphore_mem>>) src(%dma_wait3A_69 : memref<16xi32, #tpu.memory_space<hbm>>) dst(%arg18 : memref<16xi32, #tpu.memory_space<vmem>>)
      tpu.yield
    }) : () -> ()
    %dma_wait3A_45 = arith.constant 0 : i32
    %dma_wait3A_46 = arith.constant 0 : i32
    %dma_wait3A_47 = tpu.memref_slice %arg14[%dma_wait3A_45, %dma_wait3A_46] : memref<128x128xf32, #tpu.memory_space<vmem>> -> memref<16x128xf32, #tpu.memory_space<vmem>>
    %dma_wait3A_48 = arith.constant 0 : i32
    %dma_wait3A_49 = arith.constant 0 : i32
    %dma_wait3A_50 = tpu.memref_slice %arg2[%dma_wait3A_48, %dma_wait3A_49] : memref<10000x128xf32, #tpu.memory_space<hbm>> -> memref<10000x128xf32, #tpu.memory_space<hbm>>
    tpu.wait_indirect_dma semaphore(%arg19 : memref<!tpu.dma_semaphore, #tpu.memory_space<semaphore_mem>>) src(%dma_wait3A_50 : memref<10000x128xf32, #tpu.memory_space<hbm>>) dst(%dma_wait3A_47 : memref<16x128xf32, #tpu.memory_space<vmem>>)
    "tpu.region"() ({
      %run_scoped3A = tpu.sem_alloc : memref<!tpu.dma_semaphore, #tpu.memory_space<semaphore_mem>>
      %dma_start3A_66 = arith.constant 0 : i32
      %dma_start3A_67 = arith.constant 0 : i32
      %dma_start3A_68 = tpu.memref_slice %arg14[%dma_start3A_66, %dma_start3A_67] : memref<128x128xf32, #tpu.memory_space<vmem>> -> memref<16x128xf32, #tpu.memory_space<vmem>>
      %dma_start3A_69 = arith.constant 0 : i32
      %dma_start3A_70 = arith.constant 0 : i32
      %dma_start3A_71 = tpu.memref_slice %arg7[%dma_start3A_69, %dma_start3A_70] : memref<10000x128xf32, #tpu.memory_space<vmem_shared>> -> memref<10000x128xf32, #tpu.memory_space<vmem_shared>>
      tpu.enqueue_indirect_dma source(%dma_start3A_68 : memref<16x128xf32, #tpu.memory_space<vmem>>) target(%dma_start3A_71 : memref<10000x128xf32, #tpu.memory_space<vmem_shared>>) offsets(%arg18 : memref<16xi32, #tpu.memory_space<vmem>>) semaphore(%run_scoped3A : memref<!tpu.dma_semaphore, #tpu.memory_space<semaphore_mem>>) {add = true}
      %dma_wait3A_72 = arith.constant 0 : i32
      %dma_wait3A_73 = arith.constant 0 : i32
      %dma_wait3A_74 = tpu.memref_slice %arg14[%dma_wait3A_72, %dma_wait3A_73] : memref<128x128xf32, #tpu.memory_space<vmem>> -> memref<16x128xf32, #tpu.memory_space<vmem>>
      %dma_wait3A_75 = arith.constant 0 : i32
      %dma_wait3A_76 = arith.constant 0 : i32
      %dma_wait3A_77 = tpu.memref_slice %arg7[%dma_wait3A_75, %dma_wait3A_76] : memref<10000x128xf32, #tpu.memory_space<vmem_shared>> -> memref<10000x128xf32, #tpu.memory_space<vmem_shared>>
      tpu.wait_indirect_dma semaphore(%run_scoped3A : memref<!tpu.dma_semaphore, #tpu.memory_space<semaphore_mem>>) src(%dma_wait3A_74 : memref<16x128xf32, #tpu.memory_space<vmem>>) dst(%dma_wait3A_77 : memref<10000x128xf32, #tpu.memory_space<vmem_shared>>)
      tpu.yield
    }) : () -> ()
    %barrier3A_51 = arith.constant 0 : index
    tpu.barrier barrier_id(%barrier3A_51)
    %mul3A_52 = arith.constant 10000 : i32
    %mul3A_53 = arith.muli %arg0, %mul3A_52 : i32
    %add3A_54 = arith.addi %mul3A_53, %multiple_of3A : i32
    %multiple_of3A_55 = tpu.assume_multiple %add3A_54, 8 : i32
    %lt3A_56 = arith.constant 15 : i32
    %lt3A_57 = arith.cmpi slt, %arg1, %lt3A_56 : i32
    %convert_element_type3A_58 = arith.extui %lt3A_57 : i1 to i32
    %cond3A_59 = arith.constant 0 : i32
    %cond3A_60 = arith.cmpi ne, %convert_element_type3A_58, %cond3A_59 : i32
    scf.if %cond3A_60 {
      "tpu.region"() ({
        %run_scoped3A = tpu.sem_alloc : memref<!tpu.dma_semaphore, #tpu.memory_space<semaphore_mem>>
        %dma_start3A_66 = arith.constant 0 : i32
        %dma_start3A_67 = tpu.memref_slice %arg6[%multiple_of3A_55, %dma_start3A_66] : memref<20000x128xf32, #tpu.memory_space<hbm>> -> memref<624x128xf32, #tpu.memory_space<hbm>>
        %dma_start3A_68 = arith.constant 0 : i32
        %dma_start3A_69 = tpu.memref_slice %arg7[%multiple_of3A, %dma_start3A_68] : memref<10000x128xf32, #tpu.memory_space<vmem_shared>> -> memref<624x128xf32, #tpu.memory_space<vmem_shared>>
        tpu.enqueue_dma source(%dma_start3A_69 : memref<624x128xf32, #tpu.memory_space<vmem_shared>>) target(%dma_start3A_67 : memref<624x128xf32, #tpu.memory_space<hbm>>) target_semaphore(%run_scoped3A : memref<!tpu.dma_semaphore, #tpu.memory_space<semaphore_mem>>)
        %dma_wait3A_70 = arith.constant 0 : i32
        %dma_wait3A_71 = tpu.memref_slice %arg6[%multiple_of3A_55, %dma_wait3A_70] : memref<20000x128xf32, #tpu.memory_space<hbm>> -> memref<624x128xf32, #tpu.memory_space<hbm>>
        %dma_wait3A_72 = arith.constant 0 : i32
        %dma_wait3A_73 = tpu.memref_slice %arg7[%multiple_of3A, %dma_wait3A_72] : memref<10000x128xf32, #tpu.memory_space<vmem_shared>> -> memref<624x128xf32, #tpu.memory_space<vmem_shared>>
        tpu.wait_dma2 semaphore(%run_scoped3A : memref<!tpu.dma_semaphore, #tpu.memory_space<semaphore_mem>>) src(%dma_wait3A_73 : memref<624x128xf32, #tpu.memory_space<vmem_shared>>) dst(%dma_wait3A_71 : memref<624x128xf32, #tpu.memory_space<hbm>>)
        tpu.yield
      }) : () -> ()
    } else {
    }
    %eq3A_61 = arith.constant 15 : i32
    %eq3A_62 = arith.cmpi eq, %arg1, %eq3A_61 : i32
    %convert_element_type3A_63 = arith.extui %eq3A_62 : i1 to i32
    %cond3A_64 = arith.constant 0 : i32
    %cond3A_65 = arith.cmpi ne, %convert_element_type3A_63, %cond3A_64 : i32
    scf.if %cond3A_65 {
      %mul3A_66 = arith.constant 10000 : i32
      %mul3A_67 = arith.muli %arg0, %mul3A_66 : i32
      %add3A_68 = arith.constant 9360 : i32
      %add3A_69 = arith.addi %mul3A_67, %add3A_68 : i32
      "tpu.region"() ({
        %run_scoped3A = tpu.sem_alloc : memref<!tpu.dma_semaphore, #tpu.memory_space<semaphore_mem>>
        %dma_start3A_70 = arith.constant 0 : i32
        %dma_start3A_71 = tpu.memref_slice %arg6[%add3A_69, %dma_start3A_70] : memref<20000x128xf32, #tpu.memory_space<hbm>> -> memref<640x128xf32, #tpu.memory_space<hbm>>
        %dma_start3A_72 = arith.constant 9360 : i32
        %dma_start3A_73 = arith.constant 0 : i32
        %dma_start3A_74 = tpu.memref_slice %arg7[%dma_start3A_72, %dma_start3A_73] : memref<10000x128xf32, #tpu.memory_space<vmem_shared>> -> memref<640x128xf32, #tpu.memory_space<vmem_shared>>
        tpu.enqueue_dma source(%dma_start3A_74 : memref<640x128xf32, #tpu.memory_space<vmem_shared>>) target(%dma_start3A_71 : memref<640x128xf32, #tpu.memory_space<hbm>>) target_semaphore(%run_scoped3A : memref<!tpu.dma_semaphore, #tpu.memory_space<semaphore_mem>>)
        %dma_wait3A_75 = arith.constant 0 : i32
        %dma_wait3A_76 = tpu.memref_slice %arg6[%add3A_69, %dma_wait3A_75] : memref<20000x128xf32, #tpu.memory_space<hbm>> -> memref<640x128xf32, #tpu.memory_space<hbm>>
        %dma_wait3A_77 = arith.constant 9360 : i32
        %dma_wait3A_78 = arith.constant 0 : i32
        %dma_wait3A_79 = tpu.memref_slice %arg7[%dma_wait3A_77, %dma_wait3A_78] : memref<10000x128xf32, #tpu.memory_space<vmem_shared>> -> memref<640x128xf32, #tpu.memory_space<vmem_shared>>
        tpu.wait_dma2 semaphore(%run_scoped3A : memref<!tpu.dma_semaphore, #tpu.memory_space<semaphore_mem>>) src(%dma_wait3A_79 : memref<640x128xf32, #tpu.memory_space<vmem_shared>>) dst(%dma_wait3A_76 : memref<640x128xf32, #tpu.memory_space<hbm>>)
        tpu.yield
      }) : () -> ()
    } else {
    }
    return
  }
}

#map = affine_map<(d0, d1) -> (0, 0)>
#map1 = affine_map<(d0, d1) -> (0)>
module attributes {stable_mosaic.version = 14 : i64} {
  func.func @edge_agg(%arg0: i32, %arg1: i32, %arg2: memref<10000x128xf32, #tpu.memory_space<hbm>>, %arg3: memref<320000xi32, #tpu.memory_space<hbm>>, %arg4: memref<320000xi32, #tpu.memory_space<hbm>>, %arg5: memref<640x128xf32, #tpu.memory_space<hbm>>, %arg6: memref<20000x128xf32, #tpu.memory_space<hbm>>, %arg7: memref<10000x128xf32, #tpu.memory_space<vmem_shared>>, %arg8: memref<128xi32, #tpu.memory_space<vmem>>, %arg9: memref<128xi32, #tpu.memory_space<vmem>>, %arg10: memref<128xi32, #tpu.memory_space<vmem>>, %arg11: memref<128xi32, #tpu.memory_space<vmem>>, %arg12: memref<128xi32, #tpu.memory_space<vmem>>, %arg13: memref<128xi32, #tpu.memory_space<vmem>>, %arg14: memref<128x128xf32, #tpu.memory_space<vmem>>, %arg15: memref<128x128xf32, #tpu.memory_space<vmem>>, %arg16: memref<128x128xf32, #tpu.memory_space<vmem>>, %arg17: memref<16xi32, #tpu.memory_space<vmem>>, %arg18: memref<16xi32, #tpu.memory_space<vmem>>, %arg19: memref<!tpu.dma_semaphore, #tpu.memory_space<semaphore_mem>>, %arg20: memref<!tpu.dma_semaphore, #tpu.memory_space<semaphore_mem>>, %arg21: memref<!tpu.dma_semaphore, #tpu.memory_space<semaphore_mem>>, %arg22: memref<!tpu.dma_semaphore, #tpu.memory_space<semaphore_mem>>, %arg23: memref<!tpu.dma_semaphore, #tpu.memory_space<semaphore_mem>>, %arg24: memref<!tpu.dma_semaphore, #tpu.memory_space<semaphore_mem>>, %arg25: memref<!tpu.dma_semaphore, #tpu.memory_space<semaphore_mem>>, %arg26: memref<!tpu.dma_semaphore, #tpu.memory_space<semaphore_mem>>) attributes {dimension_semantics = [#tpu.dimension_semantics<core_parallel>, #tpu.dimension_semantics<subcore_parallel>], iteration_bounds = array<i64: 2, 16>, scalar_prefetch = 0 : i64, scratch_operands = 20 : i64, tpu.core_type = #tpu.core_type<sc_vector_subcore>, window_params = [{transform_indices = #map}, {transform_indices = #map1}, {transform_indices = #map1}, {transform_indices = #map}, {transform_indices = #map}]} {
    %mul3A = arith.constant 2 : i32
    %mul3A_0 = arith.muli %arg1, %mul3A : i32
    %add3A = arith.addi %mul3A_0, %arg0 : i32
    %mul3A_1 = arith.constant 624 : i32
    %mul3A_2 = arith.muli %arg1, %mul3A_1 : i32
    %multiple_of3A = tpu.assume_multiple %mul3A_2, 8 : i32
    %lt3A = arith.constant 15 : i32
    %lt3A_3 = arith.cmpi slt, %arg1, %lt3A : i32
    %convert_element_type3A = arith.extui %lt3A_3 : i1 to i32
    %cond3A = arith.constant 0 : i32
    %cond3A_4 = arith.cmpi ne, %convert_element_type3A, %cond3A : i32
    scf.if %cond3A_4 {
      "tpu.region"() ({
        %run_scoped3A = tpu.sem_alloc : memref<!tpu.dma_semaphore, #tpu.memory_space<semaphore_mem>>
        %dma_start3A_66 = arith.constant 0 : i32
        %dma_start3A_67 = tpu.memref_slice %arg7[%multiple_of3A, %dma_start3A_66] : memref<10000x128xf32, #tpu.memory_space<vmem_shared>> -> memref<624x128xf32, #tpu.memory_space<vmem_shared>>
        %dma_start3A_68 = arith.constant 0 : i32
        %dma_start3A_69 = arith.constant 0 : i32
        %dma_start3A_70 = tpu.memref_slice %arg5[%dma_start3A_68, %dma_start3A_69] : memref<640x128xf32, #tpu.memory_space<hbm>> -> memref<624x128xf32, #tpu.memory_space<hbm>>
        tpu.enqueue_dma source(%dma_start3A_70 : memref<624x128xf32, #tpu.memory_space<hbm>>) target(%dma_start3A_67 : memref<624x128xf32, #tpu.memory_space<vmem_shared>>) target_semaphore(%run_scoped3A : memref<!tpu.dma_semaphore, #tpu.memory_space<semaphore_mem>>)
        %dma_wait3A_71 = arith.constant 0 : i32
        %dma_wait3A_72 = tpu.memref_slice %arg7[%multiple_of3A, %dma_wait3A_71] : memref<10000x128xf32, #tpu.memory_space<vmem_shared>> -> memref<624x128xf32, #tpu.memory_space<vmem_shared>>
        %dma_wait3A_73 = arith.constant 0 : i32
        %dma_wait3A_74 = arith.constant 0 : i32
        %dma_wait3A_75 = tpu.memref_slice %arg5[%dma_wait3A_73, %dma_wait3A_74] : memref<640x128xf32, #tpu.memory_space<hbm>> -> memref<624x128xf32, #tpu.memory_space<hbm>>
        tpu.wait_dma2 semaphore(%run_scoped3A : memref<!tpu.dma_semaphore, #tpu.memory_space<semaphore_mem>>) src(%dma_wait3A_75 : memref<624x128xf32, #tpu.memory_space<hbm>>) dst(%dma_wait3A_72 : memref<624x128xf32, #tpu.memory_space<vmem_shared>>)
        tpu.yield
      }) : () -> ()
    } else {
    }
    %eq3A = arith.constant 15 : i32
    %eq3A_5 = arith.cmpi eq, %arg1, %eq3A : i32
    %convert_element_type3A_6 = arith.extui %eq3A_5 : i1 to i32
    %cond3A_7 = arith.constant 0 : i32
    %cond3A_8 = arith.cmpi ne, %convert_element_type3A_6, %cond3A_7 : i32
    scf.if %cond3A_8 {
      "tpu.region"() ({
        %run_scoped3A = tpu.sem_alloc : memref<!tpu.dma_semaphore, #tpu.memory_space<semaphore_mem>>
        %dma_start3A_66 = arith.constant 9360 : i32
        %dma_start3A_67 = arith.constant 0 : i32
        %dma_start3A_68 = tpu.memref_slice %arg7[%dma_start3A_66, %dma_start3A_67] : memref<10000x128xf32, #tpu.memory_space<vmem_shared>> -> memref<640x128xf32, #tpu.memory_space<vmem_shared>>
        tpu.enqueue_dma source(%arg5 : memref<640x128xf32, #tpu.memory_space<hbm>>) target(%dma_start3A_68 : memref<640x128xf32, #tpu.memory_space<vmem_shared>>) target_semaphore(%run_scoped3A : memref<!tpu.dma_semaphore, #tpu.memory_space<semaphore_mem>>)
        %dma_wait3A_69 = arith.constant 9360 : i32
        %dma_wait3A_70 = arith.constant 0 : i32
        %dma_wait3A_71 = tpu.memref_slice %arg7[%dma_wait3A_69, %dma_wait3A_70] : memref<10000x128xf32, #tpu.memory_space<vmem_shared>> -> memref<640x128xf32, #tpu.memory_space<vmem_shared>>
        tpu.wait_dma2 semaphore(%run_scoped3A : memref<!tpu.dma_semaphore, #tpu.memory_space<semaphore_mem>>) src(%arg5 : memref<640x128xf32, #tpu.memory_space<hbm>>) dst(%dma_wait3A_71 : memref<640x128xf32, #tpu.memory_space<vmem_shared>>)
        tpu.yield
      }) : () -> ()
    } else {
    }
    %barrier3A = arith.constant 0 : index
    tpu.barrier barrier_id(%barrier3A)
    %mul3A_9 = arith.constant 10000 : i32
    %mul3A_10 = arith.muli %add3A, %mul3A_9 : i32
    %add3A_11 = arith.constant 0 : i32
    %add3A_12 = arith.addi %mul3A_10, %add3A_11 : i32
    %dma_start3A = tpu.memref_slice %arg3[%add3A_12] : memref<320000xi32, #tpu.memory_space<hbm>> -> memref<128xi32, #tpu.memory_space<hbm>>
    %dma_start3A_13 = tpu.memref_slice %arg3[%add3A_12] : memref<320000xi32, #tpu.memory_space<hbm>> -> memref<128xi32, #tpu.memory_space<hbm>>
    tpu.enqueue_dma source(%dma_start3A_13 : memref<128xi32, #tpu.memory_space<hbm>>) target(%arg8 : memref<128xi32, #tpu.memory_space<vmem>>) target_semaphore(%arg25 : memref<!tpu.dma_semaphore, #tpu.memory_space<semaphore_mem>>)
    %dma_wait3A = tpu.memref_slice %arg3[%mul3A_10] : memref<320000xi32, #tpu.memory_space<hbm>> -> memref<128xi32, #tpu.memory_space<hbm>>
    %dma_wait3A_14 = tpu.memref_slice %arg3[%mul3A_10] : memref<320000xi32, #tpu.memory_space<hbm>> -> memref<128xi32, #tpu.memory_space<hbm>>
    tpu.wait_dma2 semaphore(%arg25 : memref<!tpu.dma_semaphore, #tpu.memory_space<semaphore_mem>>) src(%dma_wait3A_14 : memref<128xi32, #tpu.memory_space<hbm>>) dst(%arg8 : memref<128xi32, #tpu.memory_space<vmem>>)
    %dma_start3A_15 = arith.constant 0 : i32
    %dma_start3A_16 = arith.constant 0 : i32
    %dma_start3A_17 = tpu.memref_slice %arg2[%dma_start3A_15, %dma_start3A_16] : memref<10000x128xf32, #tpu.memory_space<hbm>> -> memref<10000x128xf32, #tpu.memory_space<hbm>>
    tpu.enqueue_indirect_dma source(%dma_start3A_17 : memref<10000x128xf32, #tpu.memory_space<hbm>>) target(%arg14 : memref<128x128xf32, #tpu.memory_space<vmem>>) offsets(%arg8 : memref<128xi32, #tpu.memory_space<vmem>>) semaphore(%arg19 : memref<!tpu.dma_semaphore, #tpu.memory_space<semaphore_mem>>)
    %add3A_18 = arith.constant 128 : i32
    %add3A_19 = arith.addi %mul3A_10, %add3A_18 : i32
    %dma_start3A_20 = tpu.memref_slice %arg3[%add3A_19] : memref<320000xi32, #tpu.memory_space<hbm>> -> memref<128xi32, #tpu.memory_space<hbm>>
    %dma_start3A_21 = tpu.memref_slice %arg3[%add3A_19] : memref<320000xi32, #tpu.memory_space<hbm>> -> memref<128xi32, #tpu.memory_space<hbm>>
    tpu.enqueue_dma source(%dma_start3A_21 : memref<128xi32, #tpu.memory_space<hbm>>) target(%arg9 : memref<128xi32, #tpu.memory_space<vmem>>) target_semaphore(%arg25 : memref<!tpu.dma_semaphore, #tpu.memory_space<semaphore_mem>>)
    %add3A_22 = arith.constant 0 : i32
    %add3A_23 = arith.addi %mul3A_10, %add3A_22 : i32
    %dma_start3A_24 = tpu.memref_slice %arg4[%add3A_23] : memref<320000xi32, #tpu.memory_space<hbm>> -> memref<128xi32, #tpu.memory_space<hbm>>
    %dma_start3A_25 = tpu.memref_slice %arg4[%add3A_23] : memref<320000xi32, #tpu.memory_space<hbm>> -> memref<128xi32, #tpu.memory_space<hbm>>
    tpu.enqueue_dma source(%dma_start3A_25 : memref<128xi32, #tpu.memory_space<hbm>>) target(%arg11 : memref<128xi32, #tpu.memory_space<vmem>>) target_semaphore(%arg26 : memref<!tpu.dma_semaphore, #tpu.memory_space<semaphore_mem>>)
    %scan3A = arith.constant 0 : i32
    %scan3A_26 = arith.constant 0 : i32
    %scan3A_27 = arith.constant 26 : i32
    %scan3A_28 = arith.addi %scan3A_26, %scan3A_27 : i32
    %scan3A_29 = arith.constant 1 : i32
    scf.for %scan3A_66 = %scan3A_26 to %scan3A_28 step %scan3A_29  : i32 {
      %mul3A_67 = arith.constant 3 : i32
      %mul3A_68 = arith.muli %mul3A_67, %scan3A_66 : i32
      %add3A_69 = arith.constant 0 : i32
      %add3A_70 = arith.addi %mul3A_68, %add3A_69 : i32
      %dma_wait3A_71 = arith.constant 0 : i32
      %dma_wait3A_72 = arith.constant 0 : i32
      %dma_wait3A_73 = tpu.memref_slice %arg2[%dma_wait3A_71, %dma_wait3A_72] : memref<10000x128xf32, #tpu.memory_space<hbm>> -> memref<10000x128xf32, #tpu.memory_space<hbm>>
      tpu.wait_indirect_dma semaphore(%arg19 : memref<!tpu.dma_semaphore, #tpu.memory_space<semaphore_mem>>) src(%dma_wait3A_73 : memref<10000x128xf32, #tpu.memory_space<hbm>>) dst(%arg14 : memref<128x128xf32, #tpu.memory_space<vmem>>)
      %dma_wait3A_74 = tpu.memref_slice %arg4[%mul3A_10] : memref<320000xi32, #tpu.memory_space<hbm>> -> memref<128xi32, #tpu.memory_space<hbm>>
      %dma_wait3A_75 = tpu.memref_slice %arg4[%mul3A_10] : memref<320000xi32, #tpu.memory_space<hbm>> -> memref<128xi32, #tpu.memory_space<hbm>>
      tpu.wait_dma2 semaphore(%arg26 : memref<!tpu.dma_semaphore, #tpu.memory_space<semaphore_mem>>) src(%dma_wait3A_75 : memref<128xi32, #tpu.memory_space<hbm>>) dst(%arg11 : memref<128xi32, #tpu.memory_space<vmem>>)
      %dma_start3A_76 = arith.constant 0 : i32
      %dma_start3A_77 = arith.constant 0 : i32
      %dma_start3A_78 = tpu.memref_slice %arg7[%dma_start3A_76, %dma_start3A_77] : memref<10000x128xf32, #tpu.memory_space<vmem_shared>> -> memref<10000x128xf32, #tpu.memory_space<vmem_shared>>
      tpu.enqueue_indirect_dma source(%arg14 : memref<128x128xf32, #tpu.memory_space<vmem>>) target(%dma_start3A_78 : memref<10000x128xf32, #tpu.memory_space<vmem_shared>>) offsets(%arg11 : memref<128xi32, #tpu.memory_space<vmem>>) semaphore(%arg22 : memref<!tpu.dma_semaphore, #tpu.memory_space<semaphore_mem>>) {add = true}
      %ge3A = arith.constant 2 : i32
      %ge3A_79 = arith.cmpi sge, %add3A_70, %ge3A : i32
      %convert_element_type3A_80 = arith.extui %ge3A_79 : i1 to i32
      %cond3A_81 = arith.constant 0 : i32
      %cond3A_82 = arith.cmpi ne, %convert_element_type3A_80, %cond3A_81 : i32
      scf.if %cond3A_82 {
        %dma_wait3A_159 = arith.constant 0 : i32
        %dma_wait3A_160 = arith.constant 0 : i32
        %dma_wait3A_161 = tpu.memref_slice %arg7[%dma_wait3A_159, %dma_wait3A_160] : memref<10000x128xf32, #tpu.memory_space<vmem_shared>> -> memref<10000x128xf32, #tpu.memory_space<vmem_shared>>
        tpu.wait_indirect_dma semaphore(%arg23 : memref<!tpu.dma_semaphore, #tpu.memory_space<semaphore_mem>>) src(%arg15 : memref<128x128xf32, #tpu.memory_space<vmem>>) dst(%dma_wait3A_161 : memref<10000x128xf32, #tpu.memory_space<vmem_shared>>)
      } else {
      }
      %add3A_83 = arith.constant 1 : i32
      %add3A_84 = arith.addi %add3A_70, %add3A_83 : i32
      %lt3A_85 = arith.constant 78 : i32
      %lt3A_86 = arith.cmpi slt, %add3A_84, %lt3A_85 : i32
      %convert_element_type3A_87 = arith.extui %lt3A_86 : i1 to i32
      %cond3A_88 = arith.constant 0 : i32
      %cond3A_89 = arith.cmpi ne, %convert_element_type3A_87, %cond3A_88 : i32
      scf.if %cond3A_89 {
        %add3A_159 = arith.constant 1 : i32
        %add3A_160 = arith.addi %add3A_70, %add3A_159 : i32
        %mul3A_161 = arith.constant 128 : i32
        %mul3A_162 = arith.muli %add3A_160, %mul3A_161 : i32
        %add3A_163 = arith.addi %mul3A_10, %mul3A_162 : i32
        %dma_start3A_164 = tpu.memref_slice %arg4[%add3A_163] : memref<320000xi32, #tpu.memory_space<hbm>> -> memref<128xi32, #tpu.memory_space<hbm>>
        %dma_start3A_165 = tpu.memref_slice %arg4[%add3A_163] : memref<320000xi32, #tpu.memory_space<hbm>> -> memref<128xi32, #tpu.memory_space<hbm>>
        tpu.enqueue_dma source(%dma_start3A_165 : memref<128xi32, #tpu.memory_space<hbm>>) target(%arg12 : memref<128xi32, #tpu.memory_space<vmem>>) target_semaphore(%arg26 : memref<!tpu.dma_semaphore, #tpu.memory_space<semaphore_mem>>)
        %dma_wait3A_166 = tpu.memref_slice %arg3[%mul3A_10] : memref<320000xi32, #tpu.memory_space<hbm>> -> memref<128xi32, #tpu.memory_space<hbm>>
        %dma_wait3A_167 = tpu.memref_slice %arg3[%mul3A_10] : memref<320000xi32, #tpu.memory_space<hbm>> -> memref<128xi32, #tpu.memory_space<hbm>>
        tpu.wait_dma2 semaphore(%arg25 : memref<!tpu.dma_semaphore, #tpu.memory_space<semaphore_mem>>) src(%dma_wait3A_167 : memref<128xi32, #tpu.memory_space<hbm>>) dst(%arg9 : memref<128xi32, #tpu.memory_space<vmem>>)
        %dma_start3A_168 = arith.constant 0 : i32
        %dma_start3A_169 = arith.constant 0 : i32
        %dma_start3A_170 = tpu.memref_slice %arg2[%dma_start3A_168, %dma_start3A_169] : memref<10000x128xf32, #tpu.memory_space<hbm>> -> memref<10000x128xf32, #tpu.memory_space<hbm>>
        tpu.enqueue_indirect_dma source(%dma_start3A_170 : memref<10000x128xf32, #tpu.memory_space<hbm>>) target(%arg15 : memref<128x128xf32, #tpu.memory_space<vmem>>) offsets(%arg9 : memref<128xi32, #tpu.memory_space<vmem>>) semaphore(%arg20 : memref<!tpu.dma_semaphore, #tpu.memory_space<semaphore_mem>>)
      } else {
      }
      %add3A_90 = arith.constant 2 : i32
      %add3A_91 = arith.addi %add3A_70, %add3A_90 : i32
      %lt3A_92 = arith.constant 78 : i32
      %lt3A_93 = arith.cmpi slt, %add3A_91, %lt3A_92 : i32
      %convert_element_type3A_94 = arith.extui %lt3A_93 : i1 to i32
      %cond3A_95 = arith.constant 0 : i32
      %cond3A_96 = arith.cmpi ne, %convert_element_type3A_94, %cond3A_95 : i32
      scf.if %cond3A_96 {
        %add3A_159 = arith.constant 2 : i32
        %add3A_160 = arith.addi %add3A_70, %add3A_159 : i32
        %mul3A_161 = arith.constant 128 : i32
        %mul3A_162 = arith.muli %add3A_160, %mul3A_161 : i32
        %add3A_163 = arith.addi %mul3A_10, %mul3A_162 : i32
        %dma_start3A_164 = tpu.memref_slice %arg3[%add3A_163] : memref<320000xi32, #tpu.memory_space<hbm>> -> memref<128xi32, #tpu.memory_space<hbm>>
        %dma_start3A_165 = tpu.memref_slice %arg3[%add3A_163] : memref<320000xi32, #tpu.memory_space<hbm>> -> memref<128xi32, #tpu.memory_space<hbm>>
        tpu.enqueue_dma source(%dma_start3A_165 : memref<128xi32, #tpu.memory_space<hbm>>) target(%arg10 : memref<128xi32, #tpu.memory_space<vmem>>) target_semaphore(%arg25 : memref<!tpu.dma_semaphore, #tpu.memory_space<semaphore_mem>>)
      } else {
      }
      %mul3A_97 = arith.constant 3 : i32
      %mul3A_98 = arith.muli %mul3A_97, %scan3A_66 : i32
      %add3A_99 = arith.constant 1 : i32
      %add3A_100 = arith.addi %mul3A_98, %add3A_99 : i32
      %dma_wait3A_101 = arith.constant 0 : i32
      %dma_wait3A_102 = arith.constant 0 : i32
      %dma_wait3A_103 = tpu.memref_slice %arg2[%dma_wait3A_101, %dma_wait3A_102] : memref<10000x128xf32, #tpu.memory_space<hbm>> -> memref<10000x128xf32, #tpu.memory_space<hbm>>
      tpu.wait_indirect_dma semaphore(%arg20 : memref<!tpu.dma_semaphore, #tpu.memory_space<semaphore_mem>>) src(%dma_wait3A_103 : memref<10000x128xf32, #tpu.memory_space<hbm>>) dst(%arg15 : memref<128x128xf32, #tpu.memory_space<vmem>>)
      %dma_wait3A_104 = tpu.memref_slice %arg4[%mul3A_10] : memref<320000xi32, #tpu.memory_space<hbm>> -> memref<128xi32, #tpu.memory_space<hbm>>
      %dma_wait3A_105 = tpu.memref_slice %arg4[%mul3A_10] : memref<320000xi32, #tpu.memory_space<hbm>> -> memref<128xi32, #tpu.memory_space<hbm>>
      tpu.wait_dma2 semaphore(%arg26 : memref<!tpu.dma_semaphore, #tpu.memory_space<semaphore_mem>>) src(%dma_wait3A_105 : memref<128xi32, #tpu.memory_space<hbm>>) dst(%arg12 : memref<128xi32, #tpu.memory_space<vmem>>)
      %dma_start3A_106 = arith.constant 0 : i32
      %dma_start3A_107 = arith.constant 0 : i32
      %dma_start3A_108 = tpu.memref_slice %arg7[%dma_start3A_106, %dma_start3A_107] : memref<10000x128xf32, #tpu.memory_space<vmem_shared>> -> memref<10000x128xf32, #tpu.memory_space<vmem_shared>>
      tpu.enqueue_indirect_dma source(%arg15 : memref<128x128xf32, #tpu.memory_space<vmem>>) target(%dma_start3A_108 : memref<10000x128xf32, #tpu.memory_space<vmem_shared>>) offsets(%arg12 : memref<128xi32, #tpu.memory_space<vmem>>) semaphore(%arg23 : memref<!tpu.dma_semaphore, #tpu.memory_space<semaphore_mem>>) {add = true}
      %ge3A_109 = arith.constant 2 : i32
      %ge3A_110 = arith.cmpi sge, %add3A_100, %ge3A_109 : i32
      %convert_element_type3A_111 = arith.extui %ge3A_110 : i1 to i32
      %cond3A_112 = arith.constant 0 : i32
      %cond3A_113 = arith.cmpi ne, %convert_element_type3A_111, %cond3A_112 : i32
      scf.if %cond3A_113 {
        %dma_wait3A_159 = arith.constant 0 : i32
        %dma_wait3A_160 = arith.constant 0 : i32
        %dma_wait3A_161 = tpu.memref_slice %arg7[%dma_wait3A_159, %dma_wait3A_160] : memref<10000x128xf32, #tpu.memory_space<vmem_shared>> -> memref<10000x128xf32, #tpu.memory_space<vmem_shared>>
        tpu.wait_indirect_dma semaphore(%arg24 : memref<!tpu.dma_semaphore, #tpu.memory_space<semaphore_mem>>) src(%arg16 : memref<128x128xf32, #tpu.memory_space<vmem>>) dst(%dma_wait3A_161 : memref<10000x128xf32, #tpu.memory_space<vmem_shared>>)
      } else {
      }
      %add3A_114 = arith.constant 1 : i32
      %add3A_115 = arith.addi %add3A_100, %add3A_114 : i32
      %lt3A_116 = arith.constant 78 : i32
      %lt3A_117 = arith.cmpi slt, %add3A_115, %lt3A_116 : i32
      %convert_element_type3A_118 = arith.extui %lt3A_117 : i1 to i32
      %cond3A_119 = arith.constant 0 : i32
      %cond3A_120 = arith.cmpi ne, %convert_element_type3A_118, %cond3A_119 : i32
      scf.if %cond3A_120 {
        %add3A_159 = arith.constant 1 : i32
        %add3A_160 = arith.addi %add3A_100, %add3A_159 : i32
        %mul3A_161 = arith.constant 128 : i32
        %mul3A_162 = arith.muli %add3A_160, %mul3A_161 : i32
        %add3A_163 = arith.addi %mul3A_10, %mul3A_162 : i32
        %dma_start3A_164 = tpu.memref_slice %arg4[%add3A_163] : memref<320000xi32, #tpu.memory_space<hbm>> -> memref<128xi32, #tpu.memory_space<hbm>>
        %dma_start3A_165 = tpu.memref_slice %arg4[%add3A_163] : memref<320000xi32, #tpu.memory_space<hbm>> -> memref<128xi32, #tpu.memory_space<hbm>>
        tpu.enqueue_dma source(%dma_start3A_165 : memref<128xi32, #tpu.memory_space<hbm>>) target(%arg13 : memref<128xi32, #tpu.memory_space<vmem>>) target_semaphore(%arg26 : memref<!tpu.dma_semaphore, #tpu.memory_space<semaphore_mem>>)
        %dma_wait3A_166 = tpu.memref_slice %arg3[%mul3A_10] : memref<320000xi32, #tpu.memory_space<hbm>> -> memref<128xi32, #tpu.memory_space<hbm>>
        %dma_wait3A_167 = tpu.memref_slice %arg3[%mul3A_10] : memref<320000xi32, #tpu.memory_space<hbm>> -> memref<128xi32, #tpu.memory_space<hbm>>
        tpu.wait_dma2 semaphore(%arg25 : memref<!tpu.dma_semaphore, #tpu.memory_space<semaphore_mem>>) src(%dma_wait3A_167 : memref<128xi32, #tpu.memory_space<hbm>>) dst(%arg10 : memref<128xi32, #tpu.memory_space<vmem>>)
        %dma_start3A_168 = arith.constant 0 : i32
        %dma_start3A_169 = arith.constant 0 : i32
        %dma_start3A_170 = tpu.memref_slice %arg2[%dma_start3A_168, %dma_start3A_169] : memref<10000x128xf32, #tpu.memory_space<hbm>> -> memref<10000x128xf32, #tpu.memory_space<hbm>>
        tpu.enqueue_indirect_dma source(%dma_start3A_170 : memref<10000x128xf32, #tpu.memory_space<hbm>>) target(%arg16 : memref<128x128xf32, #tpu.memory_space<vmem>>) offsets(%arg10 : memref<128xi32, #tpu.memory_space<vmem>>) semaphore(%arg21 : memref<!tpu.dma_semaphore, #tpu.memory_space<semaphore_mem>>)
      } else {
      }
      %add3A_121 = arith.constant 2 : i32
      %add3A_122 = arith.addi %add3A_100, %add3A_121 : i32
      %lt3A_123 = arith.constant 78 : i32
      %lt3A_124 = arith.cmpi slt, %add3A_122, %lt3A_123 : i32
      %convert_element_type3A_125 = arith.extui %lt3A_124 : i1 to i32
      %cond3A_126 = arith.constant 0 : i32
      %cond3A_127 = arith.cmpi ne, %convert_element_type3A_125, %cond3A_126 : i32
      scf.if %cond3A_127 {
        %add3A_159 = arith.constant 2 : i32
        %add3A_160 = arith.addi %add3A_100, %add3A_159 : i32
        %mul3A_161 = arith.constant 128 : i32
        %mul3A_162 = arith.muli %add3A_160, %mul3A_161 : i32
        %add3A_163 = arith.addi %mul3A_10, %mul3A_162 : i32
        %dma_start3A_164 = tpu.memref_slice %arg3[%add3A_163] : memref<320000xi32, #tpu.memory_space<hbm>> -> memref<128xi32, #tpu.memory_space<hbm>>
        %dma_start3A_165 = tpu.memref_slice %arg3[%add3A_163] : memref<320000xi32, #tpu.memory_space<hbm>> -> memref<128xi32, #tpu.memory_space<hbm>>
        tpu.enqueue_dma source(%dma_start3A_165 : memref<128xi32, #tpu.memory_space<hbm>>) target(%arg8 : memref<128xi32, #tpu.memory_space<vmem>>) target_semaphore(%arg25 : memref<!tpu.dma_semaphore, #tpu.memory_space<semaphore_mem>>)
      } else {
      }
      %mul3A_128 = arith.constant 3 : i32
      %mul3A_129 = arith.muli %mul3A_128, %scan3A_66 : i32
      %add3A_130 = arith.constant 2 : i32
      %add3A_131 = arith.addi %mul3A_129, %add3A_130 : i32
      %dma_wait3A_132 = arith.constant 0 : i32
      %dma_wait3A_133 = arith.constant 0 : i32
      %dma_wait3A_134 = tpu.memref_slice %arg2[%dma_wait3A_132, %dma_wait3A_133] : memref<10000x128xf32, #tpu.memory_space<hbm>> -> memref<10000x128xf32, #tpu.memory_space<hbm>>
      tpu.wait_indirect_dma semaphore(%arg21 : memref<!tpu.dma_semaphore, #tpu.memory_space<semaphore_mem>>) src(%dma_wait3A_134 : memref<10000x128xf32, #tpu.memory_space<hbm>>) dst(%arg16 : memref<128x128xf32, #tpu.memory_space<vmem>>)
      %dma_wait3A_135 = tpu.memref_slice %arg4[%mul3A_10] : memref<320000xi32, #tpu.memory_space<hbm>> -> memref<128xi32, #tpu.memory_space<hbm>>
      %dma_wait3A_136 = tpu.memref_slice %arg4[%mul3A_10] : memref<320000xi32, #tpu.memory_space<hbm>> -> memref<128xi32, #tpu.memory_space<hbm>>
      tpu.wait_dma2 semaphore(%arg26 : memref<!tpu.dma_semaphore, #tpu.memory_space<semaphore_mem>>) src(%dma_wait3A_136 : memref<128xi32, #tpu.memory_space<hbm>>) dst(%arg13 : memref<128xi32, #tpu.memory_space<vmem>>)
      %dma_start3A_137 = arith.constant 0 : i32
      %dma_start3A_138 = arith.constant 0 : i32
      %dma_start3A_139 = tpu.memref_slice %arg7[%dma_start3A_137, %dma_start3A_138] : memref<10000x128xf32, #tpu.memory_space<vmem_shared>> -> memref<10000x128xf32, #tpu.memory_space<vmem_shared>>
      tpu.enqueue_indirect_dma source(%arg16 : memref<128x128xf32, #tpu.memory_space<vmem>>) target(%dma_start3A_139 : memref<10000x128xf32, #tpu.memory_space<vmem_shared>>) offsets(%arg13 : memref<128xi32, #tpu.memory_space<vmem>>) semaphore(%arg24 : memref<!tpu.dma_semaphore, #tpu.memory_space<semaphore_mem>>) {add = true}
      %ge3A_140 = arith.constant 2 : i32
      %ge3A_141 = arith.cmpi sge, %add3A_131, %ge3A_140 : i32
      %convert_element_type3A_142 = arith.extui %ge3A_141 : i1 to i32
      %cond3A_143 = arith.constant 0 : i32
      %cond3A_144 = arith.cmpi ne, %convert_element_type3A_142, %cond3A_143 : i32
      scf.if %cond3A_144 {
        %dma_wait3A_159 = arith.constant 0 : i32
        %dma_wait3A_160 = arith.constant 0 : i32
        %dma_wait3A_161 = tpu.memref_slice %arg7[%dma_wait3A_159, %dma_wait3A_160] : memref<10000x128xf32, #tpu.memory_space<vmem_shared>> -> memref<10000x128xf32, #tpu.memory_space<vmem_shared>>
        tpu.wait_indirect_dma semaphore(%arg22 : memref<!tpu.dma_semaphore, #tpu.memory_space<semaphore_mem>>) src(%arg14 : memref<128x128xf32, #tpu.memory_space<vmem>>) dst(%dma_wait3A_161 : memref<10000x128xf32, #tpu.memory_space<vmem_shared>>)
      } else {
      }
      %add3A_145 = arith.constant 1 : i32
      %add3A_146 = arith.addi %add3A_131, %add3A_145 : i32
      %lt3A_147 = arith.constant 78 : i32
      %lt3A_148 = arith.cmpi slt, %add3A_146, %lt3A_147 : i32
      %convert_element_type3A_149 = arith.extui %lt3A_148 : i1 to i32
      %cond3A_150 = arith.constant 0 : i32
      %cond3A_151 = arith.cmpi ne, %convert_element_type3A_149, %cond3A_150 : i32
      scf.if %cond3A_151 {
        %add3A_159 = arith.constant 1 : i32
        %add3A_160 = arith.addi %add3A_131, %add3A_159 : i32
        %mul3A_161 = arith.constant 128 : i32
        %mul3A_162 = arith.muli %add3A_160, %mul3A_161 : i32
        %add3A_163 = arith.addi %mul3A_10, %mul3A_162 : i32
        %dma_start3A_164 = tpu.memref_slice %arg4[%add3A_163] : memref<320000xi32, #tpu.memory_space<hbm>> -> memref<128xi32, #tpu.memory_space<hbm>>
        %dma_start3A_165 = tpu.memref_slice %arg4[%add3A_163] : memref<320000xi32, #tpu.memory_space<hbm>> -> memref<128xi32, #tpu.memory_space<hbm>>
        tpu.enqueue_dma source(%dma_start3A_165 : memref<128xi32, #tpu.memory_space<hbm>>) target(%arg11 : memref<128xi32, #tpu.memory_space<vmem>>) target_semaphore(%arg26 : memref<!tpu.dma_semaphore, #tpu.memory_space<semaphore_mem>>)
        %dma_wait3A_166 = tpu.memref_slice %arg3[%mul3A_10] : memref<320000xi32, #tpu.memory_space<hbm>> -> memref<128xi32, #tpu.memory_space<hbm>>
        %dma_wait3A_167 = tpu.memref_slice %arg3[%mul3A_10] : memref<320000xi32, #tpu.memory_space<hbm>> -> memref<128xi32, #tpu.memory_space<hbm>>
        tpu.wait_dma2 semaphore(%arg25 : memref<!tpu.dma_semaphore, #tpu.memory_space<semaphore_mem>>) src(%dma_wait3A_167 : memref<128xi32, #tpu.memory_space<hbm>>) dst(%arg8 : memref<128xi32, #tpu.memory_space<vmem>>)
        %dma_start3A_168 = arith.constant 0 : i32
        %dma_start3A_169 = arith.constant 0 : i32
        %dma_start3A_170 = tpu.memref_slice %arg2[%dma_start3A_168, %dma_start3A_169] : memref<10000x128xf32, #tpu.memory_space<hbm>> -> memref<10000x128xf32, #tpu.memory_space<hbm>>
        tpu.enqueue_indirect_dma source(%dma_start3A_170 : memref<10000x128xf32, #tpu.memory_space<hbm>>) target(%arg14 : memref<128x128xf32, #tpu.memory_space<vmem>>) offsets(%arg8 : memref<128xi32, #tpu.memory_space<vmem>>) semaphore(%arg19 : memref<!tpu.dma_semaphore, #tpu.memory_space<semaphore_mem>>)
      } else {
      }
      %add3A_152 = arith.constant 2 : i32
      %add3A_153 = arith.addi %add3A_131, %add3A_152 : i32
      %lt3A_154 = arith.constant 78 : i32
      %lt3A_155 = arith.cmpi slt, %add3A_153, %lt3A_154 : i32
      %convert_element_type3A_156 = arith.extui %lt3A_155 : i1 to i32
      %cond3A_157 = arith.constant 0 : i32
      %cond3A_158 = arith.cmpi ne, %convert_element_type3A_156, %cond3A_157 : i32
      scf.if %cond3A_158 {
        %add3A_159 = arith.constant 2 : i32
        %add3A_160 = arith.addi %add3A_131, %add3A_159 : i32
        %mul3A_161 = arith.constant 128 : i32
        %mul3A_162 = arith.muli %add3A_160, %mul3A_161 : i32
        %add3A_163 = arith.addi %mul3A_10, %mul3A_162 : i32
        %dma_start3A_164 = tpu.memref_slice %arg3[%add3A_163] : memref<320000xi32, #tpu.memory_space<hbm>> -> memref<128xi32, #tpu.memory_space<hbm>>
        %dma_start3A_165 = tpu.memref_slice %arg3[%add3A_163] : memref<320000xi32, #tpu.memory_space<hbm>> -> memref<128xi32, #tpu.memory_space<hbm>>
        tpu.enqueue_dma source(%dma_start3A_165 : memref<128xi32, #tpu.memory_space<hbm>>) target(%arg9 : memref<128xi32, #tpu.memory_space<vmem>>) target_semaphore(%arg25 : memref<!tpu.dma_semaphore, #tpu.memory_space<semaphore_mem>>)
      } else {
      }
    }
    %scan3A_30 = arith.constant 26 : i32
    %dma_wait3A_31 = arith.constant 0 : i32
    %dma_wait3A_32 = arith.constant 0 : i32
    %dma_wait3A_33 = tpu.memref_slice %arg7[%dma_wait3A_31, %dma_wait3A_32] : memref<10000x128xf32, #tpu.memory_space<vmem_shared>> -> memref<10000x128xf32, #tpu.memory_space<vmem_shared>>
    tpu.wait_indirect_dma semaphore(%arg23 : memref<!tpu.dma_semaphore, #tpu.memory_space<semaphore_mem>>) src(%arg15 : memref<128x128xf32, #tpu.memory_space<vmem>>) dst(%dma_wait3A_33 : memref<10000x128xf32, #tpu.memory_space<vmem_shared>>)
    %dma_wait3A_34 = arith.constant 0 : i32
    %dma_wait3A_35 = arith.constant 0 : i32
    %dma_wait3A_36 = tpu.memref_slice %arg7[%dma_wait3A_34, %dma_wait3A_35] : memref<10000x128xf32, #tpu.memory_space<vmem_shared>> -> memref<10000x128xf32, #tpu.memory_space<vmem_shared>>
    tpu.wait_indirect_dma semaphore(%arg24 : memref<!tpu.dma_semaphore, #tpu.memory_space<semaphore_mem>>) src(%arg16 : memref<128x128xf32, #tpu.memory_space<vmem>>) dst(%dma_wait3A_36 : memref<10000x128xf32, #tpu.memory_space<vmem_shared>>)
    %add3A_37 = arith.constant 9984 : i32
    %add3A_38 = arith.addi %mul3A_10, %add3A_37 : i32
    "tpu.region"() ({
      %run_scoped3A = tpu.sem_alloc : memref<!tpu.dma_semaphore, #tpu.memory_space<semaphore_mem>>
      %dma_start3A_66 = tpu.memref_slice %arg3[%add3A_38] : memref<320000xi32, #tpu.memory_space<hbm>> -> memref<16xi32, #tpu.memory_space<hbm>>
      %dma_start3A_67 = tpu.memref_slice %arg3[%add3A_38] : memref<320000xi32, #tpu.memory_space<hbm>> -> memref<16xi32, #tpu.memory_space<hbm>>
      tpu.enqueue_dma source(%dma_start3A_67 : memref<16xi32, #tpu.memory_space<hbm>>) target(%arg17 : memref<16xi32, #tpu.memory_space<vmem>>) target_semaphore(%run_scoped3A : memref<!tpu.dma_semaphore, #tpu.memory_space<semaphore_mem>>)
      %dma_wait3A_68 = tpu.memref_slice %arg3[%add3A_38] : memref<320000xi32, #tpu.memory_space<hbm>> -> memref<16xi32, #tpu.memory_space<hbm>>
      %dma_wait3A_69 = tpu.memref_slice %arg3[%add3A_38] : memref<320000xi32, #tpu.memory_space<hbm>> -> memref<16xi32, #tpu.memory_space<hbm>>
      tpu.wait_dma2 semaphore(%run_scoped3A : memref<!tpu.dma_semaphore, #tpu.memory_space<semaphore_mem>>) src(%dma_wait3A_69 : memref<16xi32, #tpu.memory_space<hbm>>) dst(%arg17 : memref<16xi32, #tpu.memory_space<vmem>>)
      tpu.yield
    }) : () -> ()
    %dma_start3A_39 = arith.constant 0 : i32
    %dma_start3A_40 = arith.constant 0 : i32
    %dma_start3A_41 = tpu.memref_slice %arg14[%dma_start3A_39, %dma_start3A_40] : memref<128x128xf32, #tpu.memory_space<vmem>> -> memref<16x128xf32, #tpu.memory_space<vmem>>
    %dma_start3A_42 = arith.constant 0 : i32
    %dma_start3A_43 = arith.constant 0 : i32
    %dma_start3A_44 = tpu.memref_slice %arg2[%dma_start3A_42, %dma_start3A_43] : memref<10000x128xf32, #tpu.memory_space<hbm>> -> memref<10000x128xf32, #tpu.memory_space<hbm>>
    tpu.enqueue_indirect_dma source(%dma_start3A_44 : memref<10000x128xf32, #tpu.memory_space<hbm>>) target(%dma_start3A_41 : memref<16x128xf32, #tpu.memory_space<vmem>>) offsets(%arg17 : memref<16xi32, #tpu.memory_space<vmem>>) semaphore(%arg19 : memref<!tpu.dma_semaphore, #tpu.memory_space<semaphore_mem>>)
    "tpu.region"() ({
      %run_scoped3A = tpu.sem_alloc : memref<!tpu.dma_semaphore, #tpu.memory_space<semaphore_mem>>
      %dma_start3A_66 = tpu.memref_slice %arg4[%add3A_38] : memref<320000xi32, #tpu.memory_space<hbm>> -> memref<16xi32, #tpu.memory_space<hbm>>
      %dma_start3A_67 = tpu.memref_slice %arg4[%add3A_38] : memref<320000xi32, #tpu.memory_space<hbm>> -> memref<16xi32, #tpu.memory_space<hbm>>
      tpu.enqueue_dma source(%dma_start3A_67 : memref<16xi32, #tpu.memory_space<hbm>>) target(%arg18 : memref<16xi32, #tpu.memory_space<vmem>>) target_semaphore(%run_scoped3A : memref<!tpu.dma_semaphore, #tpu.memory_space<semaphore_mem>>)
      %dma_wait3A_68 = tpu.memref_slice %arg4[%add3A_38] : memref<320000xi32, #tpu.memory_space<hbm>> -> memref<16xi32, #tpu.memory_space<hbm>>
      %dma_wait3A_69 = tpu.memref_slice %arg4[%add3A_38] : memref<320000xi32, #tpu.memory_space<hbm>> -> memref<16xi32, #tpu.memory_space<hbm>>
      tpu.wait_dma2 semaphore(%run_scoped3A : memref<!tpu.dma_semaphore, #tpu.memory_space<semaphore_mem>>) src(%dma_wait3A_69 : memref<16xi32, #tpu.memory_space<hbm>>) dst(%arg18 : memref<16xi32, #tpu.memory_space<vmem>>)
      tpu.yield
    }) : () -> ()
    %dma_wait3A_45 = arith.constant 0 : i32
    %dma_wait3A_46 = arith.constant 0 : i32
    %dma_wait3A_47 = tpu.memref_slice %arg14[%dma_wait3A_45, %dma_wait3A_46] : memref<128x128xf32, #tpu.memory_space<vmem>> -> memref<16x128xf32, #tpu.memory_space<vmem>>
    %dma_wait3A_48 = arith.constant 0 : i32
    %dma_wait3A_49 = arith.constant 0 : i32
    %dma_wait3A_50 = tpu.memref_slice %arg2[%dma_wait3A_48, %dma_wait3A_49] : memref<10000x128xf32, #tpu.memory_space<hbm>> -> memref<10000x128xf32, #tpu.memory_space<hbm>>
    tpu.wait_indirect_dma semaphore(%arg19 : memref<!tpu.dma_semaphore, #tpu.memory_space<semaphore_mem>>) src(%dma_wait3A_50 : memref<10000x128xf32, #tpu.memory_space<hbm>>) dst(%dma_wait3A_47 : memref<16x128xf32, #tpu.memory_space<vmem>>)
    "tpu.region"() ({
      %run_scoped3A = tpu.sem_alloc : memref<!tpu.dma_semaphore, #tpu.memory_space<semaphore_mem>>
      %dma_start3A_66 = arith.constant 0 : i32
      %dma_start3A_67 = arith.constant 0 : i32
      %dma_start3A_68 = tpu.memref_slice %arg14[%dma_start3A_66, %dma_start3A_67] : memref<128x128xf32, #tpu.memory_space<vmem>> -> memref<16x128xf32, #tpu.memory_space<vmem>>
      %dma_start3A_69 = arith.constant 0 : i32
      %dma_start3A_70 = arith.constant 0 : i32
      %dma_start3A_71 = tpu.memref_slice %arg7[%dma_start3A_69, %dma_start3A_70] : memref<10000x128xf32, #tpu.memory_space<vmem_shared>> -> memref<10000x128xf32, #tpu.memory_space<vmem_shared>>
      tpu.enqueue_indirect_dma source(%dma_start3A_68 : memref<16x128xf32, #tpu.memory_space<vmem>>) target(%dma_start3A_71 : memref<10000x128xf32, #tpu.memory_space<vmem_shared>>) offsets(%arg18 : memref<16xi32, #tpu.memory_space<vmem>>) semaphore(%run_scoped3A : memref<!tpu.dma_semaphore, #tpu.memory_space<semaphore_mem>>) {add = true}
      %dma_wait3A_72 = arith.constant 0 : i32
      %dma_wait3A_73 = arith.constant 0 : i32
      %dma_wait3A_74 = tpu.memref_slice %arg14[%dma_wait3A_72, %dma_wait3A_73] : memref<128x128xf32, #tpu.memory_space<vmem>> -> memref<16x128xf32, #tpu.memory_space<vmem>>
      %dma_wait3A_75 = arith.constant 0 : i32
      %dma_wait3A_76 = arith.constant 0 : i32
      %dma_wait3A_77 = tpu.memref_slice %arg7[%dma_wait3A_75, %dma_wait3A_76] : memref<10000x128xf32, #tpu.memory_space<vmem_shared>> -> memref<10000x128xf32, #tpu.memory_space<vmem_shared>>
      tpu.wait_indirect_dma semaphore(%run_scoped3A : memref<!tpu.dma_semaphore, #tpu.memory_space<semaphore_mem>>) src(%dma_wait3A_74 : memref<16x128xf32, #tpu.memory_space<vmem>>) dst(%dma_wait3A_77 : memref<10000x128xf32, #tpu.memory_space<vmem_shared>>)
      tpu.yield
    }) : () -> ()
    %barrier3A_51 = arith.constant 0 : index
    tpu.barrier barrier_id(%barrier3A_51)
    %mul3A_52 = arith.constant 10000 : i32
    %mul3A_53 = arith.muli %arg0, %mul3A_52 : i32
    %add3A_54 = arith.addi %mul3A_53, %multiple_of3A : i32
    %multiple_of3A_55 = tpu.assume_multiple %add3A_54, 8 : i32
    %lt3A_56 = arith.constant 15 : i32
    %lt3A_57 = arith.cmpi slt, %arg1, %lt3A_56 : i32
    %convert_element_type3A_58 = arith.extui %lt3A_57 : i1 to i32
    %cond3A_59 = arith.constant 0 : i32
    %cond3A_60 = arith.cmpi ne, %convert_element_type3A_58, %cond3A_59 : i32
    scf.if %cond3A_60 {
      "tpu.region"() ({
        %run_scoped3A = tpu.sem_alloc : memref<!tpu.dma_semaphore, #tpu.memory_space<semaphore_mem>>
        %dma_start3A_66 = arith.constant 0 : i32
        %dma_start3A_67 = tpu.memref_slice %arg6[%multiple_of3A_55, %dma_start3A_66] : memref<20000x128xf32, #tpu.memory_space<hbm>> -> memref<624x128xf32, #tpu.memory_space<hbm>>
        %dma_start3A_68 = arith.constant 0 : i32
        %dma_start3A_69 = tpu.memref_slice %arg7[%multiple_of3A, %dma_start3A_68] : memref<10000x128xf32, #tpu.memory_space<vmem_shared>> -> memref<624x128xf32, #tpu.memory_space<vmem_shared>>
        tpu.enqueue_dma source(%dma_start3A_69 : memref<624x128xf32, #tpu.memory_space<vmem_shared>>) target(%dma_start3A_67 : memref<624x128xf32, #tpu.memory_space<hbm>>) target_semaphore(%run_scoped3A : memref<!tpu.dma_semaphore, #tpu.memory_space<semaphore_mem>>)
        %dma_wait3A_70 = arith.constant 0 : i32
        %dma_wait3A_71 = tpu.memref_slice %arg6[%multiple_of3A_55, %dma_wait3A_70] : memref<20000x128xf32, #tpu.memory_space<hbm>> -> memref<624x128xf32, #tpu.memory_space<hbm>>
        %dma_wait3A_72 = arith.constant 0 : i32
        %dma_wait3A_73 = tpu.memref_slice %arg7[%multiple_of3A, %dma_wait3A_72] : memref<10000x128xf32, #tpu.memory_space<vmem_shared>> -> memref<624x128xf32, #tpu.memory_space<vmem_shared>>
        tpu.wait_dma2 semaphore(%run_scoped3A : memref<!tpu.dma_semaphore, #tpu.memory_space<semaphore_mem>>) src(%dma_wait3A_73 : memref<624x128xf32, #tpu.memory_space<vmem_shared>>) dst(%dma_wait3A_71 : memref<624x128xf32, #tpu.memory_space<hbm>>)
        tpu.yield
      }) : () -> ()
    } else {
    }
    %eq3A_61 = arith.constant 15 : i32
    %eq3A_62 = arith.cmpi eq, %arg1, %eq3A_61 : i32
    %convert_element_type3A_63 = arith.extui %eq3A_62 : i1 to i32
    %cond3A_64 = arith.constant 0 : i32
    %cond3A_65 = arith.cmpi ne, %convert_element_type3A_63, %cond3A_64 : i32
    scf.if %cond3A_65 {
      %mul3A_66 = arith.constant 10000 : i32
      %mul3A_67 = arith.muli %arg0, %mul3A_66 : i32
      %add3A_68 = arith.constant 9360 : i32
      %add3A_69 = arith.addi %mul3A_67, %add3A_68 : i32
      "tpu.region"() ({
        %run_scoped3A = tpu.sem_alloc : memref<!tpu.dma_semaphore, #tpu.memory_space<semaphore_mem>>
        %dma_start3A_70 = arith.constant 0 : i32
        %dma_start3A_71 = tpu.memref_slice %arg6[%add3A_69, %dma_start3A_70] : memref<20000x128xf32, #tpu.memory_space<hbm>> -> memref<640x128xf32, #tpu.memory_space<hbm>>
        %dma_start3A_72 = arith.constant 9360 : i32
        %dma_start3A_73 = arith.constant 0 : i32
        %dma_start3A_74 = tpu.memref_slice %arg7[%dma_start3A_72, %dma_start3A_73] : memref<10000x128xf32, #tpu.memory_space<vmem_shared>> -> memref<640x128xf32, #tpu.memory_space<vmem_shared>>
        tpu.enqueue_dma source(%dma_start3A_74 : memref<640x128xf32, #tpu.memory_space<vmem_shared>>) target(%dma_start3A_71 : memref<640x128xf32, #tpu.memory_space<hbm>>) target_semaphore(%run_scoped3A : memref<!tpu.dma_semaphore, #tpu.memory_space<semaphore_mem>>)
        %dma_wait3A_75 = arith.constant 0 : i32
        %dma_wait3A_76 = tpu.memref_slice %arg6[%add3A_69, %dma_wait3A_75] : memref<20000x128xf32, #tpu.memory_space<hbm>> -> memref<640x128xf32, #tpu.memory_space<hbm>>
        %dma_wait3A_77 = arith.constant 9360 : i32
        %dma_wait3A_78 = arith.constant 0 : i32
        %dma_wait3A_79 = tpu.memref_slice %arg7[%dma_wait3A_77, %dma_wait3A_78] : memref<10000x128xf32, #tpu.memory_space<vmem_shared>> -> memref<640x128xf32, #tpu.memory_space<vmem_shared>>
        tpu.wait_dma2 semaphore(%run_scoped3A : memref<!tpu.dma_semaphore, #tpu.memory_space<semaphore_mem>>) src(%dma_wait3A_79 : memref<640x128xf32, #tpu.memory_space<vmem_shared>>) dst(%dma_wait3A_76 : memref<640x128xf32, #tpu.memory_space<hbm>>)
        tpu.yield
      }) : () -> ()
    } else {
    }
    return
  }
}

#map = affine_map<(d0, d1) -> (0, 0)>
#map1 = affine_map<(d0, d1) -> (0)>
module attributes {stable_mosaic.version = 14 : i64} {
  func.func @edge_agg(%arg0: i32, %arg1: i32, %arg2: memref<10000x128xf32, #tpu.memory_space<hbm>>, %arg3: memref<320000xi32, #tpu.memory_space<hbm>>, %arg4: memref<320000xi32, #tpu.memory_space<hbm>>, %arg5: memref<640x128xf32, #tpu.memory_space<hbm>>, %arg6: memref<20000x128xf32, #tpu.memory_space<hbm>>, %arg7: memref<10000x128xf32, #tpu.memory_space<vmem_shared>>, %arg8: memref<128xi32, #tpu.memory_space<vmem>>, %arg9: memref<128xi32, #tpu.memory_space<vmem>>, %arg10: memref<128xi32, #tpu.memory_space<vmem>>, %arg11: memref<128xi32, #tpu.memory_space<vmem>>, %arg12: memref<128xi32, #tpu.memory_space<vmem>>, %arg13: memref<128xi32, #tpu.memory_space<vmem>>, %arg14: memref<128x128xf32, #tpu.memory_space<vmem>>, %arg15: memref<128x128xf32, #tpu.memory_space<vmem>>, %arg16: memref<128x128xf32, #tpu.memory_space<vmem>>, %arg17: memref<16xi32, #tpu.memory_space<vmem>>, %arg18: memref<16xi32, #tpu.memory_space<vmem>>, %arg19: memref<!tpu.dma_semaphore, #tpu.memory_space<semaphore_mem>>, %arg20: memref<!tpu.dma_semaphore, #tpu.memory_space<semaphore_mem>>, %arg21: memref<!tpu.dma_semaphore, #tpu.memory_space<semaphore_mem>>, %arg22: memref<!tpu.dma_semaphore, #tpu.memory_space<semaphore_mem>>, %arg23: memref<!tpu.dma_semaphore, #tpu.memory_space<semaphore_mem>>, %arg24: memref<!tpu.dma_semaphore, #tpu.memory_space<semaphore_mem>>, %arg25: memref<!tpu.dma_semaphore, #tpu.memory_space<semaphore_mem>>, %arg26: memref<!tpu.dma_semaphore, #tpu.memory_space<semaphore_mem>>) attributes {dimension_semantics = [#tpu.dimension_semantics<core_parallel>, #tpu.dimension_semantics<subcore_parallel>], iteration_bounds = array<i64: 2, 16>, scalar_prefetch = 0 : i64, scratch_operands = 20 : i64, tpu.core_type = #tpu.core_type<sc_vector_subcore>, window_params = [{transform_indices = #map}, {transform_indices = #map1}, {transform_indices = #map1}, {transform_indices = #map}, {transform_indices = #map}]} {
    %mul3A = arith.constant 2 : i32
    %mul3A_0 = arith.muli %arg1, %mul3A : i32
    %add3A = arith.addi %mul3A_0, %arg0 : i32
    %mul3A_1 = arith.constant 624 : i32
    %mul3A_2 = arith.muli %arg1, %mul3A_1 : i32
    %multiple_of3A = tpu.assume_multiple %mul3A_2, 8 : i32
    %lt3A = arith.constant 15 : i32
    %lt3A_3 = arith.cmpi slt, %arg1, %lt3A : i32
    %convert_element_type3A = arith.extui %lt3A_3 : i1 to i32
    %cond3A = arith.constant 0 : i32
    %cond3A_4 = arith.cmpi ne, %convert_element_type3A, %cond3A : i32
    scf.if %cond3A_4 {
      "tpu.region"() ({
        %run_scoped3A = tpu.sem_alloc : memref<!tpu.dma_semaphore, #tpu.memory_space<semaphore_mem>>
        %dma_start3A_66 = arith.constant 0 : i32
        %dma_start3A_67 = tpu.memref_slice %arg7[%multiple_of3A, %dma_start3A_66] : memref<10000x128xf32, #tpu.memory_space<vmem_shared>> -> memref<624x128xf32, #tpu.memory_space<vmem_shared>>
        %dma_start3A_68 = arith.constant 0 : i32
        %dma_start3A_69 = arith.constant 0 : i32
        %dma_start3A_70 = tpu.memref_slice %arg5[%dma_start3A_68, %dma_start3A_69] : memref<640x128xf32, #tpu.memory_space<hbm>> -> memref<624x128xf32, #tpu.memory_space<hbm>>
        tpu.enqueue_dma source(%dma_start3A_70 : memref<624x128xf32, #tpu.memory_space<hbm>>) target(%dma_start3A_67 : memref<624x128xf32, #tpu.memory_space<vmem_shared>>) target_semaphore(%run_scoped3A : memref<!tpu.dma_semaphore, #tpu.memory_space<semaphore_mem>>)
        %dma_wait3A_71 = arith.constant 0 : i32
        %dma_wait3A_72 = tpu.memref_slice %arg7[%multiple_of3A, %dma_wait3A_71] : memref<10000x128xf32, #tpu.memory_space<vmem_shared>> -> memref<624x128xf32, #tpu.memory_space<vmem_shared>>
        %dma_wait3A_73 = arith.constant 0 : i32
        %dma_wait3A_74 = arith.constant 0 : i32
        %dma_wait3A_75 = tpu.memref_slice %arg5[%dma_wait3A_73, %dma_wait3A_74] : memref<640x128xf32, #tpu.memory_space<hbm>> -> memref<624x128xf32, #tpu.memory_space<hbm>>
        tpu.wait_dma2 semaphore(%run_scoped3A : memref<!tpu.dma_semaphore, #tpu.memory_space<semaphore_mem>>) src(%dma_wait3A_75 : memref<624x128xf32, #tpu.memory_space<hbm>>) dst(%dma_wait3A_72 : memref<624x128xf32, #tpu.memory_space<vmem_shared>>)
        tpu.yield
      }) : () -> ()
    } else {
    }
    %eq3A = arith.constant 15 : i32
    %eq3A_5 = arith.cmpi eq, %arg1, %eq3A : i32
    %convert_element_type3A_6 = arith.extui %eq3A_5 : i1 to i32
    %cond3A_7 = arith.constant 0 : i32
    %cond3A_8 = arith.cmpi ne, %convert_element_type3A_6, %cond3A_7 : i32
    scf.if %cond3A_8 {
      "tpu.region"() ({
        %run_scoped3A = tpu.sem_alloc : memref<!tpu.dma_semaphore, #tpu.memory_space<semaphore_mem>>
        %dma_start3A_66 = arith.constant 9360 : i32
        %dma_start3A_67 = arith.constant 0 : i32
        %dma_start3A_68 = tpu.memref_slice %arg7[%dma_start3A_66, %dma_start3A_67] : memref<10000x128xf32, #tpu.memory_space<vmem_shared>> -> memref<640x128xf32, #tpu.memory_space<vmem_shared>>
        tpu.enqueue_dma source(%arg5 : memref<640x128xf32, #tpu.memory_space<hbm>>) target(%dma_start3A_68 : memref<640x128xf32, #tpu.memory_space<vmem_shared>>) target_semaphore(%run_scoped3A : memref<!tpu.dma_semaphore, #tpu.memory_space<semaphore_mem>>)
        %dma_wait3A_69 = arith.constant 9360 : i32
        %dma_wait3A_70 = arith.constant 0 : i32
        %dma_wait3A_71 = tpu.memref_slice %arg7[%dma_wait3A_69, %dma_wait3A_70] : memref<10000x128xf32, #tpu.memory_space<vmem_shared>> -> memref<640x128xf32, #tpu.memory_space<vmem_shared>>
        tpu.wait_dma2 semaphore(%run_scoped3A : memref<!tpu.dma_semaphore, #tpu.memory_space<semaphore_mem>>) src(%arg5 : memref<640x128xf32, #tpu.memory_space<hbm>>) dst(%dma_wait3A_71 : memref<640x128xf32, #tpu.memory_space<vmem_shared>>)
        tpu.yield
      }) : () -> ()
    } else {
    }
    %barrier3A = arith.constant 0 : index
    tpu.barrier barrier_id(%barrier3A)
    %mul3A_9 = arith.constant 10000 : i32
    %mul3A_10 = arith.muli %add3A, %mul3A_9 : i32
    %add3A_11 = arith.constant 0 : i32
    %add3A_12 = arith.addi %mul3A_10, %add3A_11 : i32
    %dma_start3A = tpu.memref_slice %arg3[%add3A_12] : memref<320000xi32, #tpu.memory_space<hbm>> -> memref<128xi32, #tpu.memory_space<hbm>>
    %dma_start3A_13 = tpu.memref_slice %arg3[%add3A_12] : memref<320000xi32, #tpu.memory_space<hbm>> -> memref<128xi32, #tpu.memory_space<hbm>>
    tpu.enqueue_dma source(%dma_start3A_13 : memref<128xi32, #tpu.memory_space<hbm>>) target(%arg8 : memref<128xi32, #tpu.memory_space<vmem>>) target_semaphore(%arg25 : memref<!tpu.dma_semaphore, #tpu.memory_space<semaphore_mem>>)
    %dma_wait3A = tpu.memref_slice %arg3[%mul3A_10] : memref<320000xi32, #tpu.memory_space<hbm>> -> memref<128xi32, #tpu.memory_space<hbm>>
    %dma_wait3A_14 = tpu.memref_slice %arg3[%mul3A_10] : memref<320000xi32, #tpu.memory_space<hbm>> -> memref<128xi32, #tpu.memory_space<hbm>>
    tpu.wait_dma2 semaphore(%arg25 : memref<!tpu.dma_semaphore, #tpu.memory_space<semaphore_mem>>) src(%dma_wait3A_14 : memref<128xi32, #tpu.memory_space<hbm>>) dst(%arg8 : memref<128xi32, #tpu.memory_space<vmem>>)
    %dma_start3A_15 = arith.constant 0 : i32
    %dma_start3A_16 = arith.constant 0 : i32
    %dma_start3A_17 = tpu.memref_slice %arg2[%dma_start3A_15, %dma_start3A_16] : memref<10000x128xf32, #tpu.memory_space<hbm>> -> memref<10000x128xf32, #tpu.memory_space<hbm>>
    tpu.enqueue_indirect_dma source(%dma_start3A_17 : memref<10000x128xf32, #tpu.memory_space<hbm>>) target(%arg14 : memref<128x128xf32, #tpu.memory_space<vmem>>) offsets(%arg8 : memref<128xi32, #tpu.memory_space<vmem>>) semaphore(%arg19 : memref<!tpu.dma_semaphore, #tpu.memory_space<semaphore_mem>>)
    %add3A_18 = arith.constant 128 : i32
    %add3A_19 = arith.addi %mul3A_10, %add3A_18 : i32
    %dma_start3A_20 = tpu.memref_slice %arg3[%add3A_19] : memref<320000xi32, #tpu.memory_space<hbm>> -> memref<128xi32, #tpu.memory_space<hbm>>
    %dma_start3A_21 = tpu.memref_slice %arg3[%add3A_19] : memref<320000xi32, #tpu.memory_space<hbm>> -> memref<128xi32, #tpu.memory_space<hbm>>
    tpu.enqueue_dma source(%dma_start3A_21 : memref<128xi32, #tpu.memory_space<hbm>>) target(%arg9 : memref<128xi32, #tpu.memory_space<vmem>>) target_semaphore(%arg25 : memref<!tpu.dma_semaphore, #tpu.memory_space<semaphore_mem>>)
    %add3A_22 = arith.constant 0 : i32
    %add3A_23 = arith.addi %mul3A_10, %add3A_22 : i32
    %dma_start3A_24 = tpu.memref_slice %arg4[%add3A_23] : memref<320000xi32, #tpu.memory_space<hbm>> -> memref<128xi32, #tpu.memory_space<hbm>>
    %dma_start3A_25 = tpu.memref_slice %arg4[%add3A_23] : memref<320000xi32, #tpu.memory_space<hbm>> -> memref<128xi32, #tpu.memory_space<hbm>>
    tpu.enqueue_dma source(%dma_start3A_25 : memref<128xi32, #tpu.memory_space<hbm>>) target(%arg11 : memref<128xi32, #tpu.memory_space<vmem>>) target_semaphore(%arg26 : memref<!tpu.dma_semaphore, #tpu.memory_space<semaphore_mem>>)
    %scan3A = arith.constant 0 : i32
    %scan3A_26 = arith.constant 0 : i32
    %scan3A_27 = arith.constant 26 : i32
    %scan3A_28 = arith.addi %scan3A_26, %scan3A_27 : i32
    %scan3A_29 = arith.constant 1 : i32
    scf.for %scan3A_66 = %scan3A_26 to %scan3A_28 step %scan3A_29  : i32 {
      %mul3A_67 = arith.constant 3 : i32
      %mul3A_68 = arith.muli %mul3A_67, %scan3A_66 : i32
      %add3A_69 = arith.constant 0 : i32
      %add3A_70 = arith.addi %mul3A_68, %add3A_69 : i32
      %dma_wait3A_71 = arith.constant 0 : i32
      %dma_wait3A_72 = arith.constant 0 : i32
      %dma_wait3A_73 = tpu.memref_slice %arg2[%dma_wait3A_71, %dma_wait3A_72] : memref<10000x128xf32, #tpu.memory_space<hbm>> -> memref<10000x128xf32, #tpu.memory_space<hbm>>
      tpu.wait_indirect_dma semaphore(%arg19 : memref<!tpu.dma_semaphore, #tpu.memory_space<semaphore_mem>>) src(%dma_wait3A_73 : memref<10000x128xf32, #tpu.memory_space<hbm>>) dst(%arg14 : memref<128x128xf32, #tpu.memory_space<vmem>>)
      %dma_wait3A_74 = tpu.memref_slice %arg4[%mul3A_10] : memref<320000xi32, #tpu.memory_space<hbm>> -> memref<128xi32, #tpu.memory_space<hbm>>
      %dma_wait3A_75 = tpu.memref_slice %arg4[%mul3A_10] : memref<320000xi32, #tpu.memory_space<hbm>> -> memref<128xi32, #tpu.memory_space<hbm>>
      tpu.wait_dma2 semaphore(%arg26 : memref<!tpu.dma_semaphore, #tpu.memory_space<semaphore_mem>>) src(%dma_wait3A_75 : memref<128xi32, #tpu.memory_space<hbm>>) dst(%arg11 : memref<128xi32, #tpu.memory_space<vmem>>)
      %dma_start3A_76 = arith.constant 0 : i32
      %dma_start3A_77 = arith.constant 0 : i32
      %dma_start3A_78 = tpu.memref_slice %arg7[%dma_start3A_76, %dma_start3A_77] : memref<10000x128xf32, #tpu.memory_space<vmem_shared>> -> memref<10000x128xf32, #tpu.memory_space<vmem_shared>>
      tpu.enqueue_indirect_dma source(%arg14 : memref<128x128xf32, #tpu.memory_space<vmem>>) target(%dma_start3A_78 : memref<10000x128xf32, #tpu.memory_space<vmem_shared>>) offsets(%arg11 : memref<128xi32, #tpu.memory_space<vmem>>) semaphore(%arg22 : memref<!tpu.dma_semaphore, #tpu.memory_space<semaphore_mem>>) {add = true}
      %ge3A = arith.constant 2 : i32
      %ge3A_79 = arith.cmpi sge, %add3A_70, %ge3A : i32
      %convert_element_type3A_80 = arith.extui %ge3A_79 : i1 to i32
      %cond3A_81 = arith.constant 0 : i32
      %cond3A_82 = arith.cmpi ne, %convert_element_type3A_80, %cond3A_81 : i32
      scf.if %cond3A_82 {
        %dma_wait3A_159 = arith.constant 0 : i32
        %dma_wait3A_160 = arith.constant 0 : i32
        %dma_wait3A_161 = tpu.memref_slice %arg7[%dma_wait3A_159, %dma_wait3A_160] : memref<10000x128xf32, #tpu.memory_space<vmem_shared>> -> memref<10000x128xf32, #tpu.memory_space<vmem_shared>>
        tpu.wait_indirect_dma semaphore(%arg23 : memref<!tpu.dma_semaphore, #tpu.memory_space<semaphore_mem>>) src(%arg15 : memref<128x128xf32, #tpu.memory_space<vmem>>) dst(%dma_wait3A_161 : memref<10000x128xf32, #tpu.memory_space<vmem_shared>>)
      } else {
      }
      %add3A_83 = arith.constant 1 : i32
      %add3A_84 = arith.addi %add3A_70, %add3A_83 : i32
      %lt3A_85 = arith.constant 78 : i32
      %lt3A_86 = arith.cmpi slt, %add3A_84, %lt3A_85 : i32
      %convert_element_type3A_87 = arith.extui %lt3A_86 : i1 to i32
      %cond3A_88 = arith.constant 0 : i32
      %cond3A_89 = arith.cmpi ne, %convert_element_type3A_87, %cond3A_88 : i32
      scf.if %cond3A_89 {
        %add3A_159 = arith.constant 1 : i32
        %add3A_160 = arith.addi %add3A_70, %add3A_159 : i32
        %mul3A_161 = arith.constant 128 : i32
        %mul3A_162 = arith.muli %add3A_160, %mul3A_161 : i32
        %add3A_163 = arith.addi %mul3A_10, %mul3A_162 : i32
        %dma_start3A_164 = tpu.memref_slice %arg4[%add3A_163] : memref<320000xi32, #tpu.memory_space<hbm>> -> memref<128xi32, #tpu.memory_space<hbm>>
        %dma_start3A_165 = tpu.memref_slice %arg4[%add3A_163] : memref<320000xi32, #tpu.memory_space<hbm>> -> memref<128xi32, #tpu.memory_space<hbm>>
        tpu.enqueue_dma source(%dma_start3A_165 : memref<128xi32, #tpu.memory_space<hbm>>) target(%arg12 : memref<128xi32, #tpu.memory_space<vmem>>) target_semaphore(%arg26 : memref<!tpu.dma_semaphore, #tpu.memory_space<semaphore_mem>>)
        %dma_wait3A_166 = tpu.memref_slice %arg3[%mul3A_10] : memref<320000xi32, #tpu.memory_space<hbm>> -> memref<128xi32, #tpu.memory_space<hbm>>
        %dma_wait3A_167 = tpu.memref_slice %arg3[%mul3A_10] : memref<320000xi32, #tpu.memory_space<hbm>> -> memref<128xi32, #tpu.memory_space<hbm>>
        tpu.wait_dma2 semaphore(%arg25 : memref<!tpu.dma_semaphore, #tpu.memory_space<semaphore_mem>>) src(%dma_wait3A_167 : memref<128xi32, #tpu.memory_space<hbm>>) dst(%arg9 : memref<128xi32, #tpu.memory_space<vmem>>)
        %dma_start3A_168 = arith.constant 0 : i32
        %dma_start3A_169 = arith.constant 0 : i32
        %dma_start3A_170 = tpu.memref_slice %arg2[%dma_start3A_168, %dma_start3A_169] : memref<10000x128xf32, #tpu.memory_space<hbm>> -> memref<10000x128xf32, #tpu.memory_space<hbm>>
        tpu.enqueue_indirect_dma source(%dma_start3A_170 : memref<10000x128xf32, #tpu.memory_space<hbm>>) target(%arg15 : memref<128x128xf32, #tpu.memory_space<vmem>>) offsets(%arg9 : memref<128xi32, #tpu.memory_space<vmem>>) semaphore(%arg20 : memref<!tpu.dma_semaphore, #tpu.memory_space<semaphore_mem>>)
      } else {
      }
      %add3A_90 = arith.constant 2 : i32
      %add3A_91 = arith.addi %add3A_70, %add3A_90 : i32
      %lt3A_92 = arith.constant 78 : i32
      %lt3A_93 = arith.cmpi slt, %add3A_91, %lt3A_92 : i32
      %convert_element_type3A_94 = arith.extui %lt3A_93 : i1 to i32
      %cond3A_95 = arith.constant 0 : i32
      %cond3A_96 = arith.cmpi ne, %convert_element_type3A_94, %cond3A_95 : i32
      scf.if %cond3A_96 {
        %add3A_159 = arith.constant 2 : i32
        %add3A_160 = arith.addi %add3A_70, %add3A_159 : i32
        %mul3A_161 = arith.constant 128 : i32
        %mul3A_162 = arith.muli %add3A_160, %mul3A_161 : i32
        %add3A_163 = arith.addi %mul3A_10, %mul3A_162 : i32
        %dma_start3A_164 = tpu.memref_slice %arg3[%add3A_163] : memref<320000xi32, #tpu.memory_space<hbm>> -> memref<128xi32, #tpu.memory_space<hbm>>
        %dma_start3A_165 = tpu.memref_slice %arg3[%add3A_163] : memref<320000xi32, #tpu.memory_space<hbm>> -> memref<128xi32, #tpu.memory_space<hbm>>
        tpu.enqueue_dma source(%dma_start3A_165 : memref<128xi32, #tpu.memory_space<hbm>>) target(%arg10 : memref<128xi32, #tpu.memory_space<vmem>>) target_semaphore(%arg25 : memref<!tpu.dma_semaphore, #tpu.memory_space<semaphore_mem>>)
      } else {
      }
      %mul3A_97 = arith.constant 3 : i32
      %mul3A_98 = arith.muli %mul3A_97, %scan3A_66 : i32
      %add3A_99 = arith.constant 1 : i32
      %add3A_100 = arith.addi %mul3A_98, %add3A_99 : i32
      %dma_wait3A_101 = arith.constant 0 : i32
      %dma_wait3A_102 = arith.constant 0 : i32
      %dma_wait3A_103 = tpu.memref_slice %arg2[%dma_wait3A_101, %dma_wait3A_102] : memref<10000x128xf32, #tpu.memory_space<hbm>> -> memref<10000x128xf32, #tpu.memory_space<hbm>>
      tpu.wait_indirect_dma semaphore(%arg20 : memref<!tpu.dma_semaphore, #tpu.memory_space<semaphore_mem>>) src(%dma_wait3A_103 : memref<10000x128xf32, #tpu.memory_space<hbm>>) dst(%arg15 : memref<128x128xf32, #tpu.memory_space<vmem>>)
      %dma_wait3A_104 = tpu.memref_slice %arg4[%mul3A_10] : memref<320000xi32, #tpu.memory_space<hbm>> -> memref<128xi32, #tpu.memory_space<hbm>>
      %dma_wait3A_105 = tpu.memref_slice %arg4[%mul3A_10] : memref<320000xi32, #tpu.memory_space<hbm>> -> memref<128xi32, #tpu.memory_space<hbm>>
      tpu.wait_dma2 semaphore(%arg26 : memref<!tpu.dma_semaphore, #tpu.memory_space<semaphore_mem>>) src(%dma_wait3A_105 : memref<128xi32, #tpu.memory_space<hbm>>) dst(%arg12 : memref<128xi32, #tpu.memory_space<vmem>>)
      %dma_start3A_106 = arith.constant 0 : i32
      %dma_start3A_107 = arith.constant 0 : i32
      %dma_start3A_108 = tpu.memref_slice %arg7[%dma_start3A_106, %dma_start3A_107] : memref<10000x128xf32, #tpu.memory_space<vmem_shared>> -> memref<10000x128xf32, #tpu.memory_space<vmem_shared>>
      tpu.enqueue_indirect_dma source(%arg15 : memref<128x128xf32, #tpu.memory_space<vmem>>) target(%dma_start3A_108 : memref<10000x128xf32, #tpu.memory_space<vmem_shared>>) offsets(%arg12 : memref<128xi32, #tpu.memory_space<vmem>>) semaphore(%arg23 : memref<!tpu.dma_semaphore, #tpu.memory_space<semaphore_mem>>) {add = true}
      %ge3A_109 = arith.constant 2 : i32
      %ge3A_110 = arith.cmpi sge, %add3A_100, %ge3A_109 : i32
      %convert_element_type3A_111 = arith.extui %ge3A_110 : i1 to i32
      %cond3A_112 = arith.constant 0 : i32
      %cond3A_113 = arith.cmpi ne, %convert_element_type3A_111, %cond3A_112 : i32
      scf.if %cond3A_113 {
        %dma_wait3A_159 = arith.constant 0 : i32
        %dma_wait3A_160 = arith.constant 0 : i32
        %dma_wait3A_161 = tpu.memref_slice %arg7[%dma_wait3A_159, %dma_wait3A_160] : memref<10000x128xf32, #tpu.memory_space<vmem_shared>> -> memref<10000x128xf32, #tpu.memory_space<vmem_shared>>
        tpu.wait_indirect_dma semaphore(%arg24 : memref<!tpu.dma_semaphore, #tpu.memory_space<semaphore_mem>>) src(%arg16 : memref<128x128xf32, #tpu.memory_space<vmem>>) dst(%dma_wait3A_161 : memref<10000x128xf32, #tpu.memory_space<vmem_shared>>)
      } else {
      }
      %add3A_114 = arith.constant 1 : i32
      %add3A_115 = arith.addi %add3A_100, %add3A_114 : i32
      %lt3A_116 = arith.constant 78 : i32
      %lt3A_117 = arith.cmpi slt, %add3A_115, %lt3A_116 : i32
      %convert_element_type3A_118 = arith.extui %lt3A_117 : i1 to i32
      %cond3A_119 = arith.constant 0 : i32
      %cond3A_120 = arith.cmpi ne, %convert_element_type3A_118, %cond3A_119 : i32
      scf.if %cond3A_120 {
        %add3A_159 = arith.constant 1 : i32
        %add3A_160 = arith.addi %add3A_100, %add3A_159 : i32
        %mul3A_161 = arith.constant 128 : i32
        %mul3A_162 = arith.muli %add3A_160, %mul3A_161 : i32
        %add3A_163 = arith.addi %mul3A_10, %mul3A_162 : i32
        %dma_start3A_164 = tpu.memref_slice %arg4[%add3A_163] : memref<320000xi32, #tpu.memory_space<hbm>> -> memref<128xi32, #tpu.memory_space<hbm>>
        %dma_start3A_165 = tpu.memref_slice %arg4[%add3A_163] : memref<320000xi32, #tpu.memory_space<hbm>> -> memref<128xi32, #tpu.memory_space<hbm>>
        tpu.enqueue_dma source(%dma_start3A_165 : memref<128xi32, #tpu.memory_space<hbm>>) target(%arg13 : memref<128xi32, #tpu.memory_space<vmem>>) target_semaphore(%arg26 : memref<!tpu.dma_semaphore, #tpu.memory_space<semaphore_mem>>)
        %dma_wait3A_166 = tpu.memref_slice %arg3[%mul3A_10] : memref<320000xi32, #tpu.memory_space<hbm>> -> memref<128xi32, #tpu.memory_space<hbm>>
        %dma_wait3A_167 = tpu.memref_slice %arg3[%mul3A_10] : memref<320000xi32, #tpu.memory_space<hbm>> -> memref<128xi32, #tpu.memory_space<hbm>>
        tpu.wait_dma2 semaphore(%arg25 : memref<!tpu.dma_semaphore, #tpu.memory_space<semaphore_mem>>) src(%dma_wait3A_167 : memref<128xi32, #tpu.memory_space<hbm>>) dst(%arg10 : memref<128xi32, #tpu.memory_space<vmem>>)
        %dma_start3A_168 = arith.constant 0 : i32
        %dma_start3A_169 = arith.constant 0 : i32
        %dma_start3A_170 = tpu.memref_slice %arg2[%dma_start3A_168, %dma_start3A_169] : memref<10000x128xf32, #tpu.memory_space<hbm>> -> memref<10000x128xf32, #tpu.memory_space<hbm>>
        tpu.enqueue_indirect_dma source(%dma_start3A_170 : memref<10000x128xf32, #tpu.memory_space<hbm>>) target(%arg16 : memref<128x128xf32, #tpu.memory_space<vmem>>) offsets(%arg10 : memref<128xi32, #tpu.memory_space<vmem>>) semaphore(%arg21 : memref<!tpu.dma_semaphore, #tpu.memory_space<semaphore_mem>>)
      } else {
      }
      %add3A_121 = arith.constant 2 : i32
      %add3A_122 = arith.addi %add3A_100, %add3A_121 : i32
      %lt3A_123 = arith.constant 78 : i32
      %lt3A_124 = arith.cmpi slt, %add3A_122, %lt3A_123 : i32
      %convert_element_type3A_125 = arith.extui %lt3A_124 : i1 to i32
      %cond3A_126 = arith.constant 0 : i32
      %cond3A_127 = arith.cmpi ne, %convert_element_type3A_125, %cond3A_126 : i32
      scf.if %cond3A_127 {
        %add3A_159 = arith.constant 2 : i32
        %add3A_160 = arith.addi %add3A_100, %add3A_159 : i32
        %mul3A_161 = arith.constant 128 : i32
        %mul3A_162 = arith.muli %add3A_160, %mul3A_161 : i32
        %add3A_163 = arith.addi %mul3A_10, %mul3A_162 : i32
        %dma_start3A_164 = tpu.memref_slice %arg3[%add3A_163] : memref<320000xi32, #tpu.memory_space<hbm>> -> memref<128xi32, #tpu.memory_space<hbm>>
        %dma_start3A_165 = tpu.memref_slice %arg3[%add3A_163] : memref<320000xi32, #tpu.memory_space<hbm>> -> memref<128xi32, #tpu.memory_space<hbm>>
        tpu.enqueue_dma source(%dma_start3A_165 : memref<128xi32, #tpu.memory_space<hbm>>) target(%arg8 : memref<128xi32, #tpu.memory_space<vmem>>) target_semaphore(%arg25 : memref<!tpu.dma_semaphore, #tpu.memory_space<semaphore_mem>>)
      } else {
      }
      %mul3A_128 = arith.constant 3 : i32
      %mul3A_129 = arith.muli %mul3A_128, %scan3A_66 : i32
      %add3A_130 = arith.constant 2 : i32
      %add3A_131 = arith.addi %mul3A_129, %add3A_130 : i32
      %dma_wait3A_132 = arith.constant 0 : i32
      %dma_wait3A_133 = arith.constant 0 : i32
      %dma_wait3A_134 = tpu.memref_slice %arg2[%dma_wait3A_132, %dma_wait3A_133] : memref<10000x128xf32, #tpu.memory_space<hbm>> -> memref<10000x128xf32, #tpu.memory_space<hbm>>
      tpu.wait_indirect_dma semaphore(%arg21 : memref<!tpu.dma_semaphore, #tpu.memory_space<semaphore_mem>>) src(%dma_wait3A_134 : memref<10000x128xf32, #tpu.memory_space<hbm>>) dst(%arg16 : memref<128x128xf32, #tpu.memory_space<vmem>>)
      %dma_wait3A_135 = tpu.memref_slice %arg4[%mul3A_10] : memref<320000xi32, #tpu.memory_space<hbm>> -> memref<128xi32, #tpu.memory_space<hbm>>
      %dma_wait3A_136 = tpu.memref_slice %arg4[%mul3A_10] : memref<320000xi32, #tpu.memory_space<hbm>> -> memref<128xi32, #tpu.memory_space<hbm>>
      tpu.wait_dma2 semaphore(%arg26 : memref<!tpu.dma_semaphore, #tpu.memory_space<semaphore_mem>>) src(%dma_wait3A_136 : memref<128xi32, #tpu.memory_space<hbm>>) dst(%arg13 : memref<128xi32, #tpu.memory_space<vmem>>)
      %dma_start3A_137 = arith.constant 0 : i32
      %dma_start3A_138 = arith.constant 0 : i32
      %dma_start3A_139 = tpu.memref_slice %arg7[%dma_start3A_137, %dma_start3A_138] : memref<10000x128xf32, #tpu.memory_space<vmem_shared>> -> memref<10000x128xf32, #tpu.memory_space<vmem_shared>>
      tpu.enqueue_indirect_dma source(%arg16 : memref<128x128xf32, #tpu.memory_space<vmem>>) target(%dma_start3A_139 : memref<10000x128xf32, #tpu.memory_space<vmem_shared>>) offsets(%arg13 : memref<128xi32, #tpu.memory_space<vmem>>) semaphore(%arg24 : memref<!tpu.dma_semaphore, #tpu.memory_space<semaphore_mem>>) {add = true}
      %ge3A_140 = arith.constant 2 : i32
      %ge3A_141 = arith.cmpi sge, %add3A_131, %ge3A_140 : i32
      %convert_element_type3A_142 = arith.extui %ge3A_141 : i1 to i32
      %cond3A_143 = arith.constant 0 : i32
      %cond3A_144 = arith.cmpi ne, %convert_element_type3A_142, %cond3A_143 : i32
      scf.if %cond3A_144 {
        %dma_wait3A_159 = arith.constant 0 : i32
        %dma_wait3A_160 = arith.constant 0 : i32
        %dma_wait3A_161 = tpu.memref_slice %arg7[%dma_wait3A_159, %dma_wait3A_160] : memref<10000x128xf32, #tpu.memory_space<vmem_shared>> -> memref<10000x128xf32, #tpu.memory_space<vmem_shared>>
        tpu.wait_indirect_dma semaphore(%arg22 : memref<!tpu.dma_semaphore, #tpu.memory_space<semaphore_mem>>) src(%arg14 : memref<128x128xf32, #tpu.memory_space<vmem>>) dst(%dma_wait3A_161 : memref<10000x128xf32, #tpu.memory_space<vmem_shared>>)
      } else {
      }
      %add3A_145 = arith.constant 1 : i32
      %add3A_146 = arith.addi %add3A_131, %add3A_145 : i32
      %lt3A_147 = arith.constant 78 : i32
      %lt3A_148 = arith.cmpi slt, %add3A_146, %lt3A_147 : i32
      %convert_element_type3A_149 = arith.extui %lt3A_148 : i1 to i32
      %cond3A_150 = arith.constant 0 : i32
      %cond3A_151 = arith.cmpi ne, %convert_element_type3A_149, %cond3A_150 : i32
      scf.if %cond3A_151 {
        %add3A_159 = arith.constant 1 : i32
        %add3A_160 = arith.addi %add3A_131, %add3A_159 : i32
        %mul3A_161 = arith.constant 128 : i32
        %mul3A_162 = arith.muli %add3A_160, %mul3A_161 : i32
        %add3A_163 = arith.addi %mul3A_10, %mul3A_162 : i32
        %dma_start3A_164 = tpu.memref_slice %arg4[%add3A_163] : memref<320000xi32, #tpu.memory_space<hbm>> -> memref<128xi32, #tpu.memory_space<hbm>>
        %dma_start3A_165 = tpu.memref_slice %arg4[%add3A_163] : memref<320000xi32, #tpu.memory_space<hbm>> -> memref<128xi32, #tpu.memory_space<hbm>>
        tpu.enqueue_dma source(%dma_start3A_165 : memref<128xi32, #tpu.memory_space<hbm>>) target(%arg11 : memref<128xi32, #tpu.memory_space<vmem>>) target_semaphore(%arg26 : memref<!tpu.dma_semaphore, #tpu.memory_space<semaphore_mem>>)
        %dma_wait3A_166 = tpu.memref_slice %arg3[%mul3A_10] : memref<320000xi32, #tpu.memory_space<hbm>> -> memref<128xi32, #tpu.memory_space<hbm>>
        %dma_wait3A_167 = tpu.memref_slice %arg3[%mul3A_10] : memref<320000xi32, #tpu.memory_space<hbm>> -> memref<128xi32, #tpu.memory_space<hbm>>
        tpu.wait_dma2 semaphore(%arg25 : memref<!tpu.dma_semaphore, #tpu.memory_space<semaphore_mem>>) src(%dma_wait3A_167 : memref<128xi32, #tpu.memory_space<hbm>>) dst(%arg8 : memref<128xi32, #tpu.memory_space<vmem>>)
        %dma_start3A_168 = arith.constant 0 : i32
        %dma_start3A_169 = arith.constant 0 : i32
        %dma_start3A_170 = tpu.memref_slice %arg2[%dma_start3A_168, %dma_start3A_169] : memref<10000x128xf32, #tpu.memory_space<hbm>> -> memref<10000x128xf32, #tpu.memory_space<hbm>>
        tpu.enqueue_indirect_dma source(%dma_start3A_170 : memref<10000x128xf32, #tpu.memory_space<hbm>>) target(%arg14 : memref<128x128xf32, #tpu.memory_space<vmem>>) offsets(%arg8 : memref<128xi32, #tpu.memory_space<vmem>>) semaphore(%arg19 : memref<!tpu.dma_semaphore, #tpu.memory_space<semaphore_mem>>)
      } else {
      }
      %add3A_152 = arith.constant 2 : i32
      %add3A_153 = arith.addi %add3A_131, %add3A_152 : i32
      %lt3A_154 = arith.constant 78 : i32
      %lt3A_155 = arith.cmpi slt, %add3A_153, %lt3A_154 : i32
      %convert_element_type3A_156 = arith.extui %lt3A_155 : i1 to i32
      %cond3A_157 = arith.constant 0 : i32
      %cond3A_158 = arith.cmpi ne, %convert_element_type3A_156, %cond3A_157 : i32
      scf.if %cond3A_158 {
        %add3A_159 = arith.constant 2 : i32
        %add3A_160 = arith.addi %add3A_131, %add3A_159 : i32
        %mul3A_161 = arith.constant 128 : i32
        %mul3A_162 = arith.muli %add3A_160, %mul3A_161 : i32
        %add3A_163 = arith.addi %mul3A_10, %mul3A_162 : i32
        %dma_start3A_164 = tpu.memref_slice %arg3[%add3A_163] : memref<320000xi32, #tpu.memory_space<hbm>> -> memref<128xi32, #tpu.memory_space<hbm>>
        %dma_start3A_165 = tpu.memref_slice %arg3[%add3A_163] : memref<320000xi32, #tpu.memory_space<hbm>> -> memref<128xi32, #tpu.memory_space<hbm>>
        tpu.enqueue_dma source(%dma_start3A_165 : memref<128xi32, #tpu.memory_space<hbm>>) target(%arg9 : memref<128xi32, #tpu.memory_space<vmem>>) target_semaphore(%arg25 : memref<!tpu.dma_semaphore, #tpu.memory_space<semaphore_mem>>)
      } else {
      }
    }
    %scan3A_30 = arith.constant 26 : i32
    %dma_wait3A_31 = arith.constant 0 : i32
    %dma_wait3A_32 = arith.constant 0 : i32
    %dma_wait3A_33 = tpu.memref_slice %arg7[%dma_wait3A_31, %dma_wait3A_32] : memref<10000x128xf32, #tpu.memory_space<vmem_shared>> -> memref<10000x128xf32, #tpu.memory_space<vmem_shared>>
    tpu.wait_indirect_dma semaphore(%arg23 : memref<!tpu.dma_semaphore, #tpu.memory_space<semaphore_mem>>) src(%arg15 : memref<128x128xf32, #tpu.memory_space<vmem>>) dst(%dma_wait3A_33 : memref<10000x128xf32, #tpu.memory_space<vmem_shared>>)
    %dma_wait3A_34 = arith.constant 0 : i32
    %dma_wait3A_35 = arith.constant 0 : i32
    %dma_wait3A_36 = tpu.memref_slice %arg7[%dma_wait3A_34, %dma_wait3A_35] : memref<10000x128xf32, #tpu.memory_space<vmem_shared>> -> memref<10000x128xf32, #tpu.memory_space<vmem_shared>>
    tpu.wait_indirect_dma semaphore(%arg24 : memref<!tpu.dma_semaphore, #tpu.memory_space<semaphore_mem>>) src(%arg16 : memref<128x128xf32, #tpu.memory_space<vmem>>) dst(%dma_wait3A_36 : memref<10000x128xf32, #tpu.memory_space<vmem_shared>>)
    %add3A_37 = arith.constant 9984 : i32
    %add3A_38 = arith.addi %mul3A_10, %add3A_37 : i32
    "tpu.region"() ({
      %run_scoped3A = tpu.sem_alloc : memref<!tpu.dma_semaphore, #tpu.memory_space<semaphore_mem>>
      %dma_start3A_66 = tpu.memref_slice %arg3[%add3A_38] : memref<320000xi32, #tpu.memory_space<hbm>> -> memref<16xi32, #tpu.memory_space<hbm>>
      %dma_start3A_67 = tpu.memref_slice %arg3[%add3A_38] : memref<320000xi32, #tpu.memory_space<hbm>> -> memref<16xi32, #tpu.memory_space<hbm>>
      tpu.enqueue_dma source(%dma_start3A_67 : memref<16xi32, #tpu.memory_space<hbm>>) target(%arg17 : memref<16xi32, #tpu.memory_space<vmem>>) target_semaphore(%run_scoped3A : memref<!tpu.dma_semaphore, #tpu.memory_space<semaphore_mem>>)
      %dma_wait3A_68 = tpu.memref_slice %arg3[%add3A_38] : memref<320000xi32, #tpu.memory_space<hbm>> -> memref<16xi32, #tpu.memory_space<hbm>>
      %dma_wait3A_69 = tpu.memref_slice %arg3[%add3A_38] : memref<320000xi32, #tpu.memory_space<hbm>> -> memref<16xi32, #tpu.memory_space<hbm>>
      tpu.wait_dma2 semaphore(%run_scoped3A : memref<!tpu.dma_semaphore, #tpu.memory_space<semaphore_mem>>) src(%dma_wait3A_69 : memref<16xi32, #tpu.memory_space<hbm>>) dst(%arg17 : memref<16xi32, #tpu.memory_space<vmem>>)
      tpu.yield
    }) : () -> ()
    %dma_start3A_39 = arith.constant 0 : i32
    %dma_start3A_40 = arith.constant 0 : i32
    %dma_start3A_41 = tpu.memref_slice %arg14[%dma_start3A_39, %dma_start3A_40] : memref<128x128xf32, #tpu.memory_space<vmem>> -> memref<16x128xf32, #tpu.memory_space<vmem>>
    %dma_start3A_42 = arith.constant 0 : i32
    %dma_start3A_43 = arith.constant 0 : i32
    %dma_start3A_44 = tpu.memref_slice %arg2[%dma_start3A_42, %dma_start3A_43] : memref<10000x128xf32, #tpu.memory_space<hbm>> -> memref<10000x128xf32, #tpu.memory_space<hbm>>
    tpu.enqueue_indirect_dma source(%dma_start3A_44 : memref<10000x128xf32, #tpu.memory_space<hbm>>) target(%dma_start3A_41 : memref<16x128xf32, #tpu.memory_space<vmem>>) offsets(%arg17 : memref<16xi32, #tpu.memory_space<vmem>>) semaphore(%arg19 : memref<!tpu.dma_semaphore, #tpu.memory_space<semaphore_mem>>)
    "tpu.region"() ({
      %run_scoped3A = tpu.sem_alloc : memref<!tpu.dma_semaphore, #tpu.memory_space<semaphore_mem>>
      %dma_start3A_66 = tpu.memref_slice %arg4[%add3A_38] : memref<320000xi32, #tpu.memory_space<hbm>> -> memref<16xi32, #tpu.memory_space<hbm>>
      %dma_start3A_67 = tpu.memref_slice %arg4[%add3A_38] : memref<320000xi32, #tpu.memory_space<hbm>> -> memref<16xi32, #tpu.memory_space<hbm>>
      tpu.enqueue_dma source(%dma_start3A_67 : memref<16xi32, #tpu.memory_space<hbm>>) target(%arg18 : memref<16xi32, #tpu.memory_space<vmem>>) target_semaphore(%run_scoped3A : memref<!tpu.dma_semaphore, #tpu.memory_space<semaphore_mem>>)
      %dma_wait3A_68 = tpu.memref_slice %arg4[%add3A_38] : memref<320000xi32, #tpu.memory_space<hbm>> -> memref<16xi32, #tpu.memory_space<hbm>>
      %dma_wait3A_69 = tpu.memref_slice %arg4[%add3A_38] : memref<320000xi32, #tpu.memory_space<hbm>> -> memref<16xi32, #tpu.memory_space<hbm>>
      tpu.wait_dma2 semaphore(%run_scoped3A : memref<!tpu.dma_semaphore, #tpu.memory_space<semaphore_mem>>) src(%dma_wait3A_69 : memref<16xi32, #tpu.memory_space<hbm>>) dst(%arg18 : memref<16xi32, #tpu.memory_space<vmem>>)
      tpu.yield
    }) : () -> ()
    %dma_wait3A_45 = arith.constant 0 : i32
    %dma_wait3A_46 = arith.constant 0 : i32
    %dma_wait3A_47 = tpu.memref_slice %arg14[%dma_wait3A_45, %dma_wait3A_46] : memref<128x128xf32, #tpu.memory_space<vmem>> -> memref<16x128xf32, #tpu.memory_space<vmem>>
    %dma_wait3A_48 = arith.constant 0 : i32
    %dma_wait3A_49 = arith.constant 0 : i32
    %dma_wait3A_50 = tpu.memref_slice %arg2[%dma_wait3A_48, %dma_wait3A_49] : memref<10000x128xf32, #tpu.memory_space<hbm>> -> memref<10000x128xf32, #tpu.memory_space<hbm>>
    tpu.wait_indirect_dma semaphore(%arg19 : memref<!tpu.dma_semaphore, #tpu.memory_space<semaphore_mem>>) src(%dma_wait3A_50 : memref<10000x128xf32, #tpu.memory_space<hbm>>) dst(%dma_wait3A_47 : memref<16x128xf32, #tpu.memory_space<vmem>>)
    "tpu.region"() ({
      %run_scoped3A = tpu.sem_alloc : memref<!tpu.dma_semaphore, #tpu.memory_space<semaphore_mem>>
      %dma_start3A_66 = arith.constant 0 : i32
      %dma_start3A_67 = arith.constant 0 : i32
      %dma_start3A_68 = tpu.memref_slice %arg14[%dma_start3A_66, %dma_start3A_67] : memref<128x128xf32, #tpu.memory_space<vmem>> -> memref<16x128xf32, #tpu.memory_space<vmem>>
      %dma_start3A_69 = arith.constant 0 : i32
      %dma_start3A_70 = arith.constant 0 : i32
      %dma_start3A_71 = tpu.memref_slice %arg7[%dma_start3A_69, %dma_start3A_70] : memref<10000x128xf32, #tpu.memory_space<vmem_shared>> -> memref<10000x128xf32, #tpu.memory_space<vmem_shared>>
      tpu.enqueue_indirect_dma source(%dma_start3A_68 : memref<16x128xf32, #tpu.memory_space<vmem>>) target(%dma_start3A_71 : memref<10000x128xf32, #tpu.memory_space<vmem_shared>>) offsets(%arg18 : memref<16xi32, #tpu.memory_space<vmem>>) semaphore(%run_scoped3A : memref<!tpu.dma_semaphore, #tpu.memory_space<semaphore_mem>>) {add = true}
      %dma_wait3A_72 = arith.constant 0 : i32
      %dma_wait3A_73 = arith.constant 0 : i32
      %dma_wait3A_74 = tpu.memref_slice %arg14[%dma_wait3A_72, %dma_wait3A_73] : memref<128x128xf32, #tpu.memory_space<vmem>> -> memref<16x128xf32, #tpu.memory_space<vmem>>
      %dma_wait3A_75 = arith.constant 0 : i32
      %dma_wait3A_76 = arith.constant 0 : i32
      %dma_wait3A_77 = tpu.memref_slice %arg7[%dma_wait3A_75, %dma_wait3A_76] : memref<10000x128xf32, #tpu.memory_space<vmem_shared>> -> memref<10000x128xf32, #tpu.memory_space<vmem_shared>>
      tpu.wait_indirect_dma semaphore(%run_scoped3A : memref<!tpu.dma_semaphore, #tpu.memory_space<semaphore_mem>>) src(%dma_wait3A_74 : memref<16x128xf32, #tpu.memory_space<vmem>>) dst(%dma_wait3A_77 : memref<10000x128xf32, #tpu.memory_space<vmem_shared>>)
      tpu.yield
    }) : () -> ()
    %barrier3A_51 = arith.constant 0 : index
    tpu.barrier barrier_id(%barrier3A_51)
    %mul3A_52 = arith.constant 10000 : i32
    %mul3A_53 = arith.muli %arg0, %mul3A_52 : i32
    %add3A_54 = arith.addi %mul3A_53, %multiple_of3A : i32
    %multiple_of3A_55 = tpu.assume_multiple %add3A_54, 8 : i32
    %lt3A_56 = arith.constant 15 : i32
    %lt3A_57 = arith.cmpi slt, %arg1, %lt3A_56 : i32
    %convert_element_type3A_58 = arith.extui %lt3A_57 : i1 to i32
    %cond3A_59 = arith.constant 0 : i32
    %cond3A_60 = arith.cmpi ne, %convert_element_type3A_58, %cond3A_59 : i32
    scf.if %cond3A_60 {
      "tpu.region"() ({
        %run_scoped3A = tpu.sem_alloc : memref<!tpu.dma_semaphore, #tpu.memory_space<semaphore_mem>>
        %dma_start3A_66 = arith.constant 0 : i32
        %dma_start3A_67 = tpu.memref_slice %arg6[%multiple_of3A_55, %dma_start3A_66] : memref<20000x128xf32, #tpu.memory_space<hbm>> -> memref<624x128xf32, #tpu.memory_space<hbm>>
        %dma_start3A_68 = arith.constant 0 : i32
        %dma_start3A_69 = tpu.memref_slice %arg7[%multiple_of3A, %dma_start3A_68] : memref<10000x128xf32, #tpu.memory_space<vmem_shared>> -> memref<624x128xf32, #tpu.memory_space<vmem_shared>>
        tpu.enqueue_dma source(%dma_start3A_69 : memref<624x128xf32, #tpu.memory_space<vmem_shared>>) target(%dma_start3A_67 : memref<624x128xf32, #tpu.memory_space<hbm>>) target_semaphore(%run_scoped3A : memref<!tpu.dma_semaphore, #tpu.memory_space<semaphore_mem>>)
        %dma_wait3A_70 = arith.constant 0 : i32
        %dma_wait3A_71 = tpu.memref_slice %arg6[%multiple_of3A_55, %dma_wait3A_70] : memref<20000x128xf32, #tpu.memory_space<hbm>> -> memref<624x128xf32, #tpu.memory_space<hbm>>
        %dma_wait3A_72 = arith.constant 0 : i32
        %dma_wait3A_73 = tpu.memref_slice %arg7[%multiple_of3A, %dma_wait3A_72] : memref<10000x128xf32, #tpu.memory_space<vmem_shared>> -> memref<624x128xf32, #tpu.memory_space<vmem_shared>>
        tpu.wait_dma2 semaphore(%run_scoped3A : memref<!tpu.dma_semaphore, #tpu.memory_space<semaphore_mem>>) src(%dma_wait3A_73 : memref<624x128xf32, #tpu.memory_space<vmem_shared>>) dst(%dma_wait3A_71 : memref<624x128xf32, #tpu.memory_space<hbm>>)
        tpu.yield
      }) : () -> ()
    } else {
    }
    %eq3A_61 = arith.constant 15 : i32
    %eq3A_62 = arith.cmpi eq, %arg1, %eq3A_61 : i32
    %convert_element_type3A_63 = arith.extui %eq3A_62 : i1 to i32
    %cond3A_64 = arith.constant 0 : i32
    %cond3A_65 = arith.cmpi ne, %convert_element_type3A_63, %cond3A_64 : i32
    scf.if %cond3A_65 {
      %mul3A_66 = arith.constant 10000 : i32
      %mul3A_67 = arith.muli %arg0, %mul3A_66 : i32
      %add3A_68 = arith.constant 9360 : i32
      %add3A_69 = arith.addi %mul3A_67, %add3A_68 : i32
      "tpu.region"() ({
        %run_scoped3A = tpu.sem_alloc : memref<!tpu.dma_semaphore, #tpu.memory_space<semaphore_mem>>
        %dma_start3A_70 = arith.constant 0 : i32
        %dma_start3A_71 = tpu.memref_slice %arg6[%add3A_69, %dma_start3A_70] : memref<20000x128xf32, #tpu.memory_space<hbm>> -> memref<640x128xf32, #tpu.memory_space<hbm>>
        %dma_start3A_72 = arith.constant 9360 : i32
        %dma_start3A_73 = arith.constant 0 : i32
        %dma_start3A_74 = tpu.memref_slice %arg7[%dma_start3A_72, %dma_start3A_73] : memref<10000x128xf32, #tpu.memory_space<vmem_shared>> -> memref<640x128xf32, #tpu.memory_space<vmem_shared>>
        tpu.enqueue_dma source(%dma_start3A_74 : memref<640x128xf32, #tpu.memory_space<vmem_shared>>) target(%dma_start3A_71 : memref<640x128xf32, #tpu.memory_space<hbm>>) target_semaphore(%run_scoped3A : memref<!tpu.dma_semaphore, #tpu.memory_space<semaphore_mem>>)
        %dma_wait3A_75 = arith.constant 0 : i32
        %dma_wait3A_76 = tpu.memref_slice %arg6[%add3A_69, %dma_wait3A_75] : memref<20000x128xf32, #tpu.memory_space<hbm>> -> memref<640x128xf32, #tpu.memory_space<hbm>>
        %dma_wait3A_77 = arith.constant 9360 : i32
        %dma_wait3A_78 = arith.constant 0 : i32
        %dma_wait3A_79 = tpu.memref_slice %arg7[%dma_wait3A_77, %dma_wait3A_78] : memref<10000x128xf32, #tpu.memory_space<vmem_shared>> -> memref<640x128xf32, #tpu.memory_space<vmem_shared>>
        tpu.wait_dma2 semaphore(%run_scoped3A : memref<!tpu.dma_semaphore, #tpu.memory_space<semaphore_mem>>) src(%dma_wait3A_79 : memref<640x128xf32, #tpu.memory_space<vmem_shared>>) dst(%dma_wait3A_76 : memref<640x128xf32, #tpu.memory_space<hbm>>)
        tpu.yield
      }) : () -> ()
    } else {
    }
    return
  }
}

module attributes {stable_mosaic.version = 14 : i64} {
  func.func @_enc_body(%arg0: memref<10000x128xf32, #tpu.memory_space<vmem>>, %arg1: memref<128x128xf32, #tpu.memory_space<vmem>>, %arg2: memref<1x128xf32, #tpu.memory_space<vmem>>, %arg3: memref<1x128xf32, #tpu.memory_space<vmem>>, %arg4: memref<1x128xf32, #tpu.memory_space<vmem>>, %arg5: memref<1x128xf32, #tpu.memory_space<vmem>>, %arg6: memref<10000x128xf32, #tpu.memory_space<vmem>>, %arg7: memref<10000x128xf32, #tpu.memory_space<vmem>>) attributes {dimension_semantics = [], scalar_prefetch = 0 : i64, scratch_operands = 0 : i64, tpu.core_type = #tpu.core_type<tc>} {
    %get3A = arith.constant 0 : index
    %get3A_0 = arith.constant 0 : index
    %get3A_1 = vector.load %arg0[%get3A, %get3A_0] : memref<10000x128xf32, #tpu.memory_space<vmem>>, vector<10000x128xf32>
    %get3A_2 = arith.constant 0 : index
    %get3A_3 = arith.constant 0 : index
    %get3A_4 = vector.load %arg1[%get3A_2, %get3A_3] : memref<128x128xf32, #tpu.memory_space<vmem>>, vector<128x128xf32>
    %dot_general3A = arith.constant dense<0.000000e+00> : vector<10000x128xf32>
    %dot_general3A_5 = tpu.matmul %get3A_1, %get3A_4, %dot_general3A {dimension_numbers = #tpu.dot_dimension_numbers<[1], [1], [0], [0], [0, 0, 1, 0], [], []>, transpose_lhs_hint = false} : vector<10000x128xf32>, vector<128x128xf32>, vector<10000x128xf32> -> vector<10000x128xf32>
    %get3A_6 = arith.constant 0 : index
    %get3A_7 = arith.constant 0 : index
    %get3A_8 = vector.load %arg2[%get3A_6, %get3A_7] : memref<1x128xf32, #tpu.memory_space<vmem>>, vector<1x128xf32>
    %add3A = vector.broadcast %get3A_8 : vector<1x128xf32> to vector<10000x128xf32>
    %add3A_9 = arith.addf %dot_general3A_5, %add3A : vector<10000x128xf32>
    %get3A_10 = arith.constant 0 : index
    %get3A_11 = arith.constant 0 : index
    %get3A_12 = vector.load %arg3[%get3A_10, %get3A_11] : memref<1x128xf32, #tpu.memory_space<vmem>>, vector<1x128xf32>
    %get3A_13 = arith.constant 0 : index
    %get3A_14 = arith.constant 0 : index
    %get3A_15 = vector.load %arg4[%get3A_13, %get3A_14] : memref<1x128xf32, #tpu.memory_space<vmem>>, vector<1x128xf32>
    %reduce_sum3A = arith.constant dense<0.000000e+00> : vector<128xf32>
    %reduce_sum3A_16 = vector.multi_reduction <add>, %add3A_9, %reduce_sum3A [0] : vector<10000x128xf32> to vector<128xf32>
    %broadcast_in_dim3A = vector.shape_cast %reduce_sum3A_16 : vector<128xf32> to vector<1x128xf32>
    %div3A = arith.constant 1.000000e+04 : f32
    %div3A_17 = vector.broadcast %div3A : f32 to vector<1x128xf32>
    %div3A_18 = arith.divf %broadcast_in_dim3A, %div3A_17 : vector<1x128xf32>
    %sub3A = vector.broadcast %div3A_18 : vector<1x128xf32> to vector<10000x128xf32>
    %sub3A_19 = arith.subf %add3A_9, %sub3A : vector<10000x128xf32>
    %integer_pow3A = arith.mulf %sub3A_19, %sub3A_19 : vector<10000x128xf32>
    %reduce_sum3A_20 = arith.constant dense<0.000000e+00> : vector<128xf32>
    %reduce_sum3A_21 = vector.multi_reduction <add>, %integer_pow3A, %reduce_sum3A_20 [0] : vector<10000x128xf32> to vector<128xf32>
    %broadcast_in_dim3A_22 = vector.shape_cast %reduce_sum3A_21 : vector<128xf32> to vector<1x128xf32>
    %div3A_23 = arith.constant 1.000000e+04 : f32
    %div3A_24 = vector.broadcast %div3A_23 : f32 to vector<1x128xf32>
    %div3A_25 = arith.divf %broadcast_in_dim3A_22, %div3A_24 : vector<1x128xf32>
    %sub3A_26 = vector.broadcast %div3A_18 : vector<1x128xf32> to vector<10000x128xf32>
    %sub3A_27 = arith.subf %add3A_9, %sub3A_26 : vector<10000x128xf32>
    %add3A_28 = arith.constant 9.99999974E-6 : f32
    %add3A_29 = vector.broadcast %add3A_28 : f32 to vector<1x128xf32>
    %add3A_30 = arith.addf %div3A_25, %add3A_29 : vector<1x128xf32>
    %rsqrt3A = math.rsqrt %add3A_30 : vector<1x128xf32>
    %mul3A = vector.broadcast %rsqrt3A : vector<1x128xf32> to vector<10000x128xf32>
    %mul3A_31 = arith.mulf %sub3A_27, %mul3A : vector<10000x128xf32>
    %mul3A_32 = vector.broadcast %get3A_12 : vector<1x128xf32> to vector<10000x128xf32>
    %mul3A_33 = arith.mulf %mul3A_31, %mul3A_32 : vector<10000x128xf32>
    %add3A_34 = vector.broadcast %get3A_15 : vector<1x128xf32> to vector<10000x128xf32>
    %add3A_35 = arith.addf %mul3A_33, %add3A_34 : vector<10000x128xf32>
    %max3A = arith.constant 0.000000e+00 : f32
    %max3A_36 = vector.broadcast %max3A : f32 to vector<10000x128xf32>
    %max3A_37 = arith.maximumf %add3A_35, %max3A_36 : vector<10000x128xf32>
    %swap3A = arith.constant 0 : index
    %swap3A_38 = arith.constant 0 : index
    %swap3A_39 = vector.load %arg6[%swap3A, %swap3A_38] : memref<10000x128xf32, #tpu.memory_space<vmem>>, vector<10000x128xf32>
    tpu.vector_store %arg6[%swap3A, %swap3A_38], %max3A_37 {strides = array<i32>} : memref<10000x128xf32, #tpu.memory_space<vmem>>, vector<10000x128xf32>,
    %get3A_40 = arith.constant 0 : index
    %get3A_41 = arith.constant 0 : index
    %get3A_42 = vector.load %arg5[%get3A_40, %get3A_41] : memref<1x128xf32, #tpu.memory_space<vmem>>, vector<1x128xf32>
    %add3A_43 = vector.broadcast %get3A_42 : vector<1x128xf32> to vector<10000x128xf32>
    %add3A_44 = arith.addf %max3A_37, %add3A_43 : vector<10000x128xf32>
    %max3A_45 = arith.constant 0.000000e+00 : f32
    %max3A_46 = vector.broadcast %max3A_45 : f32 to vector<10000x128xf32>
    %max3A_47 = arith.maximumf %add3A_44, %max3A_46 : vector<10000x128xf32>
    %swap3A_48 = arith.constant 0 : index
    %swap3A_49 = arith.constant 0 : index
    %swap3A_50 = vector.load %arg7[%swap3A_48, %swap3A_49] : memref<10000x128xf32, #tpu.memory_space<vmem>>, vector<10000x128xf32>
    tpu.vector_store %arg7[%swap3A_48, %swap3A_49], %max3A_47 {strides = array<i32>} : memref<10000x128xf32, #tpu.memory_space<vmem>>, vector<10000x128xf32>,
    return
  }
}

module attributes {stable_mosaic.version = 14 : i64} {
  func.func @_layer_body(%arg0: memref<10000x128xf32, #tpu.memory_space<vmem>>, %arg1: memref<20000x128xf32, #tpu.memory_space<vmem>>, %arg2: memref<128x128xf32, #tpu.memory_space<vmem>>, %arg3: memref<1x128xf32, #tpu.memory_space<vmem>>, %arg4: memref<1x128xf32, #tpu.memory_space<vmem>>, %arg5: memref<1x128xf32, #tpu.memory_space<vmem>>, %arg6: memref<10000x128xf32, #tpu.memory_space<vmem>>, %arg7: memref<10000x128xf32, #tpu.memory_space<vmem>>) attributes {dimension_semantics = [], scalar_prefetch = 0 : i64, scratch_operands = 0 : i64, tpu.core_type = #tpu.core_type<tc>} {
    %get3A = arith.constant 0 : index
    %get3A_0 = arith.constant 0 : index
    %get3A_1 = vector.load %arg1[%get3A, %get3A_0] : memref<20000x128xf32, #tpu.memory_space<vmem>>, vector<20000x128xf32>
    %get3A_2 = arith.constant 0 : index
    %get3A_3 = arith.constant 0 : index
    %get3A_4 = vector.load %arg0[%get3A_2, %get3A_3] : memref<10000x128xf32, #tpu.memory_space<vmem>>, vector<10000x128xf32>
    %slice3A = vector.extract_strided_slice %get3A_1 {offsets = [0, 0], sizes = [10000, 128], strides = [1, 1]} : vector<20000x128xf32> to vector<10000x128xf32>
    %add3A = arith.addf %get3A_4, %slice3A : vector<10000x128xf32>
    %slice3A_5 = vector.extract_strided_slice %get3A_1 {offsets = [10000, 0], sizes = [10000, 128], strides = [1, 1]} : vector<20000x128xf32> to vector<10000x128xf32>
    %add3A_6 = arith.addf %add3A, %slice3A_5 : vector<10000x128xf32>
    %get3A_7 = arith.constant 0 : index
    %get3A_8 = arith.constant 0 : index
    %get3A_9 = vector.load %arg2[%get3A_7, %get3A_8] : memref<128x128xf32, #tpu.memory_space<vmem>>, vector<128x128xf32>
    %dot_general3A = arith.constant dense<0.000000e+00> : vector<10000x128xf32>
    %dot_general3A_10 = tpu.matmul %add3A_6, %get3A_9, %dot_general3A {dimension_numbers = #tpu.dot_dimension_numbers<[1], [1], [0], [0], [0, 0, 1, 0], [], []>, transpose_lhs_hint = false} : vector<10000x128xf32>, vector<128x128xf32>, vector<10000x128xf32> -> vector<10000x128xf32>
    %get3A_11 = arith.constant 0 : index
    %get3A_12 = arith.constant 0 : index
    %get3A_13 = vector.load %arg3[%get3A_11, %get3A_12] : memref<1x128xf32, #tpu.memory_space<vmem>>, vector<1x128xf32>
    %get3A_14 = arith.constant 0 : index
    %get3A_15 = arith.constant 0 : index
    %get3A_16 = vector.load %arg4[%get3A_14, %get3A_15] : memref<1x128xf32, #tpu.memory_space<vmem>>, vector<1x128xf32>
    %reduce_sum3A = arith.constant dense<0.000000e+00> : vector<128xf32>
    %reduce_sum3A_17 = vector.multi_reduction <add>, %dot_general3A_10, %reduce_sum3A [0] : vector<10000x128xf32> to vector<128xf32>
    %broadcast_in_dim3A = vector.shape_cast %reduce_sum3A_17 : vector<128xf32> to vector<1x128xf32>
    %div3A = arith.constant 1.000000e+04 : f32
    %div3A_18 = vector.broadcast %div3A : f32 to vector<1x128xf32>
    %div3A_19 = arith.divf %broadcast_in_dim3A, %div3A_18 : vector<1x128xf32>
    %sub3A = vector.broadcast %div3A_19 : vector<1x128xf32> to vector<10000x128xf32>
    %sub3A_20 = arith.subf %dot_general3A_10, %sub3A : vector<10000x128xf32>
    %integer_pow3A = arith.mulf %sub3A_20, %sub3A_20 : vector<10000x128xf32>
    %reduce_sum3A_21 = arith.constant dense<0.000000e+00> : vector<128xf32>
    %reduce_sum3A_22 = vector.multi_reduction <add>, %integer_pow3A, %reduce_sum3A_21 [0] : vector<10000x128xf32> to vector<128xf32>
    %broadcast_in_dim3A_23 = vector.shape_cast %reduce_sum3A_22 : vector<128xf32> to vector<1x128xf32>
    %div3A_24 = arith.constant 1.000000e+04 : f32
    %div3A_25 = vector.broadcast %div3A_24 : f32 to vector<1x128xf32>
    %div3A_26 = arith.divf %broadcast_in_dim3A_23, %div3A_25 : vector<1x128xf32>
    %sub3A_27 = vector.broadcast %div3A_19 : vector<1x128xf32> to vector<10000x128xf32>
    %sub3A_28 = arith.subf %dot_general3A_10, %sub3A_27 : vector<10000x128xf32>
    %add3A_29 = arith.constant 9.99999974E-6 : f32
    %add3A_30 = vector.broadcast %add3A_29 : f32 to vector<1x128xf32>
    %add3A_31 = arith.addf %div3A_26, %add3A_30 : vector<1x128xf32>
    %rsqrt3A = math.rsqrt %add3A_31 : vector<1x128xf32>
    %mul3A = vector.broadcast %rsqrt3A : vector<1x128xf32> to vector<10000x128xf32>
    %mul3A_32 = arith.mulf %sub3A_28, %mul3A : vector<10000x128xf32>
    %mul3A_33 = vector.broadcast %get3A_13 : vector<1x128xf32> to vector<10000x128xf32>
    %mul3A_34 = arith.mulf %mul3A_32, %mul3A_33 : vector<10000x128xf32>
    %add3A_35 = vector.broadcast %get3A_16 : vector<1x128xf32> to vector<10000x128xf32>
    %add3A_36 = arith.addf %mul3A_34, %add3A_35 : vector<10000x128xf32>
    %max3A = arith.constant 0.000000e+00 : f32
    %max3A_37 = vector.broadcast %max3A : f32 to vector<10000x128xf32>
    %max3A_38 = arith.maximumf %add3A_36, %max3A_37 : vector<10000x128xf32>
    %add3A_39 = arith.addf %max3A_38, %get3A_4 : vector<10000x128xf32>
    %swap3A = arith.constant 0 : index
    %swap3A_40 = arith.constant 0 : index
    %swap3A_41 = vector.load %arg6[%swap3A, %swap3A_40] : memref<10000x128xf32, #tpu.memory_space<vmem>>, vector<10000x128xf32>
    tpu.vector_store %arg6[%swap3A, %swap3A_40], %add3A_39 {strides = array<i32>} : memref<10000x128xf32, #tpu.memory_space<vmem>>, vector<10000x128xf32>,
    %get3A_42 = arith.constant 0 : index
    %get3A_43 = arith.constant 0 : index
    %get3A_44 = vector.load %arg5[%get3A_42, %get3A_43] : memref<1x128xf32, #tpu.memory_space<vmem>>, vector<1x128xf32>
    %add3A_45 = vector.broadcast %get3A_44 : vector<1x128xf32> to vector<10000x128xf32>
    %add3A_46 = arith.addf %add3A_39, %add3A_45 : vector<10000x128xf32>
    %max3A_47 = arith.constant 0.000000e+00 : f32
    %max3A_48 = vector.broadcast %max3A_47 : f32 to vector<10000x128xf32>
    %max3A_49 = arith.maximumf %add3A_46, %max3A_48 : vector<10000x128xf32>
    %swap3A_50 = arith.constant 0 : index
    %swap3A_51 = arith.constant 0 : index
    %swap3A_52 = vector.load %arg7[%swap3A_50, %swap3A_51] : memref<10000x128xf32, #tpu.memory_space<vmem>>, vector<10000x128xf32>
    tpu.vector_store %arg7[%swap3A_50, %swap3A_51], %max3A_49 {strides = array<i32>} : memref<10000x128xf32, #tpu.memory_space<vmem>>, vector<10000x128xf32>,
    return
  }
}

module attributes {stable_mosaic.version = 14 : i64} {
  func.func @_final_body(%arg0: memref<10000x128xf32, #tpu.memory_space<vmem>>, %arg1: memref<20000x128xf32, #tpu.memory_space<vmem>>, %arg2: memref<128x128xf32, #tpu.memory_space<vmem>>, %arg3: memref<1x128xf32, #tpu.memory_space<vmem>>, %arg4: memref<1x128xf32, #tpu.memory_space<vmem>>, %arg5: memref<10000x1xi32, #tpu.memory_space<vmem>>, %arg6: memref<128x128xf32, #tpu.memory_space<vmem>>, %arg7: memref<1x128xf32, #tpu.memory_space<vmem>>, %arg8: memref<1x128xf32, #tpu.memory_space<vmem>>, %arg9: memref<1x128xf32, #tpu.memory_space<vmem>>, %arg10: memref<128x128xf32, #tpu.memory_space<vmem>>, %arg11: memref<1x128xf32, #tpu.memory_space<vmem>>, %arg12: memref<64x128xf32, #tpu.memory_space<vmem>>) attributes {dimension_semantics = [], scalar_prefetch = 0 : i64, scratch_operands = 0 : i64, tpu.core_type = #tpu.core_type<tc>} {
    %get3A = arith.constant 0 : index
    %get3A_0 = arith.constant 0 : index
    %get3A_1 = vector.load %arg1[%get3A, %get3A_0] : memref<20000x128xf32, #tpu.memory_space<vmem>>, vector<20000x128xf32>
    %get3A_2 = arith.constant 0 : index
    %get3A_3 = arith.constant 0 : index
    %get3A_4 = vector.load %arg0[%get3A_2, %get3A_3] : memref<10000x128xf32, #tpu.memory_space<vmem>>, vector<10000x128xf32>
    %slice3A = vector.extract_strided_slice %get3A_1 {offsets = [0, 0], sizes = [10000, 128], strides = [1, 1]} : vector<20000x128xf32> to vector<10000x128xf32>
    %add3A = arith.addf %get3A_4, %slice3A : vector<10000x128xf32>
    %slice3A_5 = vector.extract_strided_slice %get3A_1 {offsets = [10000, 0], sizes = [10000, 128], strides = [1, 1]} : vector<20000x128xf32> to vector<10000x128xf32>
    %add3A_6 = arith.addf %add3A, %slice3A_5 : vector<10000x128xf32>
    %get3A_7 = arith.constant 0 : index
    %get3A_8 = arith.constant 0 : index
    %get3A_9 = vector.load %arg2[%get3A_7, %get3A_8] : memref<128x128xf32, #tpu.memory_space<vmem>>, vector<128x128xf32>
    %dot_general3A = arith.constant dense<0.000000e+00> : vector<10000x128xf32>
    %dot_general3A_10 = tpu.matmul %add3A_6, %get3A_9, %dot_general3A {dimension_numbers = #tpu.dot_dimension_numbers<[1], [1], [0], [0], [0, 0, 1, 0], [], []>, transpose_lhs_hint = false} : vector<10000x128xf32>, vector<128x128xf32>, vector<10000x128xf32> -> vector<10000x128xf32>
    %get3A_11 = arith.constant 0 : index
    %get3A_12 = arith.constant 0 : index
    %get3A_13 = vector.load %arg3[%get3A_11, %get3A_12] : memref<1x128xf32, #tpu.memory_space<vmem>>, vector<1x128xf32>
    %get3A_14 = arith.constant 0 : index
    %get3A_15 = arith.constant 0 : index
    %get3A_16 = vector.load %arg4[%get3A_14, %get3A_15] : memref<1x128xf32, #tpu.memory_space<vmem>>, vector<1x128xf32>
    %reduce_sum3A = arith.constant dense<0.000000e+00> : vector<128xf32>
    %reduce_sum3A_17 = vector.multi_reduction <add>, %dot_general3A_10, %reduce_sum3A [0] : vector<10000x128xf32> to vector<128xf32>
    %broadcast_in_dim3A = vector.shape_cast %reduce_sum3A_17 : vector<128xf32> to vector<1x128xf32>
    %div3A = arith.constant 1.000000e+04 : f32
    %div3A_18 = vector.broadcast %div3A : f32 to vector<1x128xf32>
    %div3A_19 = arith.divf %broadcast_in_dim3A, %div3A_18 : vector<1x128xf32>
    %sub3A = vector.broadcast %div3A_19 : vector<1x128xf32> to vector<10000x128xf32>
    %sub3A_20 = arith.subf %dot_general3A_10, %sub3A : vector<10000x128xf32>
    %integer_pow3A = arith.mulf %sub3A_20, %sub3A_20 : vector<10000x128xf32>
    %reduce_sum3A_21 = arith.constant dense<0.000000e+00> : vector<128xf32>
    %reduce_sum3A_22 = vector.multi_reduction <add>, %integer_pow3A, %reduce_sum3A_21 [0] : vector<10000x128xf32> to vector<128xf32>
    %broadcast_in_dim3A_23 = vector.shape_cast %reduce_sum3A_22 : vector<128xf32> to vector<1x128xf32>
    %div3A_24 = arith.constant 1.000000e+04 : f32
    %div3A_25 = vector.broadcast %div3A_24 : f32 to vector<1x128xf32>
    %div3A_26 = arith.divf %broadcast_in_dim3A_23, %div3A_25 : vector<1x128xf32>
    %sub3A_27 = vector.broadcast %div3A_19 : vector<1x128xf32> to vector<10000x128xf32>
    %sub3A_28 = arith.subf %dot_general3A_10, %sub3A_27 : vector<10000x128xf32>
    %add3A_29 = arith.constant 9.99999974E-6 : f32
    %add3A_30 = vector.broadcast %add3A_29 : f32 to vector<1x128xf32>
    %add3A_31 = arith.addf %div3A_26, %add3A_30 : vector<1x128xf32>
    %rsqrt3A = math.rsqrt %add3A_31 : vector<1x128xf32>
    %mul3A = vector.broadcast %rsqrt3A : vector<1x128xf32> to vector<10000x128xf32>
    %mul3A_32 = arith.mulf %sub3A_28, %mul3A : vector<10000x128xf32>
    %mul3A_33 = vector.broadcast %get3A_13 : vector<1x128xf32> to vector<10000x128xf32>
    %mul3A_34 = arith.mulf %mul3A_32, %mul3A_33 : vector<10000x128xf32>
    %add3A_35 = vector.broadcast %get3A_16 : vector<1x128xf32> to vector<10000x128xf32>
    %add3A_36 = arith.addf %mul3A_34, %add3A_35 : vector<10000x128xf32>
    %max3A = arith.constant 0.000000e+00 : f32
    %max3A_37 = vector.broadcast %max3A : f32 to vector<10000x128xf32>
    %max3A_38 = arith.maximumf %add3A_36, %max3A_37 : vector<10000x128xf32>
    %add3A_39 = arith.addf %max3A_38, %get3A_4 : vector<10000x128xf32>
    %get3A_40 = arith.constant 0 : index
    %get3A_41 = arith.constant 0 : index
    %get3A_42 = vector.load %arg5[%get3A_40, %get3A_41] : memref<10000x1xi32, #tpu.memory_space<vmem>>, vector<10000x1xi32>
    %iota3A = tpu.iota {dimensions = array<i32: 1>} : vector<10000x64xi32>
    %eq3A = vector.broadcast %get3A_42 : vector<10000x1xi32> to vector<10000x64xi32>
    %eq3A_43 = arith.cmpi eq, %eq3A, %iota3A : vector<10000x64xi32>
    %convert_element_type3A = arith.extui %eq3A_43 : vector<10000x64xi1> to vector<10000x64xi32>
    %convert_element_type3A_44 = arith.sitofp %convert_element_type3A : vector<10000x64xi32> to vector<10000x64xf32>
    %dot_general3A_45 = arith.constant dense<0.000000e+00> : vector<64x128xf32>
    %dot_general3A_46 = tpu.matmul %convert_element_type3A_44, %add3A_39, %dot_general3A_45 {dimension_numbers = #tpu.dot_dimension_numbers<[0], [0], [1], [1], [0, 1, 1, 1], [], []>, precision = #tpu.contract_precision<fp32>, transpose_lhs_hint = false} : vector<10000x64xf32>, vector<10000x128xf32>, vector<64x128xf32> -> vector<64x128xf32>
    %get3A_47 = arith.constant 0 : index
    %get3A_48 = arith.constant 0 : index
    %get3A_49 = vector.load %arg6[%get3A_47, %get3A_48] : memref<128x128xf32, #tpu.memory_space<vmem>>, vector<128x128xf32>
    %dot_general3A_50 = arith.constant dense<0.000000e+00> : vector<64x128xf32>
    %dot_general3A_51 = tpu.matmul %dot_general3A_46, %get3A_49, %dot_general3A_50 {dimension_numbers = #tpu.dot_dimension_numbers<[1], [1], [0], [0], [0, 0, 1, 0], [], []>, transpose_lhs_hint = false} : vector<64x128xf32>, vector<128x128xf32>, vector<64x128xf32> -> vector<64x128xf32>
    %get3A_52 = arith.constant 0 : index
    %get3A_53 = arith.constant 0 : index
    %get3A_54 = vector.load %arg7[%get3A_52, %get3A_53] : memref<1x128xf32, #tpu.memory_space<vmem>>, vector<1x128xf32>
    %add3A_55 = vector.broadcast %get3A_54 : vector<1x128xf32> to vector<64x128xf32>
    %add3A_56 = arith.addf %dot_general3A_51, %add3A_55 : vector<64x128xf32>
    %get3A_57 = arith.constant 0 : index
    %get3A_58 = arith.constant 0 : index
    %get3A_59 = vector.load %arg8[%get3A_57, %get3A_58] : memref<1x128xf32, #tpu.memory_space<vmem>>, vector<1x128xf32>
    %get3A_60 = arith.constant 0 : index
    %get3A_61 = arith.constant 0 : index
    %get3A_62 = vector.load %arg9[%get3A_60, %get3A_61] : memref<1x128xf32, #tpu.memory_space<vmem>>, vector<1x128xf32>
    %reduce_sum3A_63 = arith.constant dense<0.000000e+00> : vector<128xf32>
    %reduce_sum3A_64 = vector.multi_reduction <add>, %add3A_56, %reduce_sum3A_63 [0] : vector<64x128xf32> to vector<128xf32>
    %broadcast_in_dim3A_65 = vector.shape_cast %reduce_sum3A_64 : vector<128xf32> to vector<1x128xf32>
    %div3A_66 = arith.constant 6.400000e+01 : f32
    %div3A_67 = vector.broadcast %div3A_66 : f32 to vector<1x128xf32>
    %div3A_68 = arith.divf %broadcast_in_dim3A_65, %div3A_67 : vector<1x128xf32>
    %sub3A_69 = vector.broadcast %div3A_68 : vector<1x128xf32> to vector<64x128xf32>
    %sub3A_70 = arith.subf %add3A_56, %sub3A_69 : vector<64x128xf32>
    %integer_pow3A_71 = arith.mulf %sub3A_70, %sub3A_70 : vector<64x128xf32>
    %reduce_sum3A_72 = arith.constant dense<0.000000e+00> : vector<128xf32>
    %reduce_sum3A_73 = vector.multi_reduction <add>, %integer_pow3A_71, %reduce_sum3A_72 [0] : vector<64x128xf32> to vector<128xf32>
    %broadcast_in_dim3A_74 = vector.shape_cast %reduce_sum3A_73 : vector<128xf32> to vector<1x128xf32>
    %div3A_75 = arith.constant 6.400000e+01 : f32
    %div3A_76 = vector.broadcast %div3A_75 : f32 to vector<1x128xf32>
    %div3A_77 = arith.divf %broadcast_in_dim3A_74, %div3A_76 : vector<1x128xf32>
    %sub3A_78 = vector.broadcast %div3A_68 : vector<1x128xf32> to vector<64x128xf32>
    %sub3A_79 = arith.subf %add3A_56, %sub3A_78 : vector<64x128xf32>
    %add3A_80 = arith.constant 9.99999974E-6 : f32
    %add3A_81 = vector.broadcast %add3A_80 : f32 to vector<1x128xf32>
    %add3A_82 = arith.addf %div3A_77, %add3A_81 : vector<1x128xf32>
    %rsqrt3A_83 = math.rsqrt %add3A_82 : vector<1x128xf32>
    %mul3A_84 = vector.broadcast %rsqrt3A_83 : vector<1x128xf32> to vector<64x128xf32>
    %mul3A_85 = arith.mulf %sub3A_79, %mul3A_84 : vector<64x128xf32>
    %mul3A_86 = vector.broadcast %get3A_59 : vector<1x128xf32> to vector<64x128xf32>
    %mul3A_87 = arith.mulf %mul3A_85, %mul3A_86 : vector<64x128xf32>
    %add3A_88 = vector.broadcast %get3A_62 : vector<1x128xf32> to vector<64x128xf32>
    %add3A_89 = arith.addf %mul3A_87, %add3A_88 : vector<64x128xf32>
    %max3A_90 = arith.constant 0.000000e+00 : f32
    %max3A_91 = vector.broadcast %max3A_90 : f32 to vector<64x128xf32>
    %max3A_92 = arith.maximumf %add3A_89, %max3A_91 : vector<64x128xf32>
    %get3A_93 = arith.constant 0 : index
    %get3A_94 = arith.constant 0 : index
    %get3A_95 = vector.load %arg10[%get3A_93, %get3A_94] : memref<128x128xf32, #tpu.memory_space<vmem>>, vector<128x128xf32>
    %dot_general3A_96 = arith.constant dense<0.000000e+00> : vector<64x128xf32>
    %dot_general3A_97 = tpu.matmul %max3A_92, %get3A_95, %dot_general3A_96 {dimension_numbers = #tpu.dot_dimension_numbers<[1], [1], [0], [0], [0, 0, 1, 0], [], []>, transpose_lhs_hint = false} : vector<64x128xf32>, vector<128x128xf32>, vector<64x128xf32> -> vector<64x128xf32>
    %get3A_98 = arith.constant 0 : index
    %get3A_99 = arith.constant 0 : index
    %get3A_100 = vector.load %arg11[%get3A_98, %get3A_99] : memref<1x128xf32, #tpu.memory_space<vmem>>, vector<1x128xf32>
    %add3A_101 = vector.broadcast %get3A_100 : vector<1x128xf32> to vector<64x128xf32>
    %add3A_102 = arith.addf %dot_general3A_97, %add3A_101 : vector<64x128xf32>
    %swap3A = arith.constant 0 : index
    %swap3A_103 = arith.constant 0 : index
    %swap3A_104 = vector.load %arg12[%swap3A, %swap3A_103] : memref<64x128xf32, #tpu.memory_space<vmem>>, vector<64x128xf32>
    tpu.vector_store %arg12[%swap3A, %swap3A_103], %add3A_102 {strides = array<i32>} : memref<64x128xf32, #tpu.memory_space<vmem>>, vector<64x128xf32>,
    return
  }
}

</mosaic_0001>

<sc_bundles>
// kernel: kernel.12.cloned.1.call-start
scs
__scs_entry_jumppad:
0x0: {  	(pc) =	sbr.rel $0x88, $3  }
0x1: {  	(tag) =	ssettag $0x0;
	lr =	simm.s32 $0x1  }
0x2: {  	[smem:$0x3F90] =	sst lr;
	_ =	strace $0xD0000000  }
0x3: {  	_ = 	snop  }
0x4: {  	_ = 	snop  }
0x5: {  	_ = 	snop  }
0x6: {  	_ = 	snop  }
0x7: {  	_ = 	snop  }
__scs_overlays_trampoline_lowered:
0x8: {  	[smem:$0x3F9F] =	sst s0  }
0x9: {  	[smem:$0x3FA0] =	sst s1  }
0xa: {  	[smem:$0x3FA1] =	sst s2  }
0xb: {  	[smem:$0x3FA2] =	sst s3  }
0xc: {  	[smem:$0x3FA3] =	sst s4  }
0xd: {  	[smem:$0x3FA4] =	sst s5  }
0xe: {  	[smem:$0x3FA5] =	sst s6  }
0xf: {  	[smem:$0x3FA6] =	sst s7  }
0x10: {  	[smem:$0x3FA7] =	sst s8  }
0x11: {  	[smem:$0x3FA8] =	sst s9;
	s0 =	simm.s32 @!p0 $0x0  }
0x12: {  	s1 =	sld [smem:$0x3F8E];
	s0 =	simm.s32 @p0 $0x1  }
0x13: {  	[smem:$0x3FA9] =	sst s0;
	s0 =	simm.s32 @!p1 $0x0  }
0x14: {  	s2 =	sld [smem:$0x3F8D];
	s0 =	simm.s32 @p1 $0x1  }
0x15: {  	[smem:$0x3FAA] =	sst s0;
	s0 =	simm.s32 @!p2 $0x0  }
0x16: {  	s3 =	sld [smem:$0x3FDB];
	s0 =	simm.s32 @p2 $0x1  }
0x17: {  	s4 =	simm.s32 $0x1BF5;
	[smem:$0x3FAC] =	sst s0  }
0x18: {  	s0 =	sld [smem:$0x3F8F];
	_ =	swait.ge [sflag:s4], $0x0  }
0x19: {  	s7 =	sld [smem:$0x3F90]  }
0x1a: {  	s8 =	sadd.s32 $0xFFFFE003, lr  }
0x1b: {  	s9 =	sadd.s32 $0xFFFFFEF7, lr;
	s5 =	simm.s32 $0xFFFFFFFF;
	p2 =	slt.u32 s8, $0xFFFFF086  }
0x1c: {  	p1 =	slt.u32 s9, $0xF7A;
	s5 =	simm.s32 @!p2 $0x0  }
0x1d: {  	s5 =	simm.s32 @p1 $0x1;
	p0 =	seq.s32 s7, s2  }
0x1e: {  	s7 =	smul.u32 @!p0 $0xF7A, s2;
	p2 =	seq.s32 @!p0 s5, $0x0  }
0x1f: {  	s9 =	smul.u32 $0xF7A, s1;
	s8 =	simm.s32 @!p0 $0x1BF5;
	p2 =	por !p2, p0  }
0x20: {  	[sflag:s8] =	ssyncset.s32 @!p0 $0xFFFFF086;
	s6 =	sadd.s32 @!p0 s3, s7;
	s7 =	simm.s32 @!p0 $0x108  }
0x21: {  	s3 =	sadd.s32 s3, s9;
	s6 =	sadd.s32 @!p0 $0x88, s6;
	s7 =	simm.s32 @p2 $0x1082  }
0x22: {  	[simem:s7], [sflag:s8] =	dma.local @!p0 [hbm:s6], $0xF7A  }
0x23: {  	s9 =	sor.u32 $0xD0000000, s2;
	s6 =	simm.s32 $0x108;
	_ =	swait.ge @!p0 [sflag:s8], $0x0  }
0x24: {  	s3 =	sadd.s32 $0x88, s3;
	s6 =	simm.s32 @!p1 $0x1082;
	[sflag:s4] =	ssyncset.s32 $0xFFFFF086  }
0x25: {  	[simem:s6], [sflag:s4] =	dma.local [hbm:s3], $0xF7A  }
0x26: {  	[smem:$0x3F90] =	sst s1;
	(tag) =	ssettag s2;
	_ =	strace s9  }
0x27: {  	s1 =	sld [smem:$0x3FA0]  }
0x28: {  	s2 =	sld [smem:$0x3FA1]  }
0x29: {  	s4 =	sld [smem:$0x3FA3]  }
0x2a: {  	p0 =	seq.s32 s5, $0x0;
	s5 =	sld [smem:$0x3FA4]  }
0x2b: {  	s6 =	sld [smem:$0x3FA5]  }
0x2c: {  	s7 =	sld [smem:$0x3FA6]  }
0x2d: {  	s3 =	simm.s32 $0x108;
	s8 =	sld [smem:$0x3FA7]  }
0x2e: {  	s3 =	simm.s32 @!p0 $0x1082;
	s9 =	sld [smem:$0x3FA8]  }
0x2f: {  	lr =	sadd.s32 s0, s3;
	s0 =	sld [smem:$0x3F9F]  }
0x30: {  	s3 =	sld [smem:$0x3FA2]  }
0x31: {  	[smem:$0x3FAB] =	sst s10  }
0x32: {  	s10 =	sld [smem:$0x3FA9];
	_ =	sdelay $0x3  }
0x33: {  	p0 =	seq.s32 s10, $0x1;
	s10 =	sld [smem:$0x3FAB];
	_ =	sdelay $0x3  }
0x34: {  	[smem:$0x3FAB] =	sst s10  }
0x35: {  	s10 =	sld [smem:$0x3FAA];
	_ =	sdelay $0x3  }
0x36: {  	p1 =	seq.s32 s10, $0x1;
	s10 =	sld [smem:$0x3FAB];
	_ =	sdelay $0x3  }
0x37: {  	[smem:$0x3FAB] =	sst s10  }
0x38: {  	s10 =	sld [smem:$0x3FAC]  }
0x39: {  	_ = 	snop;
	(pc) =	sbr.ind lr, $3  }
0x3a: {  	_ = 	snop  }
0x3b: {  	_ = 	snop  }
0x3c: {  	p2 =	seq.s32 s10, $0x1;
	s10 =	sld [smem:$0x3FAB]  }
0x3d: {  	_ =	shalt  }
0x3e: {  	_ =	shalt  }
0x3f: {  	_ =	shalt  }
0x40: {  	_ =	shalt  }
0x41: {  	_ =	shalt  }
0x42: {  	_ =	shalt  }
0x43: {  	_ =	shalt  }
0x44: {  	_ =	shalt  }
0x45: {  	_ =	shalt  }
0x46: {  	_ =	shalt  }
0x47: {  	_ =	shalt  }
0x48: {  	_ =	shalt  }
0x49: {  	_ =	shalt  }
0x4a: {  	_ =	shalt  }
0x4b: {  	_ =	shalt  }
0x4c: {  	_ =	shalt  }
0x4d: {  	_ =	shalt  }
0x4e: {  	_ =	shalt  }
0x4f: {  	_ =	shalt  }
0x50: {  	_ =	shalt  }
0x51: {  	_ =	shalt  }
0x52: {  	_ =	shalt  }
0x53: {  	_ =	shalt  }
0x54: {  	_ =	shalt  }
0x55: {  	_ =	shalt  }
0x56: {  	_ =	shalt  }
0x57: {  	_ =	shalt  }
0x58: {  	_ =	shalt  }
0x59: {  	_ =	shalt  }
0x5a: {  	_ =	shalt  }
0x5b: {  	_ =	shalt  }
0x5c: {  	_ =	shalt  }
0x5d: {  	_ =	shalt  }
0x5e: {  	_ =	shalt  }
0x5f: {  	_ =	shalt  }
0x60: {  	_ =	shalt  }
0x61: {  	_ =	shalt  }
0x62: {  	_ =	shalt  }
0x63: {  	_ =	shalt  }
0x64: {  	_ =	shalt  }
0x65: {  	_ =	shalt  }
0x66: {  	_ =	shalt  }
0x67: {  	_ =	shalt  }
0x68: {  	_ =	shalt  }
0x69: {  	_ =	shalt  }
0x6a: {  	_ =	shalt  }
0x6b: {  	_ =	shalt  }
0x6c: {  	_ =	shalt  }
0x6d: {  	_ =	shalt  }
0x6e: {  	_ =	shalt  }
0x6f: {  	_ =	shalt  }
0x70: {  	_ =	shalt  }
0x71: {  	_ =	shalt  }
0x72: {  	_ =	shalt  }
0x73: {  	_ =	shalt  }
0x74: {  	_ =	shalt  }
0x75: {  	_ =	shalt  }
0x76: {  	_ =	shalt  }
0x77: {  	_ =	shalt  }
0x78: {  	_ =	shalt  }
0x79: {  	_ =	shalt  }
0x7a: {  	_ =	shalt  }
0x7b: {  	_ =	shalt  }
0x7c: {  	_ =	shalt  }
0x7d: {  	_ =	shalt  }
0x7e: {  	_ =	shalt  }
0x7f: {  	_ =	shalt  }
0x80: {  	_ =	shalt  }
0x81: {  	_ =	shalt  }
0x82: {  	_ =	shalt  }
0x83: {  	_ =	shalt  }
0x84: {  	_ =	shalt  }
0x85: {  	_ =	shalt  }
0x86: {  	_ =	shalt  }
0x87: {  	_ =	shalt  }
.Lfunc_end0:
.L_simem_size_0:
called_computation.1_lowered:
.L_overlay_start_0:
0x88: {  	s2 =	sld [smem:$0x3FD9]  }
0x89: {  	s3 =	sld [smem:$0x3FFE];
	_ =	sdelay $0x1  }
0x8a: {  	s1 =	srdreg.scid  }
0x8b: {  	s0 =	sand.u32 $0x1, s1  }
0x8c: {  	s16 =	sshll.u32 s0, $0xA;
	s2 =	sadd.s32 s3, s2  }
0x8d: {  	s2 =	sadd.s32 s2, s16  }
0x8e: {  	[smem:$0x3FB7] =	sst s2  }
0x8f: {  	_ = 	snop  }
0x90: {  	(tm) =	ssettm $0x1  }
0x91: {  	s17 =	sld [smem:$0x3FFB];
	_ =	sdelay $0x3  }
0x92: {  	_ =	strace s17  }
0x93: {  	s2 =	sld [smem:$0x3FFC];
	_ =	sdelay $0x3  }
0x94: {  	_ =	strace s2  }
0x95: {  	s2 =	sld [smem:$0x3FFD];
	_ =	sdelay $0x3  }
0x96: {  	_ =	strace s2  }
0x97: {  	_ =	strace $0x8FFFFFFF  }
0x98: {  	s18 =	sld [smem:$0x3FDB];
	_ =	sdelay $0x1  }
0x99: {  	s19 =	simm.s32 $_scs_section_size  }
0x9a: {  	s4 =	simm.s32 $_size__tile_overlayer_lowered;
	s5 =	simm.s32 $_tile_overlayer_lowered  }
0x9b: {  	s22 =	simm.s32 $0x1BFF;
	s21 =	sshll.u32 s5, $0x1;
	s2 =	sadd.s32 s19, s18  }
0x9c: {  	s6 =	simm.s32 $0x0;
	s20 =	sshll.u32 s4, $0x1;
	s4 =	sadd.s32 s21, s2  }
0x9d: {  	[timem:s6], [sflag:s22] =	dma.local [hbm:s4], s20  }
0x9e: {  	_ =	swait.ge [sflag:s22], s20  }
0x9f: {  	s3 =	ssub.s32 $0x0, s20;
	[sflag:s22] =	ssyncset.done $0x0  }
0xa0: {  	[sflag:s22] =	ssyncadd.s32 s3;
	_ =	sdelay $0x1  }
0xa1: {  	s23 =	simm.s32 $0x1B8B  }
0xa2: {  	_ =	swait.ge [sflag:s23], $0x1  }
0xa3: {  	[sflag:s23] =	ssyncset.done $0x0  }
0xa4: {  	s25 =	simm.s32 $0x1B8E;
	s24 =	sld [smem:$0x3FFE];
	[sflag:s23] =	ssyncadd.s32 $0xFFFFFFFF  }
0xa5: {  	s26 =	simm.s32 $execute0_lowered;
	[smem:$0x3FD2] =	sst s25  }
0xa6: {  	s4 =	sshll.u32 s26, $0x1;
	_ =	strace $0x80000049;
	[dreg:$0x1] =	wrdreg $0xFFFFFFFF  }
0xa7: {  	s28 =	simm.s32 $_size_execute0_lowered;
	s2 =	sadd.s32 s2, s4;
	[dreg:$0x0] =	wrdreg $0x0  }
0xa8: {  	s4 =	sshll.u32 s28, $0x1;
	[dreg:$0x2] =	wrdreg s2  }
0xa9: {  	[dreg:$0x3] =	wrdreg s4  }
0xaa: {  	[dreg:$0x4] =	wrdreg $0xC0  }
0xab: {  	_ =	task [dreg:s6], $0x5FFFF  }
0xac: {  	[dreg:$0x1] =	wrdreg $0xFFFFFFFF  }
0xad: {  	[dreg:$0x0] =	wrdreg $0x60  }
0xae: {  	[dreg:$0x2] =	wrdreg s24  }
0xaf: {  	[dreg:$0x3] =	wrdreg $0x0  }
0xb0: {  	[dreg:$0x4] =	wrdreg $0x9  }
0xb1: {  	_ =	task.clear_ibuf [dreg:s6], $0x5FFFF;
	_ =	strace $0x90000049  }
0xb2: {  	s29 =	simm.s32 $0x9;
	_ =	strace $0x8000004B  }
0xb3: {  	_ =	swait.ge [sflag:s29], $0x1  }
0xb4: {  	[sflag:s29] =	ssyncadd.s32 $0xFFFFFFFF  }
0xb5: {  	_ =	strace $0x9000004B  }
0xb6: {  	_ =	sfence  }
0xb7: {  	s30 =	sld [smem:$0x0];
	_ =	sdelay $0x2  }
0xb8: {  	s31 =	sshll.u32 s1, $0xD;
	s1 =	sshrl.u32 s1, $0x2  }
0xb9: {  	s3 =	sand.u32 $0x4000, s31;
	s1 =	sadd.s32 s1, s30  }
0xba: {  	s0 =	sor.u32 s3, s0;
	s1 =	sshll.u32 s1, $0x11  }
0xbb: {  	s0 =	sor.u32 s1, s0  }
0xbc: {  	s0 =	sadd.s32 $0x8F2B, s0  }
0xbd: {  	[sflag:s0] =	ssyncadd.remote.s32 $0x1  }
0xbe: {  	_ =	sfence.sel $0xFFFF  }
0xbf: {  	[dreg:$0x0] =	wrdreg $0xFFFFFFFF;
	(pc) =	sbr.abs _section_cstart, $3  }
0xc0: {  	[dreg:$0x1] =	wrdreg $0xFFFFFFFF  }
0xc1: {  	_ =	task.clear_ibuf [dreg:s6], $0x2FFFF;
	_ =	strace $0x9FFFFFFF  }
0xc2: {  	(tm) =	ssettm $0x7FFFFFFF  }
0xc3: {  	_ =	shalt  }
tec
execute0_lowered:
.L_overlay_start_1:
0x0: {  	(tag) =	ssettag $0x1  }
0x1: {  	s0 =	rddreg [dreg:$0x0]  }
0x2: {  	s1 =	rddreg [dreg:$0x1];
	s2 =	simm.s32 $0x0;
	s3 =	srdreg.scid  }
0x3: {  	s13 =	stileid.u32;
	s28 =	simm.s32 $0x13900;
	s29 =	simm.s32 $0x13A00  }
0x4: {  	s30 =	simm.s32 $0x1;
	s31 =	simm.s32 $0x8;
	[smem:$0x7FF] =	sst s2  }
0x5: {  	s4 =	sadd.s32 $0x17200, s0;
	s5 =	sadd.s32 $0xD400, s0;
	s9 =	smul.u32 $0x4E000, s13  }
0x6: {  	s3 =	sand.u32 $0x1, s3;
	s6 =	sshll.u32 s13, $0x1;
	s26 =	smul.u32 $0x2700, s13  }
0x7: {  	s11 =	sadd.s32 $0x3E400, s0;
	s12 =	sadd.s32 $0x124800, s1;
	s18 =	smul.u32 $0x4E20, s13  }
0x8: {  	p0 =	seq.s32 s13, $0xF;
	s13 =	simm.s32 $0x4;
	_ =	strace $0x8000004A  }
0x9: {  	s7 =	ssub.s32 $0x2, s3;
	s8 =	sor.u32 s3, s6;
	s15 =	smul.u32 $0x27100, s3  }
0xa: {  	s6 =	sadd.s32 $0x3600, s0;
	[dreg:$0x3] =	wrdreg s11;
	s16 =	smul.u32 $0x138800, s3  }
0xb: {  	s0 =	sadd.s32 $0x40C00, s0;
	[dreg:$0x6] =	wrdreg s12;
	s3 =	smul.u32 $0x2710, s3  }
0xc: {  	s12 =	simm.s32 $0x1BB80;
	s10 =	sshrl.u32 s7, $0x1;
	s9 =	sshrl.u32 s9, $0x2  }
0xd: {  	s8 =	smul.u32 $0x2710, s8;
	s7 =	ssub.s32 s7, s10;
	s9 =	sadd.s32 s9, s1  }
0xe: {  	s19 =	sadd.s32 s26, s15;
	s22 =	sadd.s32 s3, s18;
	s10 =	simm.s32 $0x2  }
0xf: {  	s18 =	simm.s32 $0x0;
	s8 =	sshrl.u32 s8, $0x3;
	[dreg:$0x4] =	wrdreg s9  }
0x10: {  	s23 =	smax.u32 s7, $0x1;
	s24 =	sadd.s32 $0x180, s22;
	s25 =	sadd.s32 $0x100, s22  }
0x11: {  	s26 =	sadd.s32 $0x200, s22;
	s9 =	simm.s32 $0x3;
	s14 =	sadd.s32 s5, s8  }
0x12: {  	s17 =	sadd.s32 s6, s8;
	s8 =	sadd.s32 $0x4E0, s8;
	[dreg:$0xd] =	wrdreg s23  }
0x13: {  	[dreg:$0xe] =	wrdreg s24;
	s3 =	sshrl.u32 s25, $0x3;
	s7 =	sshrl.u32 s26, $0x3  }
0x14: {  	s23 =	simm.s32 $0x13880;
	s24 =	simm.s32 $0x7;
	[dreg:$0x5] =	wrdreg s14  }
0x15: {  	s25 =	simm.s32 $0x80;
	s11 =	sadd.s32 $0x10, s14;
	[dreg:$0x8] =	wrdreg s17  }
0x16: {  	s26 =	simm.s32 $0x13B80;
	s14 =	sadd.s32 s5, s8;
	[dreg:$0x7] =	wrdreg s11  }
0x17: {  	s8 =	sadd.s32 s6, s8;
	s17 =	simm.s32 $0x9;
	[dreg:$0x9] =	wrdreg s14  }
0x18: {  	s11 =	sshrl.u32 s16, $0x3;
	[dreg:$0xa] =	wrdreg s8;
	s8 =	simm.s32 $0x13980  }
.Ltmp0:
0x19: {  	s20 =	sadd.s32 s0, s11;
	s0 =	sadd.s32 s0, s19;
	(pc) =	sbr.rel .LBB2_1-.Ltmp0, $4  }
0x1a: {  	s19 =	sadd.s32 s3, s6;
	s11 =	simm.s32 $0x13B00;
	[dreg:$0xb] =	wrdreg s0  }
0x1b: {  	s21 =	sadd.s32 $0x24900, s20;
	s0 =	sadd.s32 $0x80, s22;
	s20 =	sadd.s32 s3, s5  }
0x1c: {  	s3 =	simm.s32 $0x17B80;
	[dreg:$0xc] =	wrdreg s21;
	s0 =	sshrl.u32 s0, $0x3  }
0x1d: {  	s21 =	sadd.s32 s7, s5;
	s22 =	sadd.s32 s0, s6;
	s0 =	simm.s32 $0x13A80  }
.LBB2_4:
0x1e: {  	_ =	swait.ge [sflag:s9], $0x4000  }
0x1f: {  	[sflag:s9] =	ssyncset.done $0x0  }
0x20: {  	[sflag:s9] =	ssyncadd.s32 $0xFFFFC000  }
0x21: {  	_ =	swait.ge [sflag:s31], $0x80  }
0x22: {  	[sflag:s31] =	ssyncset.done $0x0  }
0x23: {  	[sflag:s31] =	ssyncadd.s32 $0xFFFFFF80  }
0x24: {  	[spmem:s1] =	stream.indirect.scatter.add.f32 [tilespmem:s12], [sflag:$0x6], $0x80, s11, s25, $0xb8;
	[tilespmem:$0x1FC80] =	vst v63  }
0x25: {  	_ =	swait.ge [sflag:s13], $0x4000  }
0x26: {  	[sflag:s13] =	ssyncset.done $0x0  }
0x27: {  	s7 =	simm.s32 $0x5;
	[sflag:s13] =	ssyncadd.s32 $0xFFFFC000  }
0x28: {  	_ =	swait.ge [sflag:s7], $0x4000  }
0x29: {  	[sflag:s7] =	ssyncset.done $0x0  }
0x2a: {  	s15 =	simm.s32 $0x6;
	[sflag:s7] =	ssyncadd.s32 $0xFFFFC000  }
0x2b: {  	_ =	swait.ge [sflag:s15], $0x4000  }
0x2c: {  	[sflag:s15] =	ssyncset.done $0x0  }
0x2d: {  	s14 =	simm.s32 $0x1FB80;
	s16 =	rddreg [dreg:$0x9];
	[sflag:s15] =	ssyncadd.s32 $0xFFFFC000  }
0x2e: {  	[tilespmem:s14], [sflag:$0x9] =	stream.linear.gather [hbm4b:s16+s2], $0x10, $0x38;
	[tilespmem:$0x1FC80] =	vst v63  }
0x2f: {  	_ =	swait.ge [sflag:s17], $0x10  }
0x30: {  	[sflag:s17] =	ssyncset.done $0x0  }
0x31: {  	s15 =	simm.s32 $0x10;
	[sflag:s17] =	ssyncadd.s32 $0xFFFFFFF0  }
0x32: {  	[tilespmem:s26], [sflag:$0x1] =	stream.indirect.gather [hbm4b:s4+s15], $0x80, s14, s15, $0xb8;
	[tilespmem:$0x1FC80] =	vst v63  }
0x33: {  	s16 =	simm.s32 $0x1FC00;
	s14 =	rddreg [dreg:$0xa]  }
0x34: {  	[tilespmem:s16], [sflag:$0x9] =	stream.linear.gather [hbm4b:s14+s2], $0x10, $0x38;
	[tilespmem:$0x1FC80] =	vst v63  }
0x35: {  	_ =	swait.ge [sflag:s17], $0x10  }
0x36: {  	[sflag:s17] =	ssyncset.done $0x0  }
0x37: {  	[sflag:s17] =	ssyncadd.s32 $0xFFFFFFF0  }
0x38: {  	_ =	swait.ge [sflag:s30], $0x800  }
0x39: {  	[sflag:s30] =	ssyncset.done $0x0  }
0x3a: {  	[sflag:s30] =	ssyncadd.s32 $0xFFFFF800  }
0x3b: {  	[spmem:s1] =	stream.indirect.scatter.add.f32 [tilespmem:s26], [sflag:$0x9], $0x80, s16, s15, $0xb8;
	[tilespmem:$0x1FC80] =	vst v63  }
0x3c: {  	_ =	swait.ge [sflag:s17], $0x800  }
0x3d: {  	[sflag:s17] =	ssyncset.done $0x0  }
0x3e: {  	[sflag:s17] =	ssyncadd.s32 $0xFFFFF800  }
0x3f: {  	[bflag:$0x0] =	sbarrier.arrive $0xFFFF  }
0x40: {  	s14 =	rddreg [dreg:$0xc]  }
0x41: {  	s7 =	simm.s32 @p0 $0x1FC9;
	s15 =	rddreg [dreg:$0xf]  }
0x42: {  	[hbm:s14], [sflag:s7] =	dma.local @p0 [spmem:s15], $0x2800  }
0x43: {  	s7 =	simm.s32 @p0 $0x9  }
0x44: {  	_ =	swait.ge @p0 [sflag:s7], $0x2800  }
0x45: {  	s14 =	rddreg [dreg:$0x10]  }
0x46: {  	[sflag:s7] =	ssyncset.done @p0 $0x0;
	s15 =	rddreg [dreg:$0x11]  }
0x47: {  	[sflag:s7] =	ssyncadd.s32 @p0 $0xFFFFD800;
	s7 =	rddreg [dreg:$0xb]  }
0x48: {  	[hbm:s7], [sflag:s14] =	dma.local @!p0 [spmem:s15], $0x2700  }
0x49: {  	s7 =	simm.s32 @!p0 $0x9  }
0x4a: {  	_ =	swait.ge @!p0 [sflag:s7], $0x2700  }
0x4b: {  	s18 =	sadd.s32 $0x1, s18;
	s16 =	rddreg [dreg:$0xd]  }
0x4c: {  	p1 =	sne.s32 s18, s16  }
.Ltmp1:
0x4d: {  	_ = 	snop;
	(pc) =	sbr.rel @!p1 .LBB2_5-.Ltmp1, $3  }
0x4e: {  	_ =	sdelay $0x1  }
0x4f: {  	[sflag:s7] =	ssyncset.done @!p0 $0x0  }
0x50: {  	[sflag:s7] =	ssyncadd.s32 @!p0 $0xFFFFD900  }
.LBB2_1:
0x51: {  	s7 =	rddreg [dreg:$0x6]  }
0x52: {  	s15 =	rddreg [dreg:$0x3];
	s14 =	sshrl.u32 @p0 s7, $0x3  }
0x53: {  	s7 =	simm.s32 @p0 $0x1FC9;
	[dreg:$0xf] =	wrdreg s14  }
0x54: {  	[spmem:s14], [sflag:s7] =	dma.local @p0 [hbm:s15], $0x2800  }
0x55: {  	s7 =	simm.s32 @p0 $0x9  }
0x56: {  	s14 =	stileid.u32;
	_ =	swait.ge @p0 [sflag:s7], $0x2800  }
0x57: {  	s14 =	sshll.u32 @!p0 s14, $0x6;
	[sflag:s7] =	ssyncset.done @p0 $0x0  }
0x58: {  	s14 =	sor.u32 @!p0 $0x1C09, s14;
	[sflag:s7] =	ssyncadd.s32 @p0 $0xFFFFD800;
	s7 =	rddreg [dreg:$0x4]  }
0x59: {  	[dreg:$0x10] =	wrdreg s14;
	s7 =	sshrl.u32 @!p0 s7, $0x3  }
0x5a: {  	[dreg:$0x11] =	wrdreg s7  }
0x5b: {  	[spmem:s7], [sflag:s14] =	dma.local @!p0 [hbm:s15], $0x2700  }
0x5c: {  	s7 =	simm.s32 @!p0 $0x9  }
0x5d: {  	_ =	swait.ge @!p0 [sflag:s7], $0x2700  }
0x5e: {  	[sflag:s7] =	ssyncset.done @!p0 $0x0  }
0x5f: {  	[sflag:s7] =	ssyncadd.s32 @!p0 $0xFFFFD900  }
0x60: {  	[bflag:$0x0] =	sbarrier.arrive $0xFFFF  }
0x61: {  	s14 =	rddreg [dreg:$0x5]  }
0x62: {  	[tilespmem:s23], [sflag:$0x7] =	stream.linear.gather [hbm4b:s14+s2], $0x80, $0x38;
	[tilespmem:$0x1FC80] =	vst v63  }
0x63: {  	_ =	swait.ge [sflag:s24], $0x80  }
0x64: {  	[sflag:s24] =	ssyncset.done $0x0  }
0x65: {  	[sflag:s24] =	ssyncadd.s32 $0xFFFFFF80  }
0x66: {  	[tilespmem:s26], [sflag:$0x1] =	stream.indirect.gather [hbm4b:s4+s25], $0x80, s23, s25, $0xb8;
	[tilespmem:$0x1FC80] =	vst v63  }
0x67: {  	s15 =	rddreg [dreg:$0x7]  }
0x68: {  	[tilespmem:s28], [sflag:$0x7] =	stream.linear.gather [hbm4b:s15+s2], $0x80, $0x38;
	[tilespmem:$0x1FC80] =	vst v63  }
0x69: {  	s16 =	rddreg [dreg:$0x8]  }
0x6a: {  	[tilespmem:s29], [sflag:$0x8] =	stream.linear.gather [hbm4b:s16+s2], $0x80, $0x38;
	[tilespmem:$0x1FC80] =	vst v63  }
0x6b: {  	s7 =	rddreg [dreg:$0xe];
	s16 =	simm.s32 $0x0  }
.LBB2_2:
0x6c: {  	_ =	swait.ge [sflag:s30], $0x4000  }
0x6d: {  	[sflag:s30] =	ssyncset.done $0x0  }
0x6e: {  	[sflag:s30] =	ssyncadd.s32 $0xFFFFC000  }
0x6f: {  	_ =	swait.ge [sflag:s31], $0x80  }
0x70: {  	p1 =	seq.s32 s16, $0x0;
	[sflag:s31] =	ssyncset.done $0x0  }
0x71: {  	s14 =	simm.s32 @!p1 $0x5;
	[sflag:s31] =	ssyncadd.s32 $0xFFFFFF80  }
0x72: {  	[spmem:s1] =	stream.indirect.scatter.add.f32 [tilespmem:s26], [sflag:$0x4], $0x80, s29, s25, $0xb8;
	[tilespmem:$0x1FC80] =	vst v63  }
0x73: {  	_ =	swait.ge @!p1 [sflag:s14], $0x4000  }
0x74: {  	[sflag:s14] =	ssyncset.done @!p1 $0x0  }
0x75: {  	s15 =	sadd.s32 s16, s22;
	[sflag:s14] =	ssyncadd.s32 @!p1 $0xFFFFC000  }
0x76: {  	[tilespmem:s0], [sflag:$0x8] =	stream.linear.gather [hbm4b:s15+s2], $0x80, $0x38;
	[tilespmem:$0x1FC80] =	vst v63  }
0x77: {  	_ =	swait.ge [sflag:s24], $0x80  }
0x78: {  	[sflag:s24] =	ssyncset.done $0x0  }
0x79: {  	[sflag:s24] =	ssyncadd.s32 $0xFFFFFF80  }
0x7a: {  	[tilespmem:s3], [sflag:$0x2] =	stream.indirect.gather [hbm4b:s4+s25], $0x80, s28, s25, $0xb8;
	[tilespmem:$0x1FC80] =	vst v63  }
0x7b: {  	s15 =	sadd.s32 s16, s20  }
0x7c: {  	[tilespmem:s8], [sflag:$0x7] =	stream.linear.gather [hbm4b:s15+s2], $0x80, $0x38;
	[tilespmem:$0x1FC80] =	vst v63  }
0x7d: {  	_ =	swait.ge [sflag:s10], $0x4000  }
0x7e: {  	[sflag:s10] =	ssyncset.done $0x0  }
0x7f: {  	[sflag:s10] =	ssyncadd.s32 $0xFFFFC000  }
0x80: {  	_ =	swait.ge [sflag:s31], $0x80  }
0x81: {  	[sflag:s31] =	ssyncset.done $0x0  }
0x82: {  	s14 =	simm.s32 @!p1 $0x6;
	[sflag:s31] =	ssyncadd.s32 $0xFFFFFF80  }
0x83: {  	[spmem:s1] =	stream.indirect.scatter.add.f32 [tilespmem:s3], [sflag:$0x5], $0x80, s0, s25, $0xb8;
	[tilespmem:$0x1FC80] =	vst v63  }
0x84: {  	_ =	swait.ge @!p1 [sflag:s14], $0x4000  }
0x85: {  	[sflag:s14] =	ssyncset.done @!p1 $0x0  }
0x86: {  	s15 =	sadd.s32 s16, s19;
	[sflag:s14] =	ssyncadd.s32 @!p1 $0xFFFFC000;
	p1 =	seq.s32 s16, $0x4B0  }
0x87: {  	[tilespmem:s11], [sflag:$0x8] =	stream.linear.gather [hbm4b:s15+s2], $0x80, $0x38;
	[tilespmem:$0x1FC80] =	vst v63  }
.Ltmp2:
0x88: {  	_ = 	snop;
	(pc) =	sbr.rel @p1 .LBB2_4-.Ltmp2, $4  }
0x89: {  	_ =	swait.ge [sflag:s24], $0x80  }
0x8a: {  	[sflag:s24] =	ssyncset.done $0x0  }
0x8b: {  	[sflag:s24] =	ssyncadd.s32 $0xFFFFFF80  }
0x8c: {  	[tilespmem:s12], [sflag:$0x3] =	stream.indirect.gather [hbm4b:s4+s25], $0x80, s8, s25, $0xb8;
	[tilespmem:$0x1FC80] =	vst v63  }
0x8d: {  	s14 =	sshrl.u32 s7, $0x3  }
0x8e: {  	s15 =	sadd.s32 s5, s14  }
0x8f: {  	[tilespmem:s23], [sflag:$0x7] =	stream.linear.gather [hbm4b:s15+s2], $0x80, $0x38;
	[tilespmem:$0x1FC80] =	vst v63  }
0x90: {  	_ =	swait.ge [sflag:s9], $0x4000  }
0x91: {  	[sflag:s9] =	ssyncset.done $0x0  }
0x92: {  	[sflag:s9] =	ssyncadd.s32 $0xFFFFC000  }
0x93: {  	_ =	swait.ge [sflag:s31], $0x80  }
0x94: {  	[sflag:s31] =	ssyncset.done $0x0  }
0x95: {  	[sflag:s31] =	ssyncadd.s32 $0xFFFFFF80  }
0x96: {  	[spmem:s1] =	stream.indirect.scatter.add.f32 [tilespmem:s12], [sflag:$0x6], $0x80, s11, s25, $0xb8;
	[tilespmem:$0x1FC80] =	vst v63  }
0x97: {  	_ =	swait.ge [sflag:s13], $0x4000  }
0x98: {  	[sflag:s13] =	ssyncset.done $0x0  }
0x99: {  	s14 =	sadd.s32 s6, s14;
	[sflag:s13] =	ssyncadd.s32 $0xFFFFC000  }
0x9a: {  	[tilespmem:s29], [sflag:$0x8] =	stream.linear.gather [hbm4b:s14+s2], $0x80, $0x38;
	[tilespmem:$0x1FC80] =	vst v63  }
0x9b: {  	_ =	swait.ge [sflag:s24], $0x80  }
.Ltmp3:
0x9c: {  	[sflag:s24] =	ssyncset.done $0x0;
	(pc) =	sbr.rel .LBB2_2-.Ltmp3, $4  }
0x9d: {  	[sflag:s24] =	ssyncadd.s32 $0xFFFFFF80  }
0x9e: {  	[tilespmem:s26], [sflag:$0x1] =	stream.indirect.gather [hbm4b:s4+s25], $0x80, s23, s25, $0xb8;
	[tilespmem:$0x1FC80] =	vst v63  }
0x9f: {  	s7 =	sadd.s32 $0x180, s7;
	s15 =	sadd.s32 s16, s21;
	s16 =	sadd.s32 $0x30, s16  }
0xa0: {  	[tilespmem:s28], [sflag:$0x7] =	stream.linear.gather [hbm4b:s15+s2], $0x80, $0x38;
	[tilespmem:$0x1FC80] =	vst v63  }
.LBB2_5:
0xa1: {  	_ =	sfence.sel $0x180000  }
0xa2: {  	[bflag:$0x0] =	sbarrier.arrive $0xFFFF  }
0xa3: {  	_ =	strace $0x9000004A  }
0xa4: {  	s0 =	stileid.u32;
	[bflag:$0x2] =	sbarrier.arrive $0xFFFF  }
0xa5: {  	p0 =	sne.s32 s0, $0x0;
	s0 =	rddreg [dreg:$0x2]  }
0xa6: {  	s0 =	sadd.s32 @!p0 $0x100000, s0  }
0xa7: {  	[sflag:s0] =	ssyncadd.tile.s32 @!p0 $0x1;
	_ =	shalt  }
.Lfunc_end2:
_tile_overlayer_lowered:
.L_overlay_start_2:
0xa8: {  	(tag) =	ssettag $0x2  }
0xa9: {  	s0 =	rddreg [dreg:$0x0];
	s2 =	stileid.u32  }
0xaa: {  	s1 =	rddreg [dreg:$0x1];
	p0 =	sne.s32 s2, $0x0  }
0xab: {  	s3 =	rddreg [dreg:$0x2];
	[bflag:$0x3] =	sbarrier.arrive $0xFFFF;
	s2 =	simm.s32 @!p0 $0x1C09  }
0xac: {  	[timem:s3], [sflag:s2] =	dma.local @!p0 [hbm:s0], s1  }
0xad: {  	s0 =	simm.s32 @!p0 $0x9  }
0xae: {  	_ =	swait.ge @!p0 [sflag:s0], s1  }
0xaf: {  	s1 =	ssub.s32 @!p0 $0x0, s1;
	[sflag:s0] =	ssyncset.done @!p0 $0x0  }
0xb0: {  	[sflag:s0] =	ssyncadd.s32 @!p0 s1  }
0xb1: {  	[bflag:$0x3] =	sbarrier.arrive $0xFFFF  }
0xb2: {  	_ =	shalt  }

// kernel: kernel.15.cloned.1.call-start
scs
__scs_entry_jumppad:
0x0: {  	(pc) =	sbr.rel $0x88, $3  }
0x1: {  	(tag) =	ssettag $0x0;
	lr =	simm.s32 $0x1  }
0x2: {  	[smem:$0x3F90] =	sst lr;
	_ =	strace $0xD0000000  }
0x3: {  	_ = 	snop  }
0x4: {  	_ = 	snop  }
0x5: {  	_ = 	snop  }
0x6: {  	_ = 	snop  }
0x7: {  	_ = 	snop  }
__scs_overlays_trampoline_lowered:
0x8: {  	[smem:$0x3F9F] =	sst s0  }
0x9: {  	[smem:$0x3FA0] =	sst s1  }
0xa: {  	[smem:$0x3FA1] =	sst s2  }
0xb: {  	[smem:$0x3FA2] =	sst s3  }
0xc: {  	[smem:$0x3FA3] =	sst s4  }
0xd: {  	[smem:$0x3FA4] =	sst s5  }
0xe: {  	[smem:$0x3FA5] =	sst s6  }
0xf: {  	[smem:$0x3FA6] =	sst s7  }
0x10: {  	[smem:$0x3FA7] =	sst s8  }
0x11: {  	[smem:$0x3FA8] =	sst s9;
	s0 =	simm.s32 @!p0 $0x0  }
0x12: {  	s1 =	sld [smem:$0x3F8E];
	s0 =	simm.s32 @p0 $0x1  }
0x13: {  	[smem:$0x3FA9] =	sst s0;
	s0 =	simm.s32 @!p1 $0x0  }
0x14: {  	s2 =	sld [smem:$0x3F8D];
	s0 =	simm.s32 @p1 $0x1  }
0x15: {  	[smem:$0x3FAA] =	sst s0;
	s0 =	simm.s32 @!p2 $0x0  }
0x16: {  	s3 =	sld [smem:$0x3FDB];
	s0 =	simm.s32 @p2 $0x1  }
0x17: {  	s4 =	simm.s32 $0x1BF5;
	[smem:$0x3FAC] =	sst s0  }
0x18: {  	s0 =	sld [smem:$0x3F8F];
	_ =	swait.ge [sflag:s4], $0x0  }
0x19: {  	s7 =	sld [smem:$0x3F90]  }
0x1a: {  	s8 =	sadd.s32 $0xFFFFE003, lr  }
0x1b: {  	s9 =	sadd.s32 $0xFFFFFEF7, lr;
	s5 =	simm.s32 $0xFFFFFFFF;
	p2 =	slt.u32 s8, $0xFFFFF086  }
0x1c: {  	p1 =	slt.u32 s9, $0xF7A;
	s5 =	simm.s32 @!p2 $0x0  }
0x1d: {  	s5 =	simm.s32 @p1 $0x1;
	p0 =	seq.s32 s7, s2  }
0x1e: {  	s7 =	smul.u32 @!p0 $0xF7A, s2;
	p2 =	seq.s32 @!p0 s5, $0x0  }
0x1f: {  	s9 =	smul.u32 $0xF7A, s1;
	s8 =	simm.s32 @!p0 $0x1BF5;
	p2 =	por !p2, p0  }
0x20: {  	[sflag:s8] =	ssyncset.s32 @!p0 $0xFFFFF086;
	s6 =	sadd.s32 @!p0 s3, s7;
	s7 =	simm.s32 @!p0 $0x108  }
0x21: {  	s3 =	sadd.s32 s3, s9;
	s6 =	sadd.s32 @!p0 $0x88, s6;
	s7 =	simm.s32 @p2 $0x1082  }
0x22: {  	[simem:s7], [sflag:s8] =	dma.local @!p0 [hbm:s6], $0xF7A  }
0x23: {  	s9 =	sor.u32 $0xD0000000, s2;
	s6 =	simm.s32 $0x108;
	_ =	swait.ge @!p0 [sflag:s8], $0x0  }
0x24: {  	s3 =	sadd.s32 $0x88, s3;
	s6 =	simm.s32 @!p1 $0x1082;
	[sflag:s4] =	ssyncset.s32 $0xFFFFF086  }
0x25: {  	[simem:s6], [sflag:s4] =	dma.local [hbm:s3], $0xF7A  }
0x26: {  	[smem:$0x3F90] =	sst s1;
	(tag) =	ssettag s2;
	_ =	strace s9  }
0x27: {  	s1 =	sld [smem:$0x3FA0]  }
0x28: {  	s2 =	sld [smem:$0x3FA1]  }
0x29: {  	s4 =	sld [smem:$0x3FA3]  }
0x2a: {  	p0 =	seq.s32 s5, $0x0;
	s5 =	sld [smem:$0x3FA4]  }
0x2b: {  	s6 =	sld [smem:$0x3FA5]  }
0x2c: {  	s7 =	sld [smem:$0x3FA6]  }
0x2d: {  	s3 =	simm.s32 $0x108;
	s8 =	sld [smem:$0x3FA7]  }
0x2e: {  	s3 =	simm.s32 @!p0 $0x1082;
	s9 =	sld [smem:$0x3FA8]  }
0x2f: {  	lr =	sadd.s32 s0, s3;
	s0 =	sld [smem:$0x3F9F]  }
0x30: {  	s3 =	sld [smem:$0x3FA2]  }
0x31: {  	[smem:$0x3FAB] =	sst s10  }
0x32: {  	s10 =	sld [smem:$0x3FA9];
	_ =	sdelay $0x3  }
0x33: {  	p0 =	seq.s32 s10, $0x1;
	s10 =	sld [smem:$0x3FAB];
	_ =	sdelay $0x3  }
0x34: {  	[smem:$0x3FAB] =	sst s10  }
0x35: {  	s10 =	sld [smem:$0x3FAA];
	_ =	sdelay $0x3  }
0x36: {  	p1 =	seq.s32 s10, $0x1;
	s10 =	sld [smem:$0x3FAB];
	_ =	sdelay $0x3  }
0x37: {  	[smem:$0x3FAB] =	sst s10  }
0x38: {  	s10 =	sld [smem:$0x3FAC]  }
0x39: {  	_ = 	snop;
	(pc) =	sbr.ind lr, $3  }
0x3a: {  	_ = 	snop  }
0x3b: {  	_ = 	snop  }
0x3c: {  	p2 =	seq.s32 s10, $0x1;
	s10 =	sld [smem:$0x3FAB]  }
0x3d: {  	_ =	shalt  }
0x3e: {  	_ =	shalt  }
0x3f: {  	_ =	shalt  }
0x40: {  	_ =	shalt  }
0x41: {  	_ =	shalt  }
0x42: {  	_ =	shalt  }
0x43: {  	_ =	shalt  }
0x44: {  	_ =	shalt  }
0x45: {  	_ =	shalt  }
0x46: {  	_ =	shalt  }
0x47: {  	_ =	shalt  }
0x48: {  	_ =	shalt  }
0x49: {  	_ =	shalt  }
0x4a: {  	_ =	shalt  }
0x4b: {  	_ =	shalt  }
0x4c: {  	_ =	shalt  }
0x4d: {  	_ =	shalt  }
0x4e: {  	_ =	shalt  }
0x4f: {  	_ =	shalt  }
0x50: {  	_ =	shalt  }
0x51: {  	_ =	shalt  }
0x52: {  	_ =	shalt  }
0x53: {  	_ =	shalt  }
0x54: {  	_ =	shalt  }
0x55: {  	_ =	shalt  }
0x56: {  	_ =	shalt  }
0x57: {  	_ =	shalt  }
0x58: {  	_ =	shalt  }
0x59: {  	_ =	shalt  }
0x5a: {  	_ =	shalt  }
0x5b: {  	_ =	shalt  }
0x5c: {  	_ =	shalt  }
0x5d: {  	_ =	shalt  }
0x5e: {  	_ =	shalt  }
0x5f: {  	_ =	shalt  }
0x60: {  	_ =	shalt  }
0x61: {  	_ =	shalt  }
0x62: {  	_ =	shalt  }
0x63: {  	_ =	shalt  }
0x64: {  	_ =	shalt  }
0x65: {  	_ =	shalt  }
0x66: {  	_ =	shalt  }
0x67: {  	_ =	shalt  }
0x68: {  	_ =	shalt  }
0x69: {  	_ =	shalt  }
0x6a: {  	_ =	shalt  }
0x6b: {  	_ =	shalt  }
0x6c: {  	_ =	shalt  }
0x6d: {  	_ =	shalt  }
0x6e: {  	_ =	shalt  }
0x6f: {  	_ =	shalt  }
0x70: {  	_ =	shalt  }
0x71: {  	_ =	shalt  }
0x72: {  	_ =	shalt  }
0x73: {  	_ =	shalt  }
0x74: {  	_ =	shalt  }
0x75: {  	_ =	shalt  }
0x76: {  	_ =	shalt  }
0x77: {  	_ =	shalt  }
0x78: {  	_ =	shalt  }
0x79: {  	_ =	shalt  }
0x7a: {  	_ =	shalt  }
0x7b: {  	_ =	shalt  }
0x7c: {  	_ =	shalt  }
0x7d: {  	_ =	shalt  }
0x7e: {  	_ =	shalt  }
0x7f: {  	_ =	shalt  }
0x80: {  	_ =	shalt  }
0x81: {  	_ =	shalt  }
0x82: {  	_ =	shalt  }
0x83: {  	_ =	shalt  }
0x84: {  	_ =	shalt  }
0x85: {  	_ =	shalt  }
0x86: {  	_ =	shalt  }
0x87: {  	_ =	shalt  }
.Lfunc_end0:
.L_simem_size_0:
called_computation.2_lowered:
.L_overlay_start_0:
0x88: {  	s2 =	sld [smem:$0x3FD9]  }
0x89: {  	s3 =	sld [smem:$0x3FFE];
	_ =	sdelay $0x1  }
0x8a: {  	s1 =	srdreg.scid  }
0x8b: {  	s0 =	sand.u32 $0x1, s1  }
0x8c: {  	s16 =	sshll.u32 s0, $0xA;
	s2 =	sadd.s32 s3, s2  }
0x8d: {  	s2 =	sadd.s32 s2, s16  }
0x8e: {  	[smem:$0x3FB7] =	sst s2  }
0x8f: {  	_ = 	snop  }
0x90: {  	(tm) =	ssettm $0x1  }
0x91: {  	s17 =	sld [smem:$0x3FFB];
	_ =	sdelay $0x3  }
0x92: {  	_ =	strace s17  }
0x93: {  	s2 =	sld [smem:$0x3FFC];
	_ =	sdelay $0x3  }
0x94: {  	_ =	strace s2  }
0x95: {  	s2 =	sld [smem:$0x3FFD];
	_ =	sdelay $0x3  }
0x96: {  	_ =	strace s2  }
0x97: {  	_ =	strace $0x8FFFFFFF  }
0x98: {  	s18 =	sld [smem:$0x3FDB];
	_ =	sdelay $0x1  }
0x99: {  	s19 =	simm.s32 $_scs_section_size  }
0x9a: {  	s4 =	simm.s32 $_size__tile_overlayer_lowered;
	s5 =	simm.s32 $_tile_overlayer_lowered  }
0x9b: {  	s22 =	simm.s32 $0x1BFF;
	s21 =	sshll.u32 s5, $0x1;
	s2 =	sadd.s32 s19, s18  }
0x9c: {  	s6 =	simm.s32 $0x0;
	s20 =	sshll.u32 s4, $0x1;
	s4 =	sadd.s32 s21, s2  }
0x9d: {  	[timem:s6], [sflag:s22] =	dma.local [hbm:s4], s20  }
0x9e: {  	_ =	swait.ge [sflag:s22], s20  }
0x9f: {  	s3 =	ssub.s32 $0x0, s20;
	[sflag:s22] =	ssyncset.done $0x0  }
0xa0: {  	[sflag:s22] =	ssyncadd.s32 s3;
	_ =	sdelay $0x1  }
0xa1: {  	s23 =	simm.s32 $0x1B8B  }
0xa2: {  	_ =	swait.ge [sflag:s23], $0x1  }
0xa3: {  	[sflag:s23] =	ssyncset.done $0x0  }
0xa4: {  	s25 =	simm.s32 $0x1B8E;
	s24 =	sld [smem:$0x3FFE];
	[sflag:s23] =	ssyncadd.s32 $0xFFFFFFFF  }
0xa5: {  	s26 =	simm.s32 $execute0_lowered;
	[smem:$0x3FD2] =	sst s25  }
0xa6: {  	s4 =	sshll.u32 s26, $0x1;
	_ =	strace $0x8000004C;
	[dreg:$0x1] =	wrdreg $0xFFFFFFFF  }
0xa7: {  	s28 =	simm.s32 $_size_execute0_lowered;
	s2 =	sadd.s32 s2, s4;
	[dreg:$0x0] =	wrdreg $0x0  }
0xa8: {  	s4 =	sshll.u32 s28, $0x1;
	[dreg:$0x2] =	wrdreg s2  }
0xa9: {  	[dreg:$0x3] =	wrdreg s4  }
0xaa: {  	[dreg:$0x4] =	wrdreg $0xC0  }
0xab: {  	_ =	task [dreg:s6], $0x5FFFF  }
0xac: {  	[dreg:$0x1] =	wrdreg $0xFFFFFFFF  }
0xad: {  	[dreg:$0x0] =	wrdreg $0x60  }
0xae: {  	[dreg:$0x2] =	wrdreg s24  }
0xaf: {  	[dreg:$0x3] =	wrdreg $0x0  }
0xb0: {  	[dreg:$0x4] =	wrdreg $0x9  }
0xb1: {  	_ =	task.clear_ibuf [dreg:s6], $0x5FFFF;
	_ =	strace $0x9000004C  }
0xb2: {  	s29 =	simm.s32 $0x9;
	_ =	strace $0x8000004E  }
0xb3: {  	_ =	swait.ge [sflag:s29], $0x1  }
0xb4: {  	[sflag:s29] =	ssyncadd.s32 $0xFFFFFFFF  }
0xb5: {  	_ =	strace $0x9000004E  }
0xb6: {  	_ =	sfence  }
0xb7: {  	s30 =	sld [smem:$0x0];
	_ =	sdelay $0x2  }
0xb8: {  	s31 =	sshll.u32 s1, $0xD;
	s1 =	sshrl.u32 s1, $0x2  }
0xb9: {  	s3 =	sand.u32 $0x4000, s31;
	s1 =	sadd.s32 s1, s30  }
0xba: {  	s0 =	sor.u32 s3, s0;
	s1 =	sshll.u32 s1, $0x11  }
0xbb: {  	s0 =	sor.u32 s1, s0  }
0xbc: {  	s0 =	sadd.s32 $0x8F2B, s0  }
0xbd: {  	[sflag:s0] =	ssyncadd.remote.s32 $0x1  }
0xbe: {  	_ =	sfence.sel $0xFFFF  }
0xbf: {  	[dreg:$0x0] =	wrdreg $0xFFFFFFFF;
	(pc) =	sbr.abs _section_cstart, $3  }
0xc0: {  	[dreg:$0x1] =	wrdreg $0xFFFFFFFF  }
0xc1: {  	_ =	task.clear_ibuf [dreg:s6], $0x2FFFF;
	_ =	strace $0x9FFFFFFF  }
0xc2: {  	(tm) =	ssettm $0x7FFFFFFF  }
0xc3: {  	_ =	shalt  }
tec
execute0_lowered:
.L_overlay_start_1:
0x0: {  	(tag) =	ssettag $0x1  }
0x1: {  	s0 =	rddreg [dreg:$0x0]  }
0x2: {  	s1 =	rddreg [dreg:$0x1];
	s2 =	simm.s32 $0x0;
	s3 =	srdreg.scid  }
0x3: {  	s13 =	stileid.u32;
	s28 =	simm.s32 $0x13900;
	s29 =	simm.s32 $0x13A00  }
0x4: {  	s30 =	simm.s32 $0x1;
	s31 =	simm.s32 $0x8;
	[smem:$0x7FF] =	sst s2  }
0x5: {  	s4 =	sadd.s32 $0x17200, s0;
	s5 =	sadd.s32 $0xD400, s0;
	s9 =	smul.u32 $0x4E000, s13  }
0x6: {  	s3 =	sand.u32 $0x1, s3;
	s6 =	sshll.u32 s13, $0x1;
	s26 =	smul.u32 $0x2700, s13  }
0x7: {  	s11 =	sadd.s32 $0x3E400, s0;
	s12 =	sadd.s32 $0x124800, s1;
	s18 =	smul.u32 $0x4E20, s13  }
0x8: {  	p0 =	seq.s32 s13, $0xF;
	s13 =	simm.s32 $0x4;
	_ =	strace $0x8000004D  }
0x9: {  	s7 =	ssub.s32 $0x2, s3;
	s8 =	sor.u32 s3, s6;
	s15 =	smul.u32 $0x27100, s3  }
0xa: {  	s6 =	sadd.s32 $0x3600, s0;
	[dreg:$0x3] =	wrdreg s11;
	s16 =	smul.u32 $0x138800, s3  }
0xb: {  	s0 =	sadd.s32 $0x40C00, s0;
	[dreg:$0x6] =	wrdreg s12;
	s3 =	smul.u32 $0x2710, s3  }
0xc: {  	s12 =	simm.s32 $0x1BB80;
	s10 =	sshrl.u32 s7, $0x1;
	s9 =	sshrl.u32 s9, $0x2  }
0xd: {  	s8 =	smul.u32 $0x2710, s8;
	s7 =	ssub.s32 s7, s10;
	s9 =	sadd.s32 s9, s1  }
0xe: {  	s19 =	sadd.s32 s26, s15;
	s22 =	sadd.s32 s3, s18;
	s10 =	simm.s32 $0x2  }
0xf: {  	s18 =	simm.s32 $0x0;
	s8 =	sshrl.u32 s8, $0x3;
	[dreg:$0x4] =	wrdreg s9  }
0x10: {  	s23 =	smax.u32 s7, $0x1;
	s24 =	sadd.s32 $0x180, s22;
	s25 =	sadd.s32 $0x100, s22  }
0x11: {  	s26 =	sadd.s32 $0x200, s22;
	s9 =	simm.s32 $0x3;
	s14 =	sadd.s32 s5, s8  }
0x12: {  	s17 =	sadd.s32 s6, s8;
	s8 =	sadd.s32 $0x4E0, s8;
	[dreg:$0xd] =	wrdreg s23  }
0x13: {  	[dreg:$0xe] =	wrdreg s24;
	s3 =	sshrl.u32 s25, $0x3;
	s7 =	sshrl.u32 s26, $0x3  }
0x14: {  	s23 =	simm.s32 $0x13880;
	s24 =	simm.s32 $0x7;
	[dreg:$0x5] =	wrdreg s14  }
0x15: {  	s25 =	simm.s32 $0x80;
	s11 =	sadd.s32 $0x10, s14;
	[dreg:$0x8] =	wrdreg s17  }
0x16: {  	s26 =	simm.s32 $0x13B80;
	s14 =	sadd.s32 s5, s8;
	[dreg:$0x7] =	wrdreg s11  }
0x17: {  	s8 =	sadd.s32 s6, s8;
	s17 =	simm.s32 $0x9;
	[dreg:$0x9] =	wrdreg s14  }
0x18: {  	s11 =	sshrl.u32 s16, $0x3;
	[dreg:$0xa] =	wrdreg s8;
	s8 =	simm.s32 $0x13980  }
.Ltmp0:
0x19: {  	s20 =	sadd.s32 s0, s11;
	s0 =	sadd.s32 s0, s19;
	(pc) =	sbr.rel .LBB2_1-.Ltmp0, $4  }
0x1a: {  	s19 =	sadd.s32 s3, s6;
	s11 =	simm.s32 $0x13B00;
	[dreg:$0xb] =	wrdreg s0  }
0x1b: {  	s21 =	sadd.s32 $0x24900, s20;
	s0 =	sadd.s32 $0x80, s22;
	s20 =	sadd.s32 s3, s5  }
0x1c: {  	s3 =	simm.s32 $0x17B80;
	[dreg:$0xc] =	wrdreg s21;
	s0 =	sshrl.u32 s0, $0x3  }
0x1d: {  	s21 =	sadd.s32 s7, s5;
	s22 =	sadd.s32 s0, s6;
	s0 =	simm.s32 $0x13A80  }
.LBB2_4:
0x1e: {  	_ =	swait.ge [sflag:s9], $0x4000  }
0x1f: {  	[sflag:s9] =	ssyncset.done $0x0  }
0x20: {  	[sflag:s9] =	ssyncadd.s32 $0xFFFFC000  }
0x21: {  	_ =	swait.ge [sflag:s31], $0x80  }
0x22: {  	[sflag:s31] =	ssyncset.done $0x0  }
0x23: {  	[sflag:s31] =	ssyncadd.s32 $0xFFFFFF80  }
0x24: {  	[spmem:s1] =	stream.indirect.scatter.add.f32 [tilespmem:s12], [sflag:$0x6], $0x80, s11, s25, $0xb8;
	[tilespmem:$0x1FC80] =	vst v63  }
0x25: {  	_ =	swait.ge [sflag:s13], $0x4000  }
0x26: {  	[sflag:s13] =	ssyncset.done $0x0  }
0x27: {  	s7 =	simm.s32 $0x5;
	[sflag:s13] =	ssyncadd.s32 $0xFFFFC000  }
0x28: {  	_ =	swait.ge [sflag:s7], $0x4000  }
0x29: {  	[sflag:s7] =	ssyncset.done $0x0  }
0x2a: {  	s15 =	simm.s32 $0x6;
	[sflag:s7] =	ssyncadd.s32 $0xFFFFC000  }
0x2b: {  	_ =	swait.ge [sflag:s15], $0x4000  }
0x2c: {  	[sflag:s15] =	ssyncset.done $0x0  }
0x2d: {  	s14 =	simm.s32 $0x1FB80;
	s16 =	rddreg [dreg:$0x9];
	[sflag:s15] =	ssyncadd.s32 $0xFFFFC000  }
0x2e: {  	[tilespmem:s14], [sflag:$0x9] =	stream.linear.gather [hbm4b:s16+s2], $0x10, $0x38;
	[tilespmem:$0x1FC80] =	vst v63  }
0x2f: {  	_ =	swait.ge [sflag:s17], $0x10  }
0x30: {  	[sflag:s17] =	ssyncset.done $0x0  }
0x31: {  	s15 =	simm.s32 $0x10;
	[sflag:s17] =	ssyncadd.s32 $0xFFFFFFF0  }
0x32: {  	[tilespmem:s26], [sflag:$0x1] =	stream.indirect.gather [hbm4b:s4+s15], $0x80, s14, s15, $0xb8;
	[tilespmem:$0x1FC80] =	vst v63  }
0x33: {  	s16 =	simm.s32 $0x1FC00;
	s14 =	rddreg [dreg:$0xa]  }
0x34: {  	[tilespmem:s16], [sflag:$0x9] =	stream.linear.gather [hbm4b:s14+s2], $0x10, $0x38;
	[tilespmem:$0x1FC80] =	vst v63  }
0x35: {  	_ =	swait.ge [sflag:s17], $0x10  }
0x36: {  	[sflag:s17] =	ssyncset.done $0x0  }
0x37: {  	[sflag:s17] =	ssyncadd.s32 $0xFFFFFFF0  }
0x38: {  	_ =	swait.ge [sflag:s30], $0x800  }
0x39: {  	[sflag:s30] =	ssyncset.done $0x0  }
0x3a: {  	[sflag:s30] =	ssyncadd.s32 $0xFFFFF800  }
0x3b: {  	[spmem:s1] =	stream.indirect.scatter.add.f32 [tilespmem:s26], [sflag:$0x9], $0x80, s16, s15, $0xb8;
	[tilespmem:$0x1FC80] =	vst v63  }
0x3c: {  	_ =	swait.ge [sflag:s17], $0x800  }
0x3d: {  	[sflag:s17] =	ssyncset.done $0x0  }
0x3e: {  	[sflag:s17] =	ssyncadd.s32 $0xFFFFF800  }
0x3f: {  	[bflag:$0x0] =	sbarrier.arrive $0xFFFF  }
0x40: {  	s14 =	rddreg [dreg:$0xc]  }
0x41: {  	s7 =	simm.s32 @p0 $0x1FC9;
	s15 =	rddreg [dreg:$0xf]  }
0x42: {  	[hbm:s14], [sflag:s7] =	dma.local @p0 [spmem:s15], $0x2800  }
0x43: {  	s7 =	simm.s32 @p0 $0x9  }
0x44: {  	_ =	swait.ge @p0 [sflag:s7], $0x2800  }
0x45: {  	s14 =	rddreg [dreg:$0x10]  }
0x46: {  	[sflag:s7] =	ssyncset.done @p0 $0x0;
	s15 =	rddreg [dreg:$0x11]  }
0x47: {  	[sflag:s7] =	ssyncadd.s32 @p0 $0xFFFFD800;
	s7 =	rddreg [dreg:$0xb]  }
0x48: {  	[hbm:s7], [sflag:s14] =	dma.local @!p0 [spmem:s15], $0x2700  }
0x49: {  	s7 =	simm.s32 @!p0 $0x9  }
0x4a: {  	_ =	swait.ge @!p0 [sflag:s7], $0x2700  }
0x4b: {  	s18 =	sadd.s32 $0x1, s18;
	s16 =	rddreg [dreg:$0xd]  }
0x4c: {  	p1 =	sne.s32 s18, s16  }
.Ltmp1:
0x4d: {  	_ = 	snop;
	(pc) =	sbr.rel @!p1 .LBB2_5-.Ltmp1, $3  }
0x4e: {  	_ =	sdelay $0x1  }
0x4f: {  	[sflag:s7] =	ssyncset.done @!p0 $0x0  }
0x50: {  	[sflag:s7] =	ssyncadd.s32 @!p0 $0xFFFFD900  }
.LBB2_1:
0x51: {  	s7 =	rddreg [dreg:$0x6]  }
0x52: {  	s15 =	rddreg [dreg:$0x3];
	s14 =	sshrl.u32 @p0 s7, $0x3  }
0x53: {  	s7 =	simm.s32 @p0 $0x1FC9;
	[dreg:$0xf] =	wrdreg s14  }
0x54: {  	[spmem:s14], [sflag:s7] =	dma.local @p0 [hbm:s15], $0x2800  }
0x55: {  	s7 =	simm.s32 @p0 $0x9  }
0x56: {  	s14 =	stileid.u32;
	_ =	swait.ge @p0 [sflag:s7], $0x2800  }
0x57: {  	s14 =	sshll.u32 @!p0 s14, $0x6;
	[sflag:s7] =	ssyncset.done @p0 $0x0  }
0x58: {  	s14 =	sor.u32 @!p0 $0x1C09, s14;
	[sflag:s7] =	ssyncadd.s32 @p0 $0xFFFFD800;
	s7 =	rddreg [dreg:$0x4]  }
0x59: {  	[dreg:$0x10] =	wrdreg s14;
	s7 =	sshrl.u32 @!p0 s7, $0x3  }
0x5a: {  	[dreg:$0x11] =	wrdreg s7  }
0x5b: {  	[spmem:s7], [sflag:s14] =	dma.local @!p0 [hbm:s15], $0x2700  }
0x5c: {  	s7 =	simm.s32 @!p0 $0x9  }
0x5d: {  	_ =	swait.ge @!p0 [sflag:s7], $0x2700  }
0x5e: {  	[sflag:s7] =	ssyncset.done @!p0 $0x0  }
0x5f: {  	[sflag:s7] =	ssyncadd.s32 @!p0 $0xFFFFD900  }
0x60: {  	[bflag:$0x0] =	sbarrier.arrive $0xFFFF  }
0x61: {  	s14 =	rddreg [dreg:$0x5]  }
0x62: {  	[tilespmem:s23], [sflag:$0x7] =	stream.linear.gather [hbm4b:s14+s2], $0x80, $0x38;
	[tilespmem:$0x1FC80] =	vst v63  }
0x63: {  	_ =	swait.ge [sflag:s24], $0x80  }
0x64: {  	[sflag:s24] =	ssyncset.done $0x0  }
0x65: {  	[sflag:s24] =	ssyncadd.s32 $0xFFFFFF80  }
0x66: {  	[tilespmem:s26], [sflag:$0x1] =	stream.indirect.gather [hbm4b:s4+s25], $0x80, s23, s25, $0xb8;
	[tilespmem:$0x1FC80] =	vst v63  }
0x67: {  	s15 =	rddreg [dreg:$0x7]  }
0x68: {  	[tilespmem:s28], [sflag:$0x7] =	stream.linear.gather [hbm4b:s15+s2], $0x80, $0x38;
	[tilespmem:$0x1FC80] =	vst v63  }
0x69: {  	s16 =	rddreg [dreg:$0x8]  }
0x6a: {  	[tilespmem:s29], [sflag:$0x8] =	stream.linear.gather [hbm4b:s16+s2], $0x80, $0x38;
	[tilespmem:$0x1FC80] =	vst v63  }
0x6b: {  	s7 =	rddreg [dreg:$0xe];
	s16 =	simm.s32 $0x0  }
.LBB2_2:
0x6c: {  	_ =	swait.ge [sflag:s30], $0x4000  }
0x6d: {  	[sflag:s30] =	ssyncset.done $0x0  }
0x6e: {  	[sflag:s30] =	ssyncadd.s32 $0xFFFFC000  }
0x6f: {  	_ =	swait.ge [sflag:s31], $0x80  }
0x70: {  	p1 =	seq.s32 s16, $0x0;
	[sflag:s31] =	ssyncset.done $0x0  }
0x71: {  	s14 =	simm.s32 @!p1 $0x5;
	[sflag:s31] =	ssyncadd.s32 $0xFFFFFF80  }
0x72: {  	[spmem:s1] =	stream.indirect.scatter.add.f32 [tilespmem:s26], [sflag:$0x4], $0x80, s29, s25, $0xb8;
	[tilespmem:$0x1FC80] =	vst v63  }
0x73: {  	_ =	swait.ge @!p1 [sflag:s14], $0x4000  }
0x74: {  	[sflag:s14] =	ssyncset.done @!p1 $0x0  }
0x75: {  	s15 =	sadd.s32 s16, s22;
	[sflag:s14] =	ssyncadd.s32 @!p1 $0xFFFFC000  }
0x76: {  	[tilespmem:s0], [sflag:$0x8] =	stream.linear.gather [hbm4b:s15+s2], $0x80, $0x38;
	[tilespmem:$0x1FC80] =	vst v63  }
0x77: {  	_ =	swait.ge [sflag:s24], $0x80  }
0x78: {  	[sflag:s24] =	ssyncset.done $0x0  }
0x79: {  	[sflag:s24] =	ssyncadd.s32 $0xFFFFFF80  }
0x7a: {  	[tilespmem:s3], [sflag:$0x2] =	stream.indirect.gather [hbm4b:s4+s25], $0x80, s28, s25, $0xb8;
	[tilespmem:$0x1FC80] =	vst v63  }
0x7b: {  	s15 =	sadd.s32 s16, s20  }
0x7c: {  	[tilespmem:s8], [sflag:$0x7] =	stream.linear.gather [hbm4b:s15+s2], $0x80, $0x38;
	[tilespmem:$0x1FC80] =	vst v63  }
0x7d: {  	_ =	swait.ge [sflag:s10], $0x4000  }
0x7e: {  	[sflag:s10] =	ssyncset.done $0x0  }
0x7f: {  	[sflag:s10] =	ssyncadd.s32 $0xFFFFC000  }
0x80: {  	_ =	swait.ge [sflag:s31], $0x80  }
0x81: {  	[sflag:s31] =	ssyncset.done $0x0  }
0x82: {  	s14 =	simm.s32 @!p1 $0x6;
	[sflag:s31] =	ssyncadd.s32 $0xFFFFFF80  }
0x83: {  	[spmem:s1] =	stream.indirect.scatter.add.f32 [tilespmem:s3], [sflag:$0x5], $0x80, s0, s25, $0xb8;
	[tilespmem:$0x1FC80] =	vst v63  }
0x84: {  	_ =	swait.ge @!p1 [sflag:s14], $0x4000  }
0x85: {  	[sflag:s14] =	ssyncset.done @!p1 $0x0  }
0x86: {  	s15 =	sadd.s32 s16, s19;
	[sflag:s14] =	ssyncadd.s32 @!p1 $0xFFFFC000;
	p1 =	seq.s32 s16, $0x4B0  }
0x87: {  	[tilespmem:s11], [sflag:$0x8] =	stream.linear.gather [hbm4b:s15+s2], $0x80, $0x38;
	[tilespmem:$0x1FC80] =	vst v63  }
.Ltmp2:
0x88: {  	_ = 	snop;
	(pc) =	sbr.rel @p1 .LBB2_4-.Ltmp2, $4  }
0x89: {  	_ =	swait.ge [sflag:s24], $0x80  }
0x8a: {  	[sflag:s24] =	ssyncset.done $0x0  }
0x8b: {  	[sflag:s24] =	ssyncadd.s32 $0xFFFFFF80  }
0x8c: {  	[tilespmem:s12], [sflag:$0x3] =	stream.indirect.gather [hbm4b:s4+s25], $0x80, s8, s25, $0xb8;
	[tilespmem:$0x1FC80] =	vst v63  }
0x8d: {  	s14 =	sshrl.u32 s7, $0x3  }
0x8e: {  	s15 =	sadd.s32 s5, s14  }
0x8f: {  	[tilespmem:s23], [sflag:$0x7] =	stream.linear.gather [hbm4b:s15+s2], $0x80, $0x38;
	[tilespmem:$0x1FC80] =	vst v63  }
0x90: {  	_ =	swait.ge [sflag:s9], $0x4000  }
0x91: {  	[sflag:s9] =	ssyncset.done $0x0  }
0x92: {  	[sflag:s9] =	ssyncadd.s32 $0xFFFFC000  }
0x93: {  	_ =	swait.ge [sflag:s31], $0x80  }
0x94: {  	[sflag:s31] =	ssyncset.done $0x0  }
0x95: {  	[sflag:s31] =	ssyncadd.s32 $0xFFFFFF80  }
0x96: {  	[spmem:s1] =	stream.indirect.scatter.add.f32 [tilespmem:s12], [sflag:$0x6], $0x80, s11, s25, $0xb8;
	[tilespmem:$0x1FC80] =	vst v63  }
0x97: {  	_ =	swait.ge [sflag:s13], $0x4000  }
0x98: {  	[sflag:s13] =	ssyncset.done $0x0  }
0x99: {  	s14 =	sadd.s32 s6, s14;
	[sflag:s13] =	ssyncadd.s32 $0xFFFFC000  }
0x9a: {  	[tilespmem:s29], [sflag:$0x8] =	stream.linear.gather [hbm4b:s14+s2], $0x80, $0x38;
	[tilespmem:$0x1FC80] =	vst v63  }
0x9b: {  	_ =	swait.ge [sflag:s24], $0x80  }
.Ltmp3:
0x9c: {  	[sflag:s24] =	ssyncset.done $0x0;
	(pc) =	sbr.rel .LBB2_2-.Ltmp3, $4  }
0x9d: {  	[sflag:s24] =	ssyncadd.s32 $0xFFFFFF80  }
0x9e: {  	[tilespmem:s26], [sflag:$0x1] =	stream.indirect.gather [hbm4b:s4+s25], $0x80, s23, s25, $0xb8;
	[tilespmem:$0x1FC80] =	vst v63  }
0x9f: {  	s7 =	sadd.s32 $0x180, s7;
	s15 =	sadd.s32 s16, s21;
	s16 =	sadd.s32 $0x30, s16  }
0xa0: {  	[tilespmem:s28], [sflag:$0x7] =	stream.linear.gather [hbm4b:s15+s2], $0x80, $0x38;
	[tilespmem:$0x1FC80] =	vst v63  }
.LBB2_5:
0xa1: {  	_ =	sfence.sel $0x180000  }
0xa2: {  	[bflag:$0x0] =	sbarrier.arrive $0xFFFF  }
0xa3: {  	_ =	strace $0x9000004D  }
0xa4: {  	s0 =	stileid.u32;
	[bflag:$0x2] =	sbarrier.arrive $0xFFFF  }
0xa5: {  	p0 =	sne.s32 s0, $0x0;
	s0 =	rddreg [dreg:$0x2]  }
0xa6: {  	s0 =	sadd.s32 @!p0 $0x100000, s0  }
0xa7: {  	[sflag:s0] =	ssyncadd.tile.s32 @!p0 $0x1;
	_ =	shalt  }
.Lfunc_end2:
_tile_overlayer_lowered:
.L_overlay_start_2:
0xa8: {  	(tag) =	ssettag $0x2  }
0xa9: {  	s0 =	rddreg [dreg:$0x0];
	s2 =	stileid.u32  }
0xaa: {  	s1 =	rddreg [dreg:$0x1];
	p0 =	sne.s32 s2, $0x0  }
0xab: {  	s3 =	rddreg [dreg:$0x2];
	[bflag:$0x3] =	sbarrier.arrive $0xFFFF;
	s2 =	simm.s32 @!p0 $0x1C09  }
0xac: {  	[timem:s3], [sflag:s2] =	dma.local @!p0 [hbm:s0], s1  }
0xad: {  	s0 =	simm.s32 @!p0 $0x9  }
0xae: {  	_ =	swait.ge @!p0 [sflag:s0], s1  }
0xaf: {  	s1 =	ssub.s32 @!p0 $0x0, s1;
	[sflag:s0] =	ssyncset.done @!p0 $0x0  }
0xb0: {  	[sflag:s0] =	ssyncadd.s32 @!p0 s1  }
0xb1: {  	[bflag:$0x3] =	sbarrier.arrive $0xFFFF  }
0xb2: {  	_ =	shalt  }

// kernel: kernel.9.cloned.1.call-start
scs
__scs_entry_jumppad:
0x0: {  	(pc) =	sbr.rel $0x88, $3  }
0x1: {  	(tag) =	ssettag $0x0;
	lr =	simm.s32 $0x1  }
0x2: {  	[smem:$0x3F90] =	sst lr;
	_ =	strace $0xD0000000  }
0x3: {  	_ = 	snop  }
0x4: {  	_ = 	snop  }
0x5: {  	_ = 	snop  }
0x6: {  	_ = 	snop  }
0x7: {  	_ = 	snop  }
__scs_overlays_trampoline_lowered:
0x8: {  	[smem:$0x3F9F] =	sst s0  }
0x9: {  	[smem:$0x3FA0] =	sst s1  }
0xa: {  	[smem:$0x3FA1] =	sst s2  }
0xb: {  	[smem:$0x3FA2] =	sst s3  }
0xc: {  	[smem:$0x3FA3] =	sst s4  }
0xd: {  	[smem:$0x3FA4] =	sst s5  }
0xe: {  	[smem:$0x3FA5] =	sst s6  }
0xf: {  	[smem:$0x3FA6] =	sst s7  }
0x10: {  	[smem:$0x3FA7] =	sst s8  }
0x11: {  	[smem:$0x3FA8] =	sst s9;
	s0 =	simm.s32 @!p0 $0x0  }
0x12: {  	s1 =	sld [smem:$0x3F8E];
	s0 =	simm.s32 @p0 $0x1  }
0x13: {  	[smem:$0x3FA9] =	sst s0;
	s0 =	simm.s32 @!p1 $0x0  }
0x14: {  	s2 =	sld [smem:$0x3F8D];
	s0 =	simm.s32 @p1 $0x1  }
0x15: {  	[smem:$0x3FAA] =	sst s0;
	s0 =	simm.s32 @!p2 $0x0  }
0x16: {  	s3 =	sld [smem:$0x3FDB];
	s0 =	simm.s32 @p2 $0x1  }
0x17: {  	s4 =	simm.s32 $0x1BF5;
	[smem:$0x3FAC] =	sst s0  }
0x18: {  	s0 =	sld [smem:$0x3F8F];
	_ =	swait.ge [sflag:s4], $0x0  }
0x19: {  	s7 =	sld [smem:$0x3F90]  }
0x1a: {  	s8 =	sadd.s32 $0xFFFFE003, lr  }
0x1b: {  	s9 =	sadd.s32 $0xFFFFFEF7, lr;
	s5 =	simm.s32 $0xFFFFFFFF;
	p2 =	slt.u32 s8, $0xFFFFF086  }
0x1c: {  	p1 =	slt.u32 s9, $0xF7A;
	s5 =	simm.s32 @!p2 $0x0  }
0x1d: {  	s5 =	simm.s32 @p1 $0x1;
	p0 =	seq.s32 s7, s2  }
0x1e: {  	s7 =	smul.u32 @!p0 $0xF7A, s2;
	p2 =	seq.s32 @!p0 s5, $0x0  }
0x1f: {  	s9 =	smul.u32 $0xF7A, s1;
	s8 =	simm.s32 @!p0 $0x1BF5;
	p2 =	por !p2, p0  }
0x20: {  	[sflag:s8] =	ssyncset.s32 @!p0 $0xFFFFF086;
	s6 =	sadd.s32 @!p0 s3, s7;
	s7 =	simm.s32 @!p0 $0x108  }
0x21: {  	s3 =	sadd.s32 s3, s9;
	s6 =	sadd.s32 @!p0 $0x88, s6;
	s7 =	simm.s32 @p2 $0x1082  }
0x22: {  	[simem:s7], [sflag:s8] =	dma.local @!p0 [hbm:s6], $0xF7A  }
0x23: {  	s9 =	sor.u32 $0xD0000000, s2;
	s6 =	simm.s32 $0x108;
	_ =	swait.ge @!p0 [sflag:s8], $0x0  }
0x24: {  	s3 =	sadd.s32 $0x88, s3;
	s6 =	simm.s32 @!p1 $0x1082;
	[sflag:s4] =	ssyncset.s32 $0xFFFFF086  }
0x25: {  	[simem:s6], [sflag:s4] =	dma.local [hbm:s3], $0xF7A  }
0x26: {  	[smem:$0x3F90] =	sst s1;
	(tag) =	ssettag s2;
	_ =	strace s9  }
0x27: {  	s1 =	sld [smem:$0x3FA0]  }
0x28: {  	s2 =	sld [smem:$0x3FA1]  }
0x29: {  	s4 =	sld [smem:$0x3FA3]  }
0x2a: {  	p0 =	seq.s32 s5, $0x0;
	s5 =	sld [smem:$0x3FA4]  }
0x2b: {  	s6 =	sld [smem:$0x3FA5]  }
0x2c: {  	s7 =	sld [smem:$0x3FA6]  }
0x2d: {  	s3 =	simm.s32 $0x108;
	s8 =	sld [smem:$0x3FA7]  }
0x2e: {  	s3 =	simm.s32 @!p0 $0x1082;
	s9 =	sld [smem:$0x3FA8]  }
0x2f: {  	lr =	sadd.s32 s0, s3;
	s0 =	sld [smem:$0x3F9F]  }
0x30: {  	s3 =	sld [smem:$0x3FA2]  }
0x31: {  	[smem:$0x3FAB] =	sst s10  }
0x32: {  	s10 =	sld [smem:$0x3FA9];
	_ =	sdelay $0x3  }
0x33: {  	p0 =	seq.s32 s10, $0x1;
	s10 =	sld [smem:$0x3FAB];
	_ =	sdelay $0x3  }
0x34: {  	[smem:$0x3FAB] =	sst s10  }
0x35: {  	s10 =	sld [smem:$0x3FAA];
	_ =	sdelay $0x3  }
0x36: {  	p1 =	seq.s32 s10, $0x1;
	s10 =	sld [smem:$0x3FAB];
	_ =	sdelay $0x3  }
0x37: {  	[smem:$0x3FAB] =	sst s10  }
0x38: {  	s10 =	sld [smem:$0x3FAC]  }
0x39: {  	_ = 	snop;
	(pc) =	sbr.ind lr, $3  }
0x3a: {  	_ = 	snop  }
0x3b: {  	_ = 	snop  }
0x3c: {  	p2 =	seq.s32 s10, $0x1;
	s10 =	sld [smem:$0x3FAB]  }
0x3d: {  	_ =	shalt  }
0x3e: {  	_ =	shalt  }
0x3f: {  	_ =	shalt  }
0x40: {  	_ =	shalt  }
0x41: {  	_ =	shalt  }
0x42: {  	_ =	shalt  }
0x43: {  	_ =	shalt  }
0x44: {  	_ =	shalt  }
0x45: {  	_ =	shalt  }
0x46: {  	_ =	shalt  }
0x47: {  	_ =	shalt  }
0x48: {  	_ =	shalt  }
0x49: {  	_ =	shalt  }
0x4a: {  	_ =	shalt  }
0x4b: {  	_ =	shalt  }
0x4c: {  	_ =	shalt  }
0x4d: {  	_ =	shalt  }
0x4e: {  	_ =	shalt  }
0x4f: {  	_ =	shalt  }
0x50: {  	_ =	shalt  }
0x51: {  	_ =	shalt  }
0x52: {  	_ =	shalt  }
0x53: {  	_ =	shalt  }
0x54: {  	_ =	shalt  }
0x55: {  	_ =	shalt  }
0x56: {  	_ =	shalt  }
0x57: {  	_ =	shalt  }
0x58: {  	_ =	shalt  }
0x59: {  	_ =	shalt  }
0x5a: {  	_ =	shalt  }
0x5b: {  	_ =	shalt  }
0x5c: {  	_ =	shalt  }
0x5d: {  	_ =	shalt  }
0x5e: {  	_ =	shalt  }
0x5f: {  	_ =	shalt  }
0x60: {  	_ =	shalt  }
0x61: {  	_ =	shalt  }
0x62: {  	_ =	shalt  }
0x63: {  	_ =	shalt  }
0x64: {  	_ =	shalt  }
0x65: {  	_ =	shalt  }
0x66: {  	_ =	shalt  }
0x67: {  	_ =	shalt  }
0x68: {  	_ =	shalt  }
0x69: {  	_ =	shalt  }
0x6a: {  	_ =	shalt  }
0x6b: {  	_ =	shalt  }
0x6c: {  	_ =	shalt  }
0x6d: {  	_ =	shalt  }
0x6e: {  	_ =	shalt  }
0x6f: {  	_ =	shalt  }
0x70: {  	_ =	shalt  }
0x71: {  	_ =	shalt  }
0x72: {  	_ =	shalt  }
0x73: {  	_ =	shalt  }
0x74: {  	_ =	shalt  }
0x75: {  	_ =	shalt  }
0x76: {  	_ =	shalt  }
0x77: {  	_ =	shalt  }
0x78: {  	_ =	shalt  }
0x79: {  	_ =	shalt  }
0x7a: {  	_ =	shalt  }
0x7b: {  	_ =	shalt  }
0x7c: {  	_ =	shalt  }
0x7d: {  	_ =	shalt  }
0x7e: {  	_ =	shalt  }
0x7f: {  	_ =	shalt  }
0x80: {  	_ =	shalt  }
0x81: {  	_ =	shalt  }
0x82: {  	_ =	shalt  }
0x83: {  	_ =	shalt  }
0x84: {  	_ =	shalt  }
0x85: {  	_ =	shalt  }
0x86: {  	_ =	shalt  }
0x87: {  	_ =	shalt  }
.Lfunc_end0:
.L_simem_size_0:
called_computation_lowered:
.L_overlay_start_0:
0x88: {  	s2 =	sld [smem:$0x3FD9]  }
0x89: {  	s3 =	sld [smem:$0x3FFE];
	_ =	sdelay $0x1  }
0x8a: {  	s1 =	srdreg.scid  }
0x8b: {  	s0 =	sand.u32 $0x1, s1  }
0x8c: {  	s16 =	sshll.u32 s0, $0xA;
	s2 =	sadd.s32 s3, s2  }
0x8d: {  	s2 =	sadd.s32 s2, s16  }
0x8e: {  	[smem:$0x3FB7] =	sst s2  }
0x8f: {  	_ = 	snop  }
0x90: {  	(tm) =	ssettm $0x1  }
0x91: {  	s17 =	sld [smem:$0x3FFB];
	_ =	sdelay $0x3  }
0x92: {  	_ =	strace s17  }
0x93: {  	s2 =	sld [smem:$0x3FFC];
	_ =	sdelay $0x3  }
0x94: {  	_ =	strace s2  }
0x95: {  	s2 =	sld [smem:$0x3FFD];
	_ =	sdelay $0x3  }
0x96: {  	_ =	strace s2  }
0x97: {  	_ =	strace $0x8FFFFFFF  }
0x98: {  	s18 =	sld [smem:$0x3FDB];
	_ =	sdelay $0x1  }
0x99: {  	s19 =	simm.s32 $_scs_section_size  }
0x9a: {  	s4 =	simm.s32 $_size__tile_overlayer_lowered;
	s5 =	simm.s32 $_tile_overlayer_lowered  }
0x9b: {  	s22 =	simm.s32 $0x1BFF;
	s21 =	sshll.u32 s5, $0x1;
	s2 =	sadd.s32 s19, s18  }
0x9c: {  	s6 =	simm.s32 $0x0;
	s20 =	sshll.u32 s4, $0x1;
	s4 =	sadd.s32 s21, s2  }
0x9d: {  	[timem:s6], [sflag:s22] =	dma.local [hbm:s4], s20  }
0x9e: {  	_ =	swait.ge [sflag:s22], s20  }
0x9f: {  	s3 =	ssub.s32 $0x0, s20;
	[sflag:s22] =	ssyncset.done $0x0  }
0xa0: {  	[sflag:s22] =	ssyncadd.s32 s3;
	_ =	sdelay $0x1  }
0xa1: {  	s23 =	simm.s32 $0x1B8B  }
0xa2: {  	_ =	swait.ge [sflag:s23], $0x1  }
0xa3: {  	[sflag:s23] =	ssyncset.done $0x0  }
0xa4: {  	s25 =	simm.s32 $0x1B8E;
	s24 =	sld [smem:$0x3FFE];
	[sflag:s23] =	ssyncadd.s32 $0xFFFFFFFF  }
0xa5: {  	s26 =	simm.s32 $execute0_lowered;
	[smem:$0x3FD2] =	sst s25  }
0xa6: {  	s4 =	sshll.u32 s26, $0x1;
	_ =	strace $0x80000046;
	[dreg:$0x1] =	wrdreg $0xFFFFFFFF  }
0xa7: {  	s28 =	simm.s32 $_size_execute0_lowered;
	s2 =	sadd.s32 s2, s4;
	[dreg:$0x0] =	wrdreg $0x0  }
0xa8: {  	s4 =	sshll.u32 s28, $0x1;
	[dreg:$0x2] =	wrdreg s2  }
0xa9: {  	[dreg:$0x3] =	wrdreg s4  }
0xaa: {  	[dreg:$0x4] =	wrdreg $0xC0  }
0xab: {  	_ =	task [dreg:s6], $0x5FFFF  }
0xac: {  	[dreg:$0x1] =	wrdreg $0xFFFFFFFF  }
0xad: {  	[dreg:$0x0] =	wrdreg $0x60  }
0xae: {  	[dreg:$0x2] =	wrdreg s24  }
0xaf: {  	[dreg:$0x3] =	wrdreg $0x0  }
0xb0: {  	[dreg:$0x4] =	wrdreg $0x9  }
0xb1: {  	_ =	task.clear_ibuf [dreg:s6], $0x5FFFF;
	_ =	strace $0x90000046  }
0xb2: {  	s29 =	simm.s32 $0x9;
	_ =	strace $0x80000048  }
0xb3: {  	_ =	swait.ge [sflag:s29], $0x1  }
0xb4: {  	[sflag:s29] =	ssyncadd.s32 $0xFFFFFFFF  }
0xb5: {  	_ =	strace $0x90000048  }
0xb6: {  	_ =	sfence  }
0xb7: {  	s30 =	sld [smem:$0x0];
	_ =	sdelay $0x2  }
0xb8: {  	s31 =	sshll.u32 s1, $0xD;
	s1 =	sshrl.u32 s1, $0x2  }
0xb9: {  	s3 =	sand.u32 $0x4000, s31;
	s1 =	sadd.s32 s1, s30  }
0xba: {  	s0 =	sor.u32 s3, s0;
	s1 =	sshll.u32 s1, $0x11  }
0xbb: {  	s0 =	sor.u32 s1, s0  }
0xbc: {  	s0 =	sadd.s32 $0x8F2B, s0  }
0xbd: {  	[sflag:s0] =	ssyncadd.remote.s32 $0x1  }
0xbe: {  	_ =	sfence.sel $0xFFFF  }
0xbf: {  	[dreg:$0x0] =	wrdreg $0xFFFFFFFF;
	(pc) =	sbr.abs _section_cstart, $3  }
0xc0: {  	[dreg:$0x1] =	wrdreg $0xFFFFFFFF  }
0xc1: {  	_ =	task.clear_ibuf [dreg:s6], $0x2FFFF;
	_ =	strace $0x9FFFFFFF  }
0xc2: {  	(tm) =	ssettm $0x7FFFFFFF  }
0xc3: {  	_ =	shalt  }
tec
execute0_lowered:
.L_overlay_start_1:
0x0: {  	(tag) =	ssettag $0x1  }
0x1: {  	s0 =	rddreg [dreg:$0x0]  }
0x2: {  	s1 =	rddreg [dreg:$0x1];
	s2 =	simm.s32 $0x0;
	s3 =	srdreg.scid  }
0x3: {  	s13 =	stileid.u32;
	s28 =	simm.s32 $0x13900;
	s29 =	simm.s32 $0x13A00  }
0x4: {  	s30 =	simm.s32 $0x1;
	s31 =	simm.s32 $0x8;
	[smem:$0x7FF] =	sst s2  }
0x5: {  	s4 =	sadd.s32 $0x17200, s0;
	s5 =	sadd.s32 $0xD400, s0;
	s9 =	smul.u32 $0x4E000, s13  }
0x6: {  	s3 =	sand.u32 $0x1, s3;
	s6 =	sshll.u32 s13, $0x1;
	s26 =	smul.u32 $0x2700, s13  }
0x7: {  	s11 =	sadd.s32 $0x3E400, s0;
	s12 =	sadd.s32 $0x124800, s1;
	s18 =	smul.u32 $0x4E20, s13  }
0x8: {  	p0 =	seq.s32 s13, $0xF;
	s13 =	simm.s32 $0x4;
	_ =	strace $0x80000047  }
0x9: {  	s7 =	ssub.s32 $0x2, s3;
	s8 =	sor.u32 s3, s6;
	s15 =	smul.u32 $0x27100, s3  }
0xa: {  	s6 =	sadd.s32 $0x3600, s0;
	[dreg:$0x3] =	wrdreg s11;
	s16 =	smul.u32 $0x138800, s3  }
0xb: {  	s0 =	sadd.s32 $0x40C00, s0;
	[dreg:$0x6] =	wrdreg s12;
	s3 =	smul.u32 $0x2710, s3  }
0xc: {  	s12 =	simm.s32 $0x1BB80;
	s10 =	sshrl.u32 s7, $0x1;
	s9 =	sshrl.u32 s9, $0x2  }
0xd: {  	s8 =	smul.u32 $0x2710, s8;
	s7 =	ssub.s32 s7, s10;
	s9 =	sadd.s32 s9, s1  }
0xe: {  	s19 =	sadd.s32 s26, s15;
	s22 =	sadd.s32 s3, s18;
	s10 =	simm.s32 $0x2  }
0xf: {  	s18 =	simm.s32 $0x0;
	s8 =	sshrl.u32 s8, $0x3;
	[dreg:$0x4] =	wrdreg s9  }
0x10: {  	s23 =	smax.u32 s7, $0x1;
	s24 =	sadd.s32 $0x180, s22;
	s25 =	sadd.s32 $0x100, s22  }
0x11: {  	s26 =	sadd.s32 $0x200, s22;
	s9 =	simm.s32 $0x3;
	s14 =	sadd.s32 s5, s8  }
0x12: {  	s17 =	sadd.s32 s6, s8;
	s8 =	sadd.s32 $0x4E0, s8;
	[dreg:$0xd] =	wrdreg s23  }
0x13: {  	[dreg:$0xe] =	wrdreg s24;
	s3 =	sshrl.u32 s25, $0x3;
	s7 =	sshrl.u32 s26, $0x3  }
0x14: {  	s23 =	simm.s32 $0x13880;
	s24 =	simm.s32 $0x7;
	[dreg:$0x5] =	wrdreg s14  }
0x15: {  	s25 =	simm.s32 $0x80;
	s11 =	sadd.s32 $0x10, s14;
	[dreg:$0x8] =	wrdreg s17  }
0x16: {  	s26 =	simm.s32 $0x13B80;
	s14 =	sadd.s32 s5, s8;
	[dreg:$0x7] =	wrdreg s11  }
0x17: {  	s8 =	sadd.s32 s6, s8;
	s17 =	simm.s32 $0x9;
	[dreg:$0x9] =	wrdreg s14  }
0x18: {  	s11 =	sshrl.u32 s16, $0x3;
	[dreg:$0xa] =	wrdreg s8;
	s8 =	simm.s32 $0x13980  }
.Ltmp0:
0x19: {  	s20 =	sadd.s32 s0, s11;
	s0 =	sadd.s32 s0, s19;
	(pc) =	sbr.rel .LBB2_1-.Ltmp0, $4  }
0x1a: {  	s19 =	sadd.s32 s3, s6;
	s11 =	simm.s32 $0x13B00;
	[dreg:$0xb] =	wrdreg s0  }
0x1b: {  	s21 =	sadd.s32 $0x24900, s20;
	s0 =	sadd.s32 $0x80, s22;
	s20 =	sadd.s32 s3, s5  }
0x1c: {  	s3 =	simm.s32 $0x17B80;
	[dreg:$0xc] =	wrdreg s21;
	s0 =	sshrl.u32 s0, $0x3  }
0x1d: {  	s21 =	sadd.s32 s7, s5;
	s22 =	sadd.s32 s0, s6;
	s0 =	simm.s32 $0x13A80  }
.LBB2_4:
0x1e: {  	_ =	swait.ge [sflag:s9], $0x4000  }
0x1f: {  	[sflag:s9] =	ssyncset.done $0x0  }
0x20: {  	[sflag:s9] =	ssyncadd.s32 $0xFFFFC000  }
0x21: {  	_ =	swait.ge [sflag:s31], $0x80  }
0x22: {  	[sflag:s31] =	ssyncset.done $0x0  }
0x23: {  	[sflag:s31] =	ssyncadd.s32 $0xFFFFFF80  }
0x24: {  	[spmem:s1] =	stream.indirect.scatter.add.f32 [tilespmem:s12], [sflag:$0x6], $0x80, s11, s25, $0xb8;
	[tilespmem:$0x1FC80] =	vst v63  }
0x25: {  	_ =	swait.ge [sflag:s13], $0x4000  }
0x26: {  	[sflag:s13] =	ssyncset.done $0x0  }
0x27: {  	s7 =	simm.s32 $0x5;
	[sflag:s13] =	ssyncadd.s32 $0xFFFFC000  }
0x28: {  	_ =	swait.ge [sflag:s7], $0x4000  }
0x29: {  	[sflag:s7] =	ssyncset.done $0x0  }
0x2a: {  	s15 =	simm.s32 $0x6;
	[sflag:s7] =	ssyncadd.s32 $0xFFFFC000  }
0x2b: {  	_ =	swait.ge [sflag:s15], $0x4000  }
0x2c: {  	[sflag:s15] =	ssyncset.done $0x0  }
0x2d: {  	s14 =	simm.s32 $0x1FB80;
	s16 =	rddreg [dreg:$0x9];
	[sflag:s15] =	ssyncadd.s32 $0xFFFFC000  }
0x2e: {  	[tilespmem:s14], [sflag:$0x9] =	stream.linear.gather [hbm4b:s16+s2], $0x10, $0x38;
	[tilespmem:$0x1FC80] =	vst v63  }
0x2f: {  	_ =	swait.ge [sflag:s17], $0x10  }
0x30: {  	[sflag:s17] =	ssyncset.done $0x0  }
0x31: {  	s15 =	simm.s32 $0x10;
	[sflag:s17] =	ssyncadd.s32 $0xFFFFFFF0  }
0x32: {  	[tilespmem:s26], [sflag:$0x1] =	stream.indirect.gather [hbm4b:s4+s15], $0x80, s14, s15, $0xb8;
	[tilespmem:$0x1FC80] =	vst v63  }
0x33: {  	s16 =	simm.s32 $0x1FC00;
	s14 =	rddreg [dreg:$0xa]  }
0x34: {  	[tilespmem:s16], [sflag:$0x9] =	stream.linear.gather [hbm4b:s14+s2], $0x10, $0x38;
	[tilespmem:$0x1FC80] =	vst v63  }
0x35: {  	_ =	swait.ge [sflag:s17], $0x10  }
0x36: {  	[sflag:s17] =	ssyncset.done $0x0  }
0x37: {  	[sflag:s17] =	ssyncadd.s32 $0xFFFFFFF0  }
0x38: {  	_ =	swait.ge [sflag:s30], $0x800  }
0x39: {  	[sflag:s30] =	ssyncset.done $0x0  }
0x3a: {  	[sflag:s30] =	ssyncadd.s32 $0xFFFFF800  }
0x3b: {  	[spmem:s1] =	stream.indirect.scatter.add.f32 [tilespmem:s26], [sflag:$0x9], $0x80, s16, s15, $0xb8;
	[tilespmem:$0x1FC80] =	vst v63  }
0x3c: {  	_ =	swait.ge [sflag:s17], $0x800  }
0x3d: {  	[sflag:s17] =	ssyncset.done $0x0  }
0x3e: {  	[sflag:s17] =	ssyncadd.s32 $0xFFFFF800  }
0x3f: {  	[bflag:$0x0] =	sbarrier.arrive $0xFFFF  }
0x40: {  	s14 =	rddreg [dreg:$0xc]  }
0x41: {  	s7 =	simm.s32 @p0 $0x1FC9;
	s15 =	rddreg [dreg:$0xf]  }
0x42: {  	[hbm:s14], [sflag:s7] =	dma.local @p0 [spmem:s15], $0x2800  }
0x43: {  	s7 =	simm.s32 @p0 $0x9  }
0x44: {  	_ =	swait.ge @p0 [sflag:s7], $0x2800  }
0x45: {  	s14 =	rddreg [dreg:$0x10]  }
0x46: {  	[sflag:s7] =	ssyncset.done @p0 $0x0;
	s15 =	rddreg [dreg:$0x11]  }
0x47: {  	[sflag:s7] =	ssyncadd.s32 @p0 $0xFFFFD800;
	s7 =	rddreg [dreg:$0xb]  }
0x48: {  	[hbm:s7], [sflag:s14] =	dma.local @!p0 [spmem:s15], $0x2700  }
0x49: {  	s7 =	simm.s32 @!p0 $0x9  }
0x4a: {  	_ =	swait.ge @!p0 [sflag:s7], $0x2700  }
0x4b: {  	s18 =	sadd.s32 $0x1, s18;
	s16 =	rddreg [dreg:$0xd]  }
0x4c: {  	p1 =	sne.s32 s18, s16  }
.Ltmp1:
0x4d: {  	_ = 	snop;
	(pc) =	sbr.rel @!p1 .LBB2_5-.Ltmp1, $3  }
0x4e: {  	_ =	sdelay $0x1  }
0x4f: {  	[sflag:s7] =	ssyncset.done @!p0 $0x0  }
0x50: {  	[sflag:s7] =	ssyncadd.s32 @!p0 $0xFFFFD900  }
.LBB2_1:
0x51: {  	s7 =	rddreg [dreg:$0x6]  }
0x52: {  	s15 =	rddreg [dreg:$0x3];
	s14 =	sshrl.u32 @p0 s7, $0x3  }
0x53: {  	s7 =	simm.s32 @p0 $0x1FC9;
	[dreg:$0xf] =	wrdreg s14  }
0x54: {  	[spmem:s14], [sflag:s7] =	dma.local @p0 [hbm:s15], $0x2800  }
0x55: {  	s7 =	simm.s32 @p0 $0x9  }
0x56: {  	s14 =	stileid.u32;
	_ =	swait.ge @p0 [sflag:s7], $0x2800  }
0x57: {  	s14 =	sshll.u32 @!p0 s14, $0x6;
	[sflag:s7] =	ssyncset.done @p0 $0x0  }
0x58: {  	s14 =	sor.u32 @!p0 $0x1C09, s14;
	[sflag:s7] =	ssyncadd.s32 @p0 $0xFFFFD800;
	s7 =	rddreg [dreg:$0x4]  }
0x59: {  	[dreg:$0x10] =	wrdreg s14;
	s7 =	sshrl.u32 @!p0 s7, $0x3  }
0x5a: {  	[dreg:$0x11] =	wrdreg s7  }
0x5b: {  	[spmem:s7], [sflag:s14] =	dma.local @!p0 [hbm:s15], $0x2700  }
0x5c: {  	s7 =	simm.s32 @!p0 $0x9  }
0x5d: {  	_ =	swait.ge @!p0 [sflag:s7], $0x2700  }
0x5e: {  	[sflag:s7] =	ssyncset.done @!p0 $0x0  }
0x5f: {  	[sflag:s7] =	ssyncadd.s32 @!p0 $0xFFFFD900  }
0x60: {  	[bflag:$0x0] =	sbarrier.arrive $0xFFFF  }
0x61: {  	s14 =	rddreg [dreg:$0x5]  }
0x62: {  	[tilespmem:s23], [sflag:$0x7] =	stream.linear.gather [hbm4b:s14+s2], $0x80, $0x38;
	[tilespmem:$0x1FC80] =	vst v63  }
0x63: {  	_ =	swait.ge [sflag:s24], $0x80  }
0x64: {  	[sflag:s24] =	ssyncset.done $0x0  }
0x65: {  	[sflag:s24] =	ssyncadd.s32 $0xFFFFFF80  }
0x66: {  	[tilespmem:s26], [sflag:$0x1] =	stream.indirect.gather [hbm4b:s4+s25], $0x80, s23, s25, $0xb8;
	[tilespmem:$0x1FC80] =	vst v63  }
0x67: {  	s15 =	rddreg [dreg:$0x7]  }
0x68: {  	[tilespmem:s28], [sflag:$0x7] =	stream.linear.gather [hbm4b:s15+s2], $0x80, $0x38;
	[tilespmem:$0x1FC80] =	vst v63  }
0x69: {  	s16 =	rddreg [dreg:$0x8]  }
0x6a: {  	[tilespmem:s29], [sflag:$0x8] =	stream.linear.gather [hbm4b:s16+s2], $0x80, $0x38;
	[tilespmem:$0x1FC80] =	vst v63  }
0x6b: {  	s7 =	rddreg [dreg:$0xe];
	s16 =	simm.s32 $0x0  }
.LBB2_2:
0x6c: {  	_ =	swait.ge [sflag:s30], $0x4000  }
0x6d: {  	[sflag:s30] =	ssyncset.done $0x0  }
0x6e: {  	[sflag:s30] =	ssyncadd.s32 $0xFFFFC000  }
0x6f: {  	_ =	swait.ge [sflag:s31], $0x80  }
0x70: {  	p1 =	seq.s32 s16, $0x0;
	[sflag:s31] =	ssyncset.done $0x0  }
0x71: {  	s14 =	simm.s32 @!p1 $0x5;
	[sflag:s31] =	ssyncadd.s32 $0xFFFFFF80  }
0x72: {  	[spmem:s1] =	stream.indirect.scatter.add.f32 [tilespmem:s26], [sflag:$0x4], $0x80, s29, s25, $0xb8;
	[tilespmem:$0x1FC80] =	vst v63  }
0x73: {  	_ =	swait.ge @!p1 [sflag:s14], $0x4000  }
0x74: {  	[sflag:s14] =	ssyncset.done @!p1 $0x0  }
0x75: {  	s15 =	sadd.s32 s16, s22;
	[sflag:s14] =	ssyncadd.s32 @!p1 $0xFFFFC000  }
0x76: {  	[tilespmem:s0], [sflag:$0x8] =	stream.linear.gather [hbm4b:s15+s2], $0x80, $0x38;
	[tilespmem:$0x1FC80] =	vst v63  }
0x77: {  	_ =	swait.ge [sflag:s24], $0x80  }
0x78: {  	[sflag:s24] =	ssyncset.done $0x0  }
0x79: {  	[sflag:s24] =	ssyncadd.s32 $0xFFFFFF80  }
0x7a: {  	[tilespmem:s3], [sflag:$0x2] =	stream.indirect.gather [hbm4b:s4+s25], $0x80, s28, s25, $0xb8;
	[tilespmem:$0x1FC80] =	vst v63  }
0x7b: {  	s15 =	sadd.s32 s16, s20  }
0x7c: {  	[tilespmem:s8], [sflag:$0x7] =	stream.linear.gather [hbm4b:s15+s2], $0x80, $0x38;
	[tilespmem:$0x1FC80] =	vst v63  }
0x7d: {  	_ =	swait.ge [sflag:s10], $0x4000  }
0x7e: {  	[sflag:s10] =	ssyncset.done $0x0  }
0x7f: {  	[sflag:s10] =	ssyncadd.s32 $0xFFFFC000  }
0x80: {  	_ =	swait.ge [sflag:s31], $0x80  }
0x81: {  	[sflag:s31] =	ssyncset.done $0x0  }
0x82: {  	s14 =	simm.s32 @!p1 $0x6;
	[sflag:s31] =	ssyncadd.s32 $0xFFFFFF80  }
0x83: {  	[spmem:s1] =	stream.indirect.scatter.add.f32 [tilespmem:s3], [sflag:$0x5], $0x80, s0, s25, $0xb8;
	[tilespmem:$0x1FC80] =	vst v63  }
0x84: {  	_ =	swait.ge @!p1 [sflag:s14], $0x4000  }
0x85: {  	[sflag:s14] =	ssyncset.done @!p1 $0x0  }
0x86: {  	s15 =	sadd.s32 s16, s19;
	[sflag:s14] =	ssyncadd.s32 @!p1 $0xFFFFC000;
	p1 =	seq.s32 s16, $0x4B0  }
0x87: {  	[tilespmem:s11], [sflag:$0x8] =	stream.linear.gather [hbm4b:s15+s2], $0x80, $0x38;
	[tilespmem:$0x1FC80] =	vst v63  }
.Ltmp2:
0x88: {  	_ = 	snop;
	(pc) =	sbr.rel @p1 .LBB2_4-.Ltmp2, $4  }
0x89: {  	_ =	swait.ge [sflag:s24], $0x80  }
0x8a: {  	[sflag:s24] =	ssyncset.done $0x0  }
0x8b: {  	[sflag:s24] =	ssyncadd.s32 $0xFFFFFF80  }
0x8c: {  	[tilespmem:s12], [sflag:$0x3] =	stream.indirect.gather [hbm4b:s4+s25], $0x80, s8, s25, $0xb8;
	[tilespmem:$0x1FC80] =	vst v63  }
0x8d: {  	s14 =	sshrl.u32 s7, $0x3  }
0x8e: {  	s15 =	sadd.s32 s5, s14  }
0x8f: {  	[tilespmem:s23], [sflag:$0x7] =	stream.linear.gather [hbm4b:s15+s2], $0x80, $0x38;
	[tilespmem:$0x1FC80] =	vst v63  }
0x90: {  	_ =	swait.ge [sflag:s9], $0x4000  }
0x91: {  	[sflag:s9] =	ssyncset.done $0x0  }
0x92: {  	[sflag:s9] =	ssyncadd.s32 $0xFFFFC000  }
0x93: {  	_ =	swait.ge [sflag:s31], $0x80  }
0x94: {  	[sflag:s31] =	ssyncset.done $0x0  }
0x95: {  	[sflag:s31] =	ssyncadd.s32 $0xFFFFFF80  }
0x96: {  	[spmem:s1] =	stream.indirect.scatter.add.f32 [tilespmem:s12], [sflag:$0x6], $0x80, s11, s25, $0xb8;
	[tilespmem:$0x1FC80] =	vst v63  }
0x97: {  	_ =	swait.ge [sflag:s13], $0x4000  }
0x98: {  	[sflag:s13] =	ssyncset.done $0x0  }
0x99: {  	s14 =	sadd.s32 s6, s14;
	[sflag:s13] =	ssyncadd.s32 $0xFFFFC000  }
0x9a: {  	[tilespmem:s29], [sflag:$0x8] =	stream.linear.gather [hbm4b:s14+s2], $0x80, $0x38;
	[tilespmem:$0x1FC80] =	vst v63  }
0x9b: {  	_ =	swait.ge [sflag:s24], $0x80  }
.Ltmp3:
0x9c: {  	[sflag:s24] =	ssyncset.done $0x0;
	(pc) =	sbr.rel .LBB2_2-.Ltmp3, $4  }
0x9d: {  	[sflag:s24] =	ssyncadd.s32 $0xFFFFFF80  }
0x9e: {  	[tilespmem:s26], [sflag:$0x1] =	stream.indirect.gather [hbm4b:s4+s25], $0x80, s23, s25, $0xb8;
	[tilespmem:$0x1FC80] =	vst v63  }
0x9f: {  	s7 =	sadd.s32 $0x180, s7;
	s15 =	sadd.s32 s16, s21;
	s16 =	sadd.s32 $0x30, s16  }
0xa0: {  	[tilespmem:s28], [sflag:$0x7] =	stream.linear.gather [hbm4b:s15+s2], $0x80, $0x38;
	[tilespmem:$0x1FC80] =	vst v63  }
.LBB2_5:
0xa1: {  	_ =	sfence.sel $0x180000  }
0xa2: {  	[bflag:$0x0] =	sbarrier.arrive $0xFFFF  }
0xa3: {  	_ =	strace $0x90000047  }
0xa4: {  	s0 =	stileid.u32;
	[bflag:$0x2] =	sbarrier.arrive $0xFFFF  }
0xa5: {  	p0 =	sne.s32 s0, $0x0;
	s0 =	rddreg [dreg:$0x2]  }
0xa6: {  	s0 =	sadd.s32 @!p0 $0x100000, s0  }
0xa7: {  	[sflag:s0] =	ssyncadd.tile.s32 @!p0 $0x1;
	_ =	shalt  }
.Lfunc_end2:
_tile_overlayer_lowered:
.L_overlay_start_2:
0xa8: {  	(tag) =	ssettag $0x2  }
0xa9: {  	s0 =	rddreg [dreg:$0x0];
	s2 =	stileid.u32  }
0xaa: {  	s1 =	rddreg [dreg:$0x1];
	p0 =	sne.s32 s2, $0x0  }
0xab: {  	s3 =	rddreg [dreg:$0x2];
	[bflag:$0x3] =	sbarrier.arrive $0xFFFF;
	s2 =	simm.s32 @!p0 $0x1C09  }
0xac: {  	[timem:s3], [sflag:s2] =	dma.local @!p0 [hbm:s0], s1  }
0xad: {  	s0 =	simm.s32 @!p0 $0x9  }
0xae: {  	_ =	swait.ge @!p0 [sflag:s0], s1  }
0xaf: {  	s1 =	ssub.s32 @!p0 $0x0, s1;
	[sflag:s0] =	ssyncset.done @!p0 $0x0  }
0xb0: {  	[sflag:s0] =	ssyncadd.s32 @!p0 s1  }
0xb1: {  	[bflag:$0x3] =	sbarrier.arrive $0xFFFF  }
0xb2: {  	_ =	shalt  }

</sc_bundles>
